<compile_context>
chip_gen: v7x
topology: tpu7x:2x2x1
jax: 0.10.2.dev20260603
libtpu: 0.0.44.dev20260713+nightly
codegen_flags: <defaults>
</compile_context>

<pallas_src>
import functools

import jax
import jax.numpy as jnp
from jax import lax
from jax.experimental import pallas as pl
from jax.experimental.pallas import tpu as pltpu
from jax.experimental.pallas import tpu_sc as plsc

_N_E_S = 512
_N_E_T = 128
_DS = 1024
_DT = 4
_TN = 1536
_B = 4
_N = 3072


def _vq_tc_body(oh_ref, x_ref, cbs_ref, cbt_ref, idxs_ref, idxt_ref, loss_ref):
    b = pl.program_id(0)
    zs = x_ref[0, 0:_DS, :]
    zt = x_ref[0, _DS:_DS + _DT, :]
    cb = cbs_ref[...]

    m = jax.lax.dot_general(cb, zs, (((1,), (0,)), ((), ())))
    zsq = jnp.sum(zs * zs, axis=0, keepdims=True)
    csq = jnp.sum(cb * cb, axis=1, keepdims=True)
    d = (zsq - 2.0 * m) + csq
    minv = jnp.min(d, axis=0, keepdims=True)
    iota = jax.lax.broadcasted_iota(jnp.int32, (_N_E_S, _TN), 0)
    idx = jnp.min(jnp.where(d == minv, iota, _N_E_S), axis=0)

    ct = (oh_ref[b, 0] * cbt_ref[0] + oh_ref[b, 1] * cbt_ref[1]
          + oh_ref[b, 2] * cbt_ref[2] + oh_ref[b, 3] * cbt_ref[3])
    mt = jax.lax.dot_general(ct, zt, (((1,), (0,)), ((), ())))
    ztsq = jnp.sum(zt * zt, axis=0, keepdims=True)
    ctsq = jnp.sum(ct * ct, axis=1, keepdims=True)
    dt = (ztsq - 2.0 * mt) + ctsq
    minvt = jnp.min(dt, axis=0, keepdims=True)
    iota_t = jax.lax.broadcasted_iota(jnp.int32, (_N_E_T, _TN), 0)
    idxt = jnp.min(jnp.where(dt == minvt, iota_t, _N_E_T), axis=0)

    idxs_ref[0, 0, :] = idx
    idxt_ref[0, 0, :] = idxt
    loss_ref[...] = (jnp.sum(minv) + jnp.sum(minvt)).reshape(1, 1, 1, 1)


def _vq_tc(one_hot, xr, codebook_shared, codebook_task):
    B, C, N = xr.shape
    nt = N // _TN
    grid = (B, nt)
    out_shape = [
        jax.ShapeDtypeStruct((B, 1, N), jnp.int32),
        jax.ShapeDtypeStruct((B, 1, N), jnp.int32),
        jax.ShapeDtypeStruct((B, nt, 1, 1), jnp.float32),
    ]
    in_specs = [
        pl.BlockSpec(memory_space=pltpu.SMEM),
        pl.BlockSpec((1, C, _TN), lambda b, t: (b, 0, t)),
        pl.BlockSpec((_N_E_S, _DS), lambda b, t: (0, 0)),
        pl.BlockSpec((4, _N_E_T, _DT), lambda b, t: (0, 0, 0)),
    ]
    out_specs = [
        pl.BlockSpec((1, 1, _TN), lambda b, t: (b, 0, t)),
        pl.BlockSpec((1, 1, _TN), lambda b, t: (b, 0, t)),
        pl.BlockSpec((1, 1, 1, 1), lambda b, t: (b, t, 0, 0)),
    ]
    return pl.pallas_call(
        _vq_tc_body,
        grid=grid,
        in_specs=in_specs,
        out_specs=out_specs,
        out_shape=out_shape,
        compiler_params=pltpu.CompilerParams(
            dimension_semantics=("parallel", "parallel"),
        ),
    )(one_hot, xr, codebook_shared, codebook_task)


_CPW = 32
_RB = 16


def _sc_gather_body(cbt_hbm, ctt_hbm, idxs_hbm, idxt_hbm, out_hbm,
                    idx_v, tables_v, rows_v, ttable_v):
    info = plsc.get_sparse_core_info()
    nc = info.num_cores
    wid = lax.axis_index("s") * nc + lax.axis_index("c")
    n_tok = _N // 16

    pltpu.sync_copy(cbt_hbm.at[pl.ds(wid * _CPW, _CPW)], tables_v)

    for b in range(_B):
        pltpu.sync_copy(idxs_hbm.at[b], idx_v)
        for half in range(_CPW // _RB):

            @plsc.parallel_loop(0, _RB * n_tok, unroll=8)
            def _(t, half=half):
                j = t // n_tok
                i = t - j * n_tok
                sl = pl.ds(i * 16, 16)
                jv = jnp.full((16,), half * _RB + j, jnp.int32)
                rows_v[j, sl] = plsc.load_gather(tables_v, [jv, idx_v[sl]])

            pltpu.sync_copy(
                rows_v, out_hbm.at[b, pl.ds(wid * _CPW + half * _RB, _RB)])

    @pl.when(wid < _B * _DT)
    def _():
        b2 = wid // _DT
        dd = wid % _DT
        pltpu.sync_copy(idxt_hbm.at[b2], idx_v)
        pltpu.sync_copy(ctt_hbm.at[b2, dd], ttable_v)

        @plsc.parallel_loop(0, n_tok, unroll=8)
        def _(i):
            sl = pl.ds(i * 16, 16)
            rows_v[0, sl] = plsc.load_gather(ttable_v, [idx_v[sl]])

        pltpu.sync_copy(rows_v.at[0], out_hbm.at[b2, _DS + dd])


def _sc_gather(cbT, ctT, idx_s, idx_t):
    mesh = plsc.VectorSubcoreMesh(core_axis_name="c", subcore_axis_name="s")
    k = functools.partial(
        pl.kernel,
        out_type=jax.ShapeDtypeStruct((_B, _DS + _DT, _N), jnp.float32),
        mesh=mesh,
        compiler_params=pltpu.CompilerParams(needs_layout_passes=False),
        scratch_types=[
            pltpu.VMEM((_N,), jnp.int32),
            pltpu.VMEM((_CPW, _N_E_S), jnp.float32),
            pltpu.VMEM((_RB, _N), jnp.float32),
            pltpu.VMEM((_N_E_T,), jnp.float32),
        ],
    )(_sc_gather_body)
    return k(cbT, ctT, idx_s, idx_t)


def kernel(x, one_hot, codebook_shared, codebook_task):
    B, C, D, H, W = x.shape
    N = D * H * W
    xr = x.reshape(B, C, N)

    idxs, idxt, lossp = _vq_tc(one_hot, xr, codebook_shared, codebook_task)
    idx_s = idxs.reshape(B, N)
    idx_t = idxt.reshape(B, N)

    cbT = jnp.transpose(codebook_shared)
    task_idx = jnp.argmax(one_hot, axis=1)
    ctT = jnp.transpose(codebook_task[task_idx], (0, 2, 1))

    out = _sc_gather(cbT, ctT, idx_s, idx_t)

    zq_fold = out.reshape(B, C, D, H, W)
    codebook_loss = 1.25 * jnp.sum(lossp) / (B * N * C)
    return zq_fold, codebook_loss, idx_s, idx_t

# --- scband reference (transcript-rebuilt; emitter-appended) ---
"""Pipeline reference for scband-vqmodule-13108240187578 (READ-ONLY COPY).

The authoritative reference and input builder live on the scoring server;
editing this copy changes nothing except your own understanding.
"""

import jax, jax.numpy as jnp
import numpy as np

N_E_SHARED = 512
N_E_TASK = 128
E_DIM_SHARED = 1024
E_DIM_TASK = 4
DEPTH = 3
NUM_TASKS = 4


def setup_inputs(seed: int = 0) -> dict:
    key = jax.random.key(seed)
    k1, k2, k3, k4 = jax.random.split(key, 4)
    B, H, W = 4, 32, 32
    C = E_DIM_SHARED + E_DIM_TASK
    x = jax.random.normal(k1, (B, C, DEPTH, H, W), dtype=jnp.float32)
    task_ids = jax.random.randint(k2, (B,), 0, NUM_TASKS)
    one_hot = jax.nn.one_hot(task_ids, NUM_TASKS, dtype=jnp.float32)
    codebook_shared = jax.random.normal(k3, (N_E_SHARED, E_DIM_SHARED), dtype=jnp.float32) * (1.0 / N_E_SHARED)
    codebook_task = jax.random.normal(k4, (NUM_TASKS, N_E_TASK, E_DIM_TASK), dtype=jnp.float32) * (1.0 / N_E_TASK)
    return {"x": x, "one_hot": one_hot, "codebook_shared": codebook_shared, "codebook_task": codebook_task}


def reference(x, one_hot, codebook_shared, codebook_task):
    # Shared + task-specific 3D vector quantizer.
    B, C, D, H, W = x.shape
    # unfold: (B, C, D, H, W) -> (B, N, C) with N = D*H*W
    z_flat = jnp.transpose(x, (0, 2, 3, 4, 1)).reshape(B, -1, C)
    z_shared = z_flat[..., :E_DIM_SHARED]           # (B, N, ds)
    z_task = z_flat[..., E_DIM_SHARED:]             # (B, N, dt)

    # ---- shared codebook quantization ----
    zs = z_shared.reshape(-1, E_DIM_SHARED)
    d_s = (jnp.sum(zs ** 2, axis=1, keepdims=True)
           - 2.0 * zs @ codebook_shared.T
           + jnp.sum(codebook_shared ** 2, axis=1)[None, :])
    idx_s = jnp.argmin(d_s, axis=1)                  # (B*N,)
    zq_s = jnp.take(codebook_shared, idx_s, axis=0).reshape(B, -1, E_DIM_SHARED)

    # ---- task-specific codebook quantization (codebook selected by one_hot) ----
    task_idx = jnp.argmax(one_hot, axis=1)           # (B,)
    cb_b = jnp.take(codebook_task, task_idx, axis=0)  # (B, K, dt)
    d_t = (jnp.sum(z_task ** 2, axis=-1, keepdims=True)
           - 2.0 * jnp.einsum('bnd,bkd->bnk', z_task, cb_b)
           + jnp.sum(cb_b ** 2, axis=-1)[:, None, :])
    idx_t = jnp.argmin(d_t, axis=-1)                 # (B, N)
    zq_t = cb_b[jnp.arange(B)[:, None], idx_t]       # (B, N, dt)

    zq = jnp.concatenate([zq_s, zq_t], axis=-1)      # (B, N, C)

    # VQ-VAE codebook + commitment loss
    codebook_loss = (jnp.mean((jax.lax.stop_gradient(z_flat) - zq) ** 2)
                     + 0.25 * jnp.mean((z_flat - jax.lax.stop_gradient(zq)) ** 2))

    # straight-through estimator
    zq_st = z_flat + jax.lax.stop_gradient(zq - z_flat)

    # fold: (B, N, C) -> (B, C, D, H, W)
    zq_fold = jnp.transpose(zq_st.reshape(B, D, H, W, C), (0, 4, 1, 2, 3))
    return zq_fold, codebook_loss, idx_s.reshape(B, -1), idx_t

if __name__ == "__main__":
    import jax
    _d = setup_inputs()
    print(jax.jit(kernel)(*tuple(_d.values())))

</pallas_src>

<mosaic_0001>
#map = affine_map<(d0, d1) -> (0, 0)>
#map1 = affine_map<(d0, d1) -> (0, 0, 0)>
module attributes {stable_mosaic.version = 14 : i64} {
  func.func @_sc_gather_body(%arg0: i32, %arg1: i32, %arg2: memref<1024x512xf32, #tpu.memory_space<hbm>>, %arg3: memref<4x4x128xf32, #tpu.memory_space<hbm>>, %arg4: memref<4x3072xi32, #tpu.memory_space<hbm>>, %arg5: memref<4x3072xi32, #tpu.memory_space<hbm>>, %arg6: memref<4x1028x3072xf32, #tpu.memory_space<hbm>>, %arg7: memref<3072xi32, #tpu.memory_space<vmem>>, %arg8: memref<32x512xf32, #tpu.memory_space<vmem>>, %arg9: memref<16x3072xf32, #tpu.memory_space<vmem>>, %arg10: memref<128xf32, #tpu.memory_space<vmem>>) attributes {dimension_semantics = [#tpu.dimension_semantics<core_parallel>, #tpu.dimension_semantics<subcore_parallel>], iteration_bounds = array<i64: 2, 16>, scalar_prefetch = 0 : i64, scratch_operands = 4 : i64, tpu.core_type = #tpu.core_type<sc_vector_subcore>, window_params = [{transform_indices = #map}, {transform_indices = #map1}, {transform_indices = #map}, {transform_indices = #map}, {transform_indices = #map1}]} {
    %mul3A = arith.constant 2 : i32
    %mul3A_0 = arith.muli %arg1, %mul3A : i32
    %add3A = arith.addi %mul3A_0, %arg0 : i32
    %mul3A_1 = arith.constant 32 : i32
    %mul3A_2 = arith.muli %add3A, %mul3A_1 : i32
    "tpu.region"() ({
      %run_scoped3A_71 = tpu.sem_alloc : memref<!tpu.dma_semaphore, #tpu.memory_space<semaphore_mem>>
      %dma_start3A = arith.constant 0 : i32
      %dma_start3A_72 = tpu.memref_slice %arg2[%mul3A_2, %dma_start3A] : memref<1024x512xf32, #tpu.memory_space<hbm>> -> memref<32x512xf32, #tpu.memory_space<hbm>>
      %dma_start3A_73 = arith.constant 0 : i32
      %dma_start3A_74 = tpu.memref_slice %arg2[%mul3A_2, %dma_start3A_73] : memref<1024x512xf32, #tpu.memory_space<hbm>> -> memref<32x512xf32, #tpu.memory_space<hbm>>
      tpu.enqueue_dma source(%dma_start3A_74 : memref<32x512xf32, #tpu.memory_space<hbm>>) target(%arg8 : memref<32x512xf32, #tpu.memory_space<vmem>>) target_semaphore(%run_scoped3A_71 : memref<!tpu.dma_semaphore, #tpu.memory_space<semaphore_mem>>)
      %dma_wait3A = arith.constant 0 : i32
      %dma_wait3A_75 = tpu.memref_slice %arg2[%mul3A_2, %dma_wait3A] : memref<1024x512xf32, #tpu.memory_space<hbm>> -> memref<32x512xf32, #tpu.memory_space<hbm>>
      %dma_wait3A_76 = arith.constant 0 : i32
      %dma_wait3A_77 = tpu.memref_slice %arg2[%mul3A_2, %dma_wait3A_76] : memref<1024x512xf32, #tpu.memory_space<hbm>> -> memref<32x512xf32, #tpu.memory_space<hbm>>
      tpu.wait_dma2 semaphore(%run_scoped3A_71 : memref<!tpu.dma_semaphore, #tpu.memory_space<semaphore_mem>>) src(%dma_wait3A_77 : memref<32x512xf32, #tpu.memory_space<hbm>>) dst(%arg8 : memref<32x512xf32, #tpu.memory_space<vmem>>)
      tpu.yield
    }) : () -> ()
    %run_scoped3A = arith.constant 0 : i32
    "tpu.region"() ({
      %run_scoped3A_71 = tpu.sem_alloc : memref<!tpu.dma_semaphore, #tpu.memory_space<semaphore_mem>>
      %dma_start3A = arith.constant 0 : i32
      %dma_start3A_72 = tpu.memref_slice %arg4[%run_scoped3A, %dma_start3A] : memref<4x3072xi32, #tpu.memory_space<hbm>> -> memref<1x3072xi32, #tpu.memory_space<hbm>>
      %dma_start3A_73 = tpu.memref_squeeze %dma_start3A_72 : memref<1x3072xi32, #tpu.memory_space<hbm>> -> memref<3072xi32, #tpu.memory_space<hbm>>
      %dma_start3A_74 = arith.constant 0 : i32
      %dma_start3A_75 = tpu.memref_slice %arg4[%run_scoped3A, %dma_start3A_74] : memref<4x3072xi32, #tpu.memory_space<hbm>> -> memref<1x3072xi32, #tpu.memory_space<hbm>>
      %dma_start3A_76 = tpu.memref_squeeze %dma_start3A_75 : memref<1x3072xi32, #tpu.memory_space<hbm>> -> memref<3072xi32, #tpu.memory_space<hbm>>
      tpu.enqueue_dma source(%dma_start3A_76 : memref<3072xi32, #tpu.memory_space<hbm>>) target(%arg7 : memref<3072xi32, #tpu.memory_space<vmem>>) target_semaphore(%run_scoped3A_71 : memref<!tpu.dma_semaphore, #tpu.memory_space<semaphore_mem>>)
      %dma_wait3A = arith.constant 0 : i32
      %dma_wait3A_77 = tpu.memref_slice %arg4[%run_scoped3A, %dma_wait3A] : memref<4x3072xi32, #tpu.memory_space<hbm>> -> memref<1x3072xi32, #tpu.memory_space<hbm>>
      %dma_wait3A_78 = tpu.memref_squeeze %dma_wait3A_77 : memref<1x3072xi32, #tpu.memory_space<hbm>> -> memref<3072xi32, #tpu.memory_space<hbm>>
      %dma_wait3A_79 = arith.constant 0 : i32
      %dma_wait3A_80 = tpu.memref_slice %arg4[%run_scoped3A, %dma_wait3A_79] : memref<4x3072xi32, #tpu.memory_space<hbm>> -> memref<1x3072xi32, #tpu.memory_space<hbm>>
      %dma_wait3A_81 = tpu.memref_squeeze %dma_wait3A_80 : memref<1x3072xi32, #tpu.memory_space<hbm>> -> memref<3072xi32, #tpu.memory_space<hbm>>
      tpu.wait_dma2 semaphore(%run_scoped3A_71 : memref<!tpu.dma_semaphore, #tpu.memory_space<semaphore_mem>>) src(%dma_wait3A_81 : memref<3072xi32, #tpu.memory_space<hbm>>) dst(%arg7 : memref<3072xi32, #tpu.memory_space<vmem>>)
      tpu.yield
    }) : () -> ()
    %parallel_loop3A = arith.constant 0 : i32
    %parallel_loop3A_3 = arith.constant 3072 : i32
    %parallel_loop3A_4 = arith.constant 1 : i32
    scf.for %parallel_loop3A_71 = %parallel_loop3A to %parallel_loop3A_3 step %parallel_loop3A_4  : i32 {
      %parallel_loop3A_72 = arith.constant 192 : i32
      %parallel_loop3A_73 = arith.divsi %parallel_loop3A_71, %parallel_loop3A_72 : i32
      %parallel_loop3A_74 = arith.constant 0 : i32
      %parallel_loop3A_75 = arith.cmpi sgt, %parallel_loop3A_71, %parallel_loop3A_74 : i32
      %parallel_loop3A_76 = arith.extui %parallel_loop3A_75 : i1 to i32
      %parallel_loop3A_77 = arith.constant 0 : i32
      %parallel_loop3A_78 = arith.cmpi slt, %parallel_loop3A_71, %parallel_loop3A_77 : i32
      %parallel_loop3A_79 = arith.extui %parallel_loop3A_78 : i1 to i32
      %parallel_loop3A_80 = arith.subi %parallel_loop3A_76, %parallel_loop3A_79 : i32
      %parallel_loop3A_81 = arith.constant 0 : i32
      %parallel_loop3A_82 = arith.cmpi sgt, %parallel_loop3A_72, %parallel_loop3A_81 : i32
      %parallel_loop3A_83 = arith.extui %parallel_loop3A_82 : i1 to i32
      %parallel_loop3A_84 = arith.constant 0 : i32
      %parallel_loop3A_85 = arith.cmpi slt, %parallel_loop3A_72, %parallel_loop3A_84 : i32
      %parallel_loop3A_86 = arith.extui %parallel_loop3A_85 : i1 to i32
      %parallel_loop3A_87 = arith.subi %parallel_loop3A_83, %parallel_loop3A_86 : i32
      %parallel_loop3A_88 = arith.cmpi ne, %parallel_loop3A_80, %parallel_loop3A_87 : i32
      %parallel_loop3A_89 = arith.remsi %parallel_loop3A_71, %parallel_loop3A_72 : i32
      %parallel_loop3A_90 = arith.constant 0 : i32
      %parallel_loop3A_91 = arith.cmpi ne, %parallel_loop3A_89, %parallel_loop3A_90 : i32
      %parallel_loop3A_92 = arith.andi %parallel_loop3A_88, %parallel_loop3A_91 : i1
      %parallel_loop3A_93 = arith.constant 1 : i32
      %parallel_loop3A_94 = arith.subi %parallel_loop3A_73, %parallel_loop3A_93 : i32
      %parallel_loop3A_95 = arith.select %parallel_loop3A_92, %parallel_loop3A_94, %parallel_loop3A_73 : i32
      %parallel_loop3A_96 = arith.constant 192 : i32
      %parallel_loop3A_97 = arith.muli %parallel_loop3A_95, %parallel_loop3A_96 : i32
      %parallel_loop3A_98 = arith.subi %parallel_loop3A_71, %parallel_loop3A_97 : i32
      %parallel_loop3A_99 = arith.constant 16 : i32
      %parallel_loop3A_100 = arith.muli %parallel_loop3A_98, %parallel_loop3A_99 : i32
      %parallel_loop3A_101 = arith.constant 0 : i32
      %parallel_loop3A_102 = arith.addi %parallel_loop3A_101, %parallel_loop3A_95 : i32
      %parallel_loop3A_103 = vector.broadcast %parallel_loop3A_102 : i32 to vector<16xi32>
      %parallel_loop3A_104 = arith.index_cast %parallel_loop3A_100 : i32 to index
      %parallel_loop3A_105 = tpu.vector_load %arg7[%parallel_loop3A_104] {strides = array<i32>} : memref<3072xi32, #tpu.memory_space<vmem>>, vector<16xi32>,
      %parallel_loop3A_106 = tpu.vector_load_idx %arg8[%parallel_loop3A_103, %parallel_loop3A_105] : memref<32x512xf32, #tpu.memory_space<vmem>>[vector<16xi32>, vector<16xi32>], vector<16xf32>,
      %parallel_loop3A_107 = arith.index_cast %parallel_loop3A_95 : i32 to index
      %parallel_loop3A_108 = arith.index_cast %parallel_loop3A_100 : i32 to index
      %parallel_loop3A_109 = tpu.vector_load %arg9[%parallel_loop3A_107, %parallel_loop3A_108] {strides = array<i32>} : memref<16x3072xf32, #tpu.memory_space<vmem>>, vector<16xf32>,
      tpu.vector_store %arg9[%parallel_loop3A_107, %parallel_loop3A_108], %parallel_loop3A_106 {strides = array<i32>} : memref<16x3072xf32, #tpu.memory_space<vmem>>, vector<16xf32>,
    } {sc.loop_unroll_factor = 8 : i64, sc.parallel_access}
    %mul3A_5 = arith.constant 32 : i32
    %mul3A_6 = arith.muli %add3A, %mul3A_5 : i32
    %add3A_7 = arith.constant 0 : i32
    %add3A_8 = arith.addi %mul3A_6, %add3A_7 : i32
    %run_scoped3A_9 = arith.constant 0 : i32
    "tpu.region"() ({
      %run_scoped3A_71 = tpu.sem_alloc : memref<!tpu.dma_semaphore, #tpu.memory_space<semaphore_mem>>
      %dma_start3A = arith.constant 0 : i32
      %dma_start3A_72 = tpu.memref_slice %arg6[%run_scoped3A_9, %add3A_8, %dma_start3A] : memref<4x1028x3072xf32, #tpu.memory_space<hbm>> -> memref<1x16x3072xf32, #tpu.memory_space<hbm>>
      %dma_start3A_73 = tpu.memref_squeeze %dma_start3A_72 : memref<1x16x3072xf32, #tpu.memory_space<hbm>> -> memref<16x3072xf32, #tpu.memory_space<hbm>>
      %dma_start3A_74 = arith.constant 0 : i32
      %dma_start3A_75 = tpu.memref_slice %arg6[%run_scoped3A_9, %add3A_8, %dma_start3A_74] : memref<4x1028x3072xf32, #tpu.memory_space<hbm>> -> memref<1x16x3072xf32, #tpu.memory_space<hbm>>
      %dma_start3A_76 = tpu.memref_squeeze %dma_start3A_75 : memref<1x16x3072xf32, #tpu.memory_space<hbm>> -> memref<16x3072xf32, #tpu.memory_space<hbm>>
      tpu.enqueue_dma source(%arg9 : memref<16x3072xf32, #tpu.memory_space<vmem>>) target(%dma_start3A_76 : memref<16x3072xf32, #tpu.memory_space<hbm>>) target_semaphore(%run_scoped3A_71 : memref<!tpu.dma_semaphore, #tpu.memory_space<semaphore_mem>>)
      %dma_wait3A = arith.constant 0 : i32
      %dma_wait3A_77 = tpu.memref_slice %arg6[%run_scoped3A_9, %add3A_8, %dma_wait3A] : memref<4x1028x3072xf32, #tpu.memory_space<hbm>> -> memref<1x16x3072xf32, #tpu.memory_space<hbm>>
      %dma_wait3A_78 = tpu.memref_squeeze %dma_wait3A_77 : memref<1x16x3072xf32, #tpu.memory_space<hbm>> -> memref<16x3072xf32, #tpu.memory_space<hbm>>
      %dma_wait3A_79 = arith.constant 0 : i32
      %dma_wait3A_80 = tpu.memref_slice %arg6[%run_scoped3A_9, %add3A_8, %dma_wait3A_79] : memref<4x1028x3072xf32, #tpu.memory_space<hbm>> -> memref<1x16x3072xf32, #tpu.memory_space<hbm>>
      %dma_wait3A_81 = tpu.memref_squeeze %dma_wait3A_80 : memref<1x16x3072xf32, #tpu.memory_space<hbm>> -> memref<16x3072xf32, #tpu.memory_space<hbm>>
      tpu.wait_dma2 semaphore(%run_scoped3A_71 : memref<!tpu.dma_semaphore, #tpu.memory_space<semaphore_mem>>) src(%arg9 : memref<16x3072xf32, #tpu.memory_space<vmem>>) dst(%dma_wait3A_81 : memref<16x3072xf32, #tpu.memory_space<hbm>>)
      tpu.yield
    }) : () -> ()
    %parallel_loop3A_10 = arith.constant 0 : i32
    %parallel_loop3A_11 = arith.constant 3072 : i32
    %parallel_loop3A_12 = arith.constant 1 : i32
    scf.for %parallel_loop3A_71 = %parallel_loop3A_10 to %parallel_loop3A_11 step %parallel_loop3A_12  : i32 {
      %parallel_loop3A_72 = arith.constant 192 : i32
      %parallel_loop3A_73 = arith.divsi %parallel_loop3A_71, %parallel_loop3A_72 : i32
      %parallel_loop3A_74 = arith.constant 0 : i32
      %parallel_loop3A_75 = arith.cmpi sgt, %parallel_loop3A_71, %parallel_loop3A_74 : i32
      %parallel_loop3A_76 = arith.extui %parallel_loop3A_75 : i1 to i32
      %parallel_loop3A_77 = arith.constant 0 : i32
      %parallel_loop3A_78 = arith.cmpi slt, %parallel_loop3A_71, %parallel_loop3A_77 : i32
      %parallel_loop3A_79 = arith.extui %parallel_loop3A_78 : i1 to i32
      %parallel_loop3A_80 = arith.subi %parallel_loop3A_76, %parallel_loop3A_79 : i32
      %parallel_loop3A_81 = arith.constant 0 : i32
      %parallel_loop3A_82 = arith.cmpi sgt, %parallel_loop3A_72, %parallel_loop3A_81 : i32
      %parallel_loop3A_83 = arith.extui %parallel_loop3A_82 : i1 to i32
      %parallel_loop3A_84 = arith.constant 0 : i32
      %parallel_loop3A_85 = arith.cmpi slt, %parallel_loop3A_72, %parallel_loop3A_84 : i32
      %parallel_loop3A_86 = arith.extui %parallel_loop3A_85 : i1 to i32
      %parallel_loop3A_87 = arith.subi %parallel_loop3A_83, %parallel_loop3A_86 : i32
      %parallel_loop3A_88 = arith.cmpi ne, %parallel_loop3A_80, %parallel_loop3A_87 : i32
      %parallel_loop3A_89 = arith.remsi %parallel_loop3A_71, %parallel_loop3A_72 : i32
      %parallel_loop3A_90 = arith.constant 0 : i32
      %parallel_loop3A_91 = arith.cmpi ne, %parallel_loop3A_89, %parallel_loop3A_90 : i32
      %parallel_loop3A_92 = arith.andi %parallel_loop3A_88, %parallel_loop3A_91 : i1
      %parallel_loop3A_93 = arith.constant 1 : i32
      %parallel_loop3A_94 = arith.subi %parallel_loop3A_73, %parallel_loop3A_93 : i32
      %parallel_loop3A_95 = arith.select %parallel_loop3A_92, %parallel_loop3A_94, %parallel_loop3A_73 : i32
      %parallel_loop3A_96 = arith.constant 192 : i32
      %parallel_loop3A_97 = arith.muli %parallel_loop3A_95, %parallel_loop3A_96 : i32
      %parallel_loop3A_98 = arith.subi %parallel_loop3A_71, %parallel_loop3A_97 : i32
      %parallel_loop3A_99 = arith.constant 16 : i32
      %parallel_loop3A_100 = arith.muli %parallel_loop3A_98, %parallel_loop3A_99 : i32
      %parallel_loop3A_101 = arith.constant 16 : i32
      %parallel_loop3A_102 = arith.addi %parallel_loop3A_101, %parallel_loop3A_95 : i32
      %parallel_loop3A_103 = vector.broadcast %parallel_loop3A_102 : i32 to vector<16xi32>
      %parallel_loop3A_104 = arith.index_cast %parallel_loop3A_100 : i32 to index
      %parallel_loop3A_105 = tpu.vector_load %arg7[%parallel_loop3A_104] {strides = array<i32>} : memref<3072xi32, #tpu.memory_space<vmem>>, vector<16xi32>,
      %parallel_loop3A_106 = tpu.vector_load_idx %arg8[%parallel_loop3A_103, %parallel_loop3A_105] : memref<32x512xf32, #tpu.memory_space<vmem>>[vector<16xi32>, vector<16xi32>], vector<16xf32>,
      %parallel_loop3A_107 = arith.index_cast %parallel_loop3A_95 : i32 to index
      %parallel_loop3A_108 = arith.index_cast %parallel_loop3A_100 : i32 to index
      %parallel_loop3A_109 = tpu.vector_load %arg9[%parallel_loop3A_107, %parallel_loop3A_108] {strides = array<i32>} : memref<16x3072xf32, #tpu.memory_space<vmem>>, vector<16xf32>,
      tpu.vector_store %arg9[%parallel_loop3A_107, %parallel_loop3A_108], %parallel_loop3A_106 {strides = array<i32>} : memref<16x3072xf32, #tpu.memory_space<vmem>>, vector<16xf32>,
    } {sc.loop_unroll_factor = 8 : i64, sc.parallel_access}
    %mul3A_13 = arith.constant 32 : i32
    %mul3A_14 = arith.muli %add3A, %mul3A_13 : i32
    %add3A_15 = arith.constant 16 : i32
    %add3A_16 = arith.addi %mul3A_14, %add3A_15 : i32
    %run_scoped3A_17 = arith.constant 0 : i32
    "tpu.region"() ({
      %run_scoped3A_71 = tpu.sem_alloc : memref<!tpu.dma_semaphore, #tpu.memory_space<semaphore_mem>>
      %dma_start3A = arith.constant 0 : i32
      %dma_start3A_72 = tpu.memref_slice %arg6[%run_scoped3A_17, %add3A_16, %dma_start3A] : memref<4x1028x3072xf32, #tpu.memory_space<hbm>> -> memref<1x16x3072xf32, #tpu.memory_space<hbm>>
      %dma_start3A_73 = tpu.memref_squeeze %dma_start3A_72 : memref<1x16x3072xf32, #tpu.memory_space<hbm>> -> memref<16x3072xf32, #tpu.memory_space<hbm>>
      %dma_start3A_74 = arith.constant 0 : i32
      %dma_start3A_75 = tpu.memref_slice %arg6[%run_scoped3A_17, %add3A_16, %dma_start3A_74] : memref<4x1028x3072xf32, #tpu.memory_space<hbm>> -> memref<1x16x3072xf32, #tpu.memory_space<hbm>>
      %dma_start3A_76 = tpu.memref_squeeze %dma_start3A_75 : memref<1x16x3072xf32, #tpu.memory_space<hbm>> -> memref<16x3072xf32, #tpu.memory_space<hbm>>
      tpu.enqueue_dma source(%arg9 : memref<16x3072xf32, #tpu.memory_space<vmem>>) target(%dma_start3A_76 : memref<16x3072xf32, #tpu.memory_space<hbm>>) target_semaphore(%run_scoped3A_71 : memref<!tpu.dma_semaphore, #tpu.memory_space<semaphore_mem>>)
      %dma_wait3A = arith.constant 0 : i32
      %dma_wait3A_77 = tpu.memref_slice %arg6[%run_scoped3A_17, %add3A_16, %dma_wait3A] : memref<4x1028x3072xf32, #tpu.memory_space<hbm>> -> memref<1x16x3072xf32, #tpu.memory_space<hbm>>
      %dma_wait3A_78 = tpu.memref_squeeze %dma_wait3A_77 : memref<1x16x3072xf32, #tpu.memory_space<hbm>> -> memref<16x3072xf32, #tpu.memory_space<hbm>>
      %dma_wait3A_79 = arith.constant 0 : i32
      %dma_wait3A_80 = tpu.memref_slice %arg6[%run_scoped3A_17, %add3A_16, %dma_wait3A_79] : memref<4x1028x3072xf32, #tpu.memory_space<hbm>> -> memref<1x16x3072xf32, #tpu.memory_space<hbm>>
      %dma_wait3A_81 = tpu.memref_squeeze %dma_wait3A_80 : memref<1x16x3072xf32, #tpu.memory_space<hbm>> -> memref<16x3072xf32, #tpu.memory_space<hbm>>
      tpu.wait_dma2 semaphore(%run_scoped3A_71 : memref<!tpu.dma_semaphore, #tpu.memory_space<semaphore_mem>>) src(%arg9 : memref<16x3072xf32, #tpu.memory_space<vmem>>) dst(%dma_wait3A_81 : memref<16x3072xf32, #tpu.memory_space<hbm>>)
      tpu.yield
    }) : () -> ()
    %run_scoped3A_18 = arith.constant 1 : i32
    "tpu.region"() ({
      %run_scoped3A_71 = tpu.sem_alloc : memref<!tpu.dma_semaphore, #tpu.memory_space<semaphore_mem>>
      %dma_start3A = arith.constant 0 : i32
      %dma_start3A_72 = tpu.memref_slice %arg4[%run_scoped3A_18, %dma_start3A] : memref<4x3072xi32, #tpu.memory_space<hbm>> -> memref<1x3072xi32, #tpu.memory_space<hbm>>
      %dma_start3A_73 = tpu.memref_squeeze %dma_start3A_72 : memref<1x3072xi32, #tpu.memory_space<hbm>> -> memref<3072xi32, #tpu.memory_space<hbm>>
      %dma_start3A_74 = arith.constant 0 : i32
      %dma_start3A_75 = tpu.memref_slice %arg4[%run_scoped3A_18, %dma_start3A_74] : memref<4x3072xi32, #tpu.memory_space<hbm>> -> memref<1x3072xi32, #tpu.memory_space<hbm>>
      %dma_start3A_76 = tpu.memref_squeeze %dma_start3A_75 : memref<1x3072xi32, #tpu.memory_space<hbm>> -> memref<3072xi32, #tpu.memory_space<hbm>>
      tpu.enqueue_dma source(%dma_start3A_76 : memref<3072xi32, #tpu.memory_space<hbm>>) target(%arg7 : memref<3072xi32, #tpu.memory_space<vmem>>) target_semaphore(%run_scoped3A_71 : memref<!tpu.dma_semaphore, #tpu.memory_space<semaphore_mem>>)
      %dma_wait3A = arith.constant 0 : i32
      %dma_wait3A_77 = tpu.memref_slice %arg4[%run_scoped3A_18, %dma_wait3A] : memref<4x3072xi32, #tpu.memory_space<hbm>> -> memref<1x3072xi32, #tpu.memory_space<hbm>>
      %dma_wait3A_78 = tpu.memref_squeeze %dma_wait3A_77 : memref<1x3072xi32, #tpu.memory_space<hbm>> -> memref<3072xi32, #tpu.memory_space<hbm>>
      %dma_wait3A_79 = arith.constant 0 : i32
      %dma_wait3A_80 = tpu.memref_slice %arg4[%run_scoped3A_18, %dma_wait3A_79] : memref<4x3072xi32, #tpu.memory_space<hbm>> -> memref<1x3072xi32, #tpu.memory_space<hbm>>
      %dma_wait3A_81 = tpu.memref_squeeze %dma_wait3A_80 : memref<1x3072xi32, #tpu.memory_space<hbm>> -> memref<3072xi32, #tpu.memory_space<hbm>>
      tpu.wait_dma2 semaphore(%run_scoped3A_71 : memref<!tpu.dma_semaphore, #tpu.memory_space<semaphore_mem>>) src(%dma_wait3A_81 : memref<3072xi32, #tpu.memory_space<hbm>>) dst(%arg7 : memref<3072xi32, #tpu.memory_space<vmem>>)
      tpu.yield
    }) : () -> ()
    %parallel_loop3A_19 = arith.constant 0 : i32
    %parallel_loop3A_20 = arith.constant 3072 : i32
    %parallel_loop3A_21 = arith.constant 1 : i32
    scf.for %parallel_loop3A_71 = %parallel_loop3A_19 to %parallel_loop3A_20 step %parallel_loop3A_21  : i32 {
      %parallel_loop3A_72 = arith.constant 192 : i32
      %parallel_loop3A_73 = arith.divsi %parallel_loop3A_71, %parallel_loop3A_72 : i32
      %parallel_loop3A_74 = arith.constant 0 : i32
      %parallel_loop3A_75 = arith.cmpi sgt, %parallel_loop3A_71, %parallel_loop3A_74 : i32
      %parallel_loop3A_76 = arith.extui %parallel_loop3A_75 : i1 to i32
      %parallel_loop3A_77 = arith.constant 0 : i32
      %parallel_loop3A_78 = arith.cmpi slt, %parallel_loop3A_71, %parallel_loop3A_77 : i32
      %parallel_loop3A_79 = arith.extui %parallel_loop3A_78 : i1 to i32
      %parallel_loop3A_80 = arith.subi %parallel_loop3A_76, %parallel_loop3A_79 : i32
      %parallel_loop3A_81 = arith.constant 0 : i32
      %parallel_loop3A_82 = arith.cmpi sgt, %parallel_loop3A_72, %parallel_loop3A_81 : i32
      %parallel_loop3A_83 = arith.extui %parallel_loop3A_82 : i1 to i32
      %parallel_loop3A_84 = arith.constant 0 : i32
      %parallel_loop3A_85 = arith.cmpi slt, %parallel_loop3A_72, %parallel_loop3A_84 : i32
      %parallel_loop3A_86 = arith.extui %parallel_loop3A_85 : i1 to i32
      %parallel_loop3A_87 = arith.subi %parallel_loop3A_83, %parallel_loop3A_86 : i32
      %parallel_loop3A_88 = arith.cmpi ne, %parallel_loop3A_80, %parallel_loop3A_87 : i32
      %parallel_loop3A_89 = arith.remsi %parallel_loop3A_71, %parallel_loop3A_72 : i32
      %parallel_loop3A_90 = arith.constant 0 : i32
      %parallel_loop3A_91 = arith.cmpi ne, %parallel_loop3A_89, %parallel_loop3A_90 : i32
      %parallel_loop3A_92 = arith.andi %parallel_loop3A_88, %parallel_loop3A_91 : i1
      %parallel_loop3A_93 = arith.constant 1 : i32
      %parallel_loop3A_94 = arith.subi %parallel_loop3A_73, %parallel_loop3A_93 : i32
      %parallel_loop3A_95 = arith.select %parallel_loop3A_92, %parallel_loop3A_94, %parallel_loop3A_73 : i32
      %parallel_loop3A_96 = arith.constant 192 : i32
      %parallel_loop3A_97 = arith.muli %parallel_loop3A_95, %parallel_loop3A_96 : i32
      %parallel_loop3A_98 = arith.subi %parallel_loop3A_71, %parallel_loop3A_97 : i32
      %parallel_loop3A_99 = arith.constant 16 : i32
      %parallel_loop3A_100 = arith.muli %parallel_loop3A_98, %parallel_loop3A_99 : i32
      %parallel_loop3A_101 = arith.constant 0 : i32
      %parallel_loop3A_102 = arith.addi %parallel_loop3A_101, %parallel_loop3A_95 : i32
      %parallel_loop3A_103 = vector.broadcast %parallel_loop3A_102 : i32 to vector<16xi32>
      %parallel_loop3A_104 = arith.index_cast %parallel_loop3A_100 : i32 to index
      %parallel_loop3A_105 = tpu.vector_load %arg7[%parallel_loop3A_104] {strides = array<i32>} : memref<3072xi32, #tpu.memory_space<vmem>>, vector<16xi32>,
      %parallel_loop3A_106 = tpu.vector_load_idx %arg8[%parallel_loop3A_103, %parallel_loop3A_105] : memref<32x512xf32, #tpu.memory_space<vmem>>[vector<16xi32>, vector<16xi32>], vector<16xf32>,
      %parallel_loop3A_107 = arith.index_cast %parallel_loop3A_95 : i32 to index
      %parallel_loop3A_108 = arith.index_cast %parallel_loop3A_100 : i32 to index
      %parallel_loop3A_109 = tpu.vector_load %arg9[%parallel_loop3A_107, %parallel_loop3A_108] {strides = array<i32>} : memref<16x3072xf32, #tpu.memory_space<vmem>>, vector<16xf32>,
      tpu.vector_store %arg9[%parallel_loop3A_107, %parallel_loop3A_108], %parallel_loop3A_106 {strides = array<i32>} : memref<16x3072xf32, #tpu.memory_space<vmem>>, vector<16xf32>,
    } {sc.loop_unroll_factor = 8 : i64, sc.parallel_access}
    %mul3A_22 = arith.constant 32 : i32
    %mul3A_23 = arith.muli %add3A, %mul3A_22 : i32
    %add3A_24 = arith.constant 0 : i32
    %add3A_25 = arith.addi %mul3A_23, %add3A_24 : i32
    %run_scoped3A_26 = arith.constant 1 : i32
    "tpu.region"() ({
      %run_scoped3A_71 = tpu.sem_alloc : memref<!tpu.dma_semaphore, #tpu.memory_space<semaphore_mem>>
      %dma_start3A = arith.constant 0 : i32
      %dma_start3A_72 = tpu.memref_slice %arg6[%run_scoped3A_26, %add3A_25, %dma_start3A] : memref<4x1028x3072xf32, #tpu.memory_space<hbm>> -> memref<1x16x3072xf32, #tpu.memory_space<hbm>>
      %dma_start3A_73 = tpu.memref_squeeze %dma_start3A_72 : memref<1x16x3072xf32, #tpu.memory_space<hbm>> -> memref<16x3072xf32, #tpu.memory_space<hbm>>
      %dma_start3A_74 = arith.constant 0 : i32
      %dma_start3A_75 = tpu.memref_slice %arg6[%run_scoped3A_26, %add3A_25, %dma_start3A_74] : memref<4x1028x3072xf32, #tpu.memory_space<hbm>> -> memref<1x16x3072xf32, #tpu.memory_space<hbm>>
      %dma_start3A_76 = tpu.memref_squeeze %dma_start3A_75 : memref<1x16x3072xf32, #tpu.memory_space<hbm>> -> memref<16x3072xf32, #tpu.memory_space<hbm>>
      tpu.enqueue_dma source(%arg9 : memref<16x3072xf32, #tpu.memory_space<vmem>>) target(%dma_start3A_76 : memref<16x3072xf32, #tpu.memory_space<hbm>>) target_semaphore(%run_scoped3A_71 : memref<!tpu.dma_semaphore, #tpu.memory_space<semaphore_mem>>)
      %dma_wait3A = arith.constant 0 : i32
      %dma_wait3A_77 = tpu.memref_slice %arg6[%run_scoped3A_26, %add3A_25, %dma_wait3A] : memref<4x1028x3072xf32, #tpu.memory_space<hbm>> -> memref<1x16x3072xf32, #tpu.memory_space<hbm>>
      %dma_wait3A_78 = tpu.memref_squeeze %dma_wait3A_77 : memref<1x16x3072xf32, #tpu.memory_space<hbm>> -> memref<16x3072xf32, #tpu.memory_space<hbm>>
      %dma_wait3A_79 = arith.constant 0 : i32
      %dma_wait3A_80 = tpu.memref_slice %arg6[%run_scoped3A_26, %add3A_25, %dma_wait3A_79] : memref<4x1028x3072xf32, #tpu.memory_space<hbm>> -> memref<1x16x3072xf32, #tpu.memory_space<hbm>>
      %dma_wait3A_81 = tpu.memref_squeeze %dma_wait3A_80 : memref<1x16x3072xf32, #tpu.memory_space<hbm>> -> memref<16x3072xf32, #tpu.memory_space<hbm>>
      tpu.wait_dma2 semaphore(%run_scoped3A_71 : memref<!tpu.dma_semaphore, #tpu.memory_space<semaphore_mem>>) src(%arg9 : memref<16x3072xf32, #tpu.memory_space<vmem>>) dst(%dma_wait3A_81 : memref<16x3072xf32, #tpu.memory_space<hbm>>)
      tpu.yield
    }) : () -> ()
    %parallel_loop3A_27 = arith.constant 0 : i32
    %parallel_loop3A_28 = arith.constant 3072 : i32
    %parallel_loop3A_29 = arith.constant 1 : i32
    scf.for %parallel_loop3A_71 = %parallel_loop3A_27 to %parallel_loop3A_28 step %parallel_loop3A_29  : i32 {
      %parallel_loop3A_72 = arith.constant 192 : i32
      %parallel_loop3A_73 = arith.divsi %parallel_loop3A_71, %parallel_loop3A_72 : i32
      %parallel_loop3A_74 = arith.constant 0 : i32
      %parallel_loop3A_75 = arith.cmpi sgt, %parallel_loop3A_71, %parallel_loop3A_74 : i32
      %parallel_loop3A_76 = arith.extui %parallel_loop3A_75 : i1 to i32
      %parallel_loop3A_77 = arith.constant 0 : i32
      %parallel_loop3A_78 = arith.cmpi slt, %parallel_loop3A_71, %parallel_loop3A_77 : i32
      %parallel_loop3A_79 = arith.extui %parallel_loop3A_78 : i1 to i32
      %parallel_loop3A_80 = arith.subi %parallel_loop3A_76, %parallel_loop3A_79 : i32
      %parallel_loop3A_81 = arith.constant 0 : i32
      %parallel_loop3A_82 = arith.cmpi sgt, %parallel_loop3A_72, %parallel_loop3A_81 : i32
      %parallel_loop3A_83 = arith.extui %parallel_loop3A_82 : i1 to i32
      %parallel_loop3A_84 = arith.constant 0 : i32
      %parallel_loop3A_85 = arith.cmpi slt, %parallel_loop3A_72, %parallel_loop3A_84 : i32
      %parallel_loop3A_86 = arith.extui %parallel_loop3A_85 : i1 to i32
      %parallel_loop3A_87 = arith.subi %parallel_loop3A_83, %parallel_loop3A_86 : i32
      %parallel_loop3A_88 = arith.cmpi ne, %parallel_loop3A_80, %parallel_loop3A_87 : i32
      %parallel_loop3A_89 = arith.remsi %parallel_loop3A_71, %parallel_loop3A_72 : i32
      %parallel_loop3A_90 = arith.constant 0 : i32
      %parallel_loop3A_91 = arith.cmpi ne, %parallel_loop3A_89, %parallel_loop3A_90 : i32
      %parallel_loop3A_92 = arith.andi %parallel_loop3A_88, %parallel_loop3A_91 : i1
      %parallel_loop3A_93 = arith.constant 1 : i32
      %parallel_loop3A_94 = arith.subi %parallel_loop3A_73, %parallel_loop3A_93 : i32
      %parallel_loop3A_95 = arith.select %parallel_loop3A_92, %parallel_loop3A_94, %parallel_loop3A_73 : i32
      %parallel_loop3A_96 = arith.constant 192 : i32
      %parallel_loop3A_97 = arith.muli %parallel_loop3A_95, %parallel_loop3A_96 : i32
      %parallel_loop3A_98 = arith.subi %parallel_loop3A_71, %parallel_loop3A_97 : i32
      %parallel_loop3A_99 = arith.constant 16 : i32
      %parallel_loop3A_100 = arith.muli %parallel_loop3A_98, %parallel_loop3A_99 : i32
      %parallel_loop3A_101 = arith.constant 16 : i32
      %parallel_loop3A_102 = arith.addi %parallel_loop3A_101, %parallel_loop3A_95 : i32
      %parallel_loop3A_103 = vector.broadcast %parallel_loop3A_102 : i32 to vector<16xi32>
      %parallel_loop3A_104 = arith.index_cast %parallel_loop3A_100 : i32 to index
      %parallel_loop3A_105 = tpu.vector_load %arg7[%parallel_loop3A_104] {strides = array<i32>} : memref<3072xi32, #tpu.memory_space<vmem>>, vector<16xi32>,
      %parallel_loop3A_106 = tpu.vector_load_idx %arg8[%parallel_loop3A_103, %parallel_loop3A_105] : memref<32x512xf32, #tpu.memory_space<vmem>>[vector<16xi32>, vector<16xi32>], vector<16xf32>,
      %parallel_loop3A_107 = arith.index_cast %parallel_loop3A_95 : i32 to index
      %parallel_loop3A_108 = arith.index_cast %parallel_loop3A_100 : i32 to index
      %parallel_loop3A_109 = tpu.vector_load %arg9[%parallel_loop3A_107, %parallel_loop3A_108] {strides = array<i32>} : memref<16x3072xf32, #tpu.memory_space<vmem>>, vector<16xf32>,
      tpu.vector_store %arg9[%parallel_loop3A_107, %parallel_loop3A_108], %parallel_loop3A_106 {strides = array<i32>} : memref<16x3072xf32, #tpu.memory_space<vmem>>, vector<16xf32>,
    } {sc.loop_unroll_factor = 8 : i64, sc.parallel_access}
    %mul3A_30 = arith.constant 32 : i32
    %mul3A_31 = arith.muli %add3A, %mul3A_30 : i32
    %add3A_32 = arith.constant 16 : i32
    %add3A_33 = arith.addi %mul3A_31, %add3A_32 : i32
    %run_scoped3A_34 = arith.constant 1 : i32
    "tpu.region"() ({
      %run_scoped3A_71 = tpu.sem_alloc : memref<!tpu.dma_semaphore, #tpu.memory_space<semaphore_mem>>
      %dma_start3A = arith.constant 0 : i32
      %dma_start3A_72 = tpu.memref_slice %arg6[%run_scoped3A_34, %add3A_33, %dma_start3A] : memref<4x1028x3072xf32, #tpu.memory_space<hbm>> -> memref<1x16x3072xf32, #tpu.memory_space<hbm>>
      %dma_start3A_73 = tpu.memref_squeeze %dma_start3A_72 : memref<1x16x3072xf32, #tpu.memory_space<hbm>> -> memref<16x3072xf32, #tpu.memory_space<hbm>>
      %dma_start3A_74 = arith.constant 0 : i32
      %dma_start3A_75 = tpu.memref_slice %arg6[%run_scoped3A_34, %add3A_33, %dma_start3A_74] : memref<4x1028x3072xf32, #tpu.memory_space<hbm>> -> memref<1x16x3072xf32, #tpu.memory_space<hbm>>
      %dma_start3A_76 = tpu.memref_squeeze %dma_start3A_75 : memref<1x16x3072xf32, #tpu.memory_space<hbm>> -> memref<16x3072xf32, #tpu.memory_space<hbm>>
      tpu.enqueue_dma source(%arg9 : memref<16x3072xf32, #tpu.memory_space<vmem>>) target(%dma_start3A_76 : memref<16x3072xf32, #tpu.memory_space<hbm>>) target_semaphore(%run_scoped3A_71 : memref<!tpu.dma_semaphore, #tpu.memory_space<semaphore_mem>>)
      %dma_wait3A = arith.constant 0 : i32
      %dma_wait3A_77 = tpu.memref_slice %arg6[%run_scoped3A_34, %add3A_33, %dma_wait3A] : memref<4x1028x3072xf32, #tpu.memory_space<hbm>> -> memref<1x16x3072xf32, #tpu.memory_space<hbm>>
      %dma_wait3A_78 = tpu.memref_squeeze %dma_wait3A_77 : memref<1x16x3072xf32, #tpu.memory_space<hbm>> -> memref<16x3072xf32, #tpu.memory_space<hbm>>
      %dma_wait3A_79 = arith.constant 0 : i32
      %dma_wait3A_80 = tpu.memref_slice %arg6[%run_scoped3A_34, %add3A_33, %dma_wait3A_79] : memref<4x1028x3072xf32, #tpu.memory_space<hbm>> -> memref<1x16x3072xf32, #tpu.memory_space<hbm>>
      %dma_wait3A_81 = tpu.memref_squeeze %dma_wait3A_80 : memref<1x16x3072xf32, #tpu.memory_space<hbm>> -> memref<16x3072xf32, #tpu.memory_space<hbm>>
      tpu.wait_dma2 semaphore(%run_scoped3A_71 : memref<!tpu.dma_semaphore, #tpu.memory_space<semaphore_mem>>) src(%arg9 : memref<16x3072xf32, #tpu.memory_space<vmem>>) dst(%dma_wait3A_81 : memref<16x3072xf32, #tpu.memory_space<hbm>>)
      tpu.yield
    }) : () -> ()
    %run_scoped3A_35 = arith.constant 2 : i32
    "tpu.region"() ({
      %run_scoped3A_71 = tpu.sem_alloc : memref<!tpu.dma_semaphore, #tpu.memory_space<semaphore_mem>>
      %dma_start3A = arith.constant 0 : i32
      %dma_start3A_72 = tpu.memref_slice %arg4[%run_scoped3A_35, %dma_start3A] : memref<4x3072xi32, #tpu.memory_space<hbm>> -> memref<1x3072xi32, #tpu.memory_space<hbm>>
      %dma_start3A_73 = tpu.memref_squeeze %dma_start3A_72 : memref<1x3072xi32, #tpu.memory_space<hbm>> -> memref<3072xi32, #tpu.memory_space<hbm>>
      %dma_start3A_74 = arith.constant 0 : i32
      %dma_start3A_75 = tpu.memref_slice %arg4[%run_scoped3A_35, %dma_start3A_74] : memref<4x3072xi32, #tpu.memory_space<hbm>> -> memref<1x3072xi32, #tpu.memory_space<hbm>>
      %dma_start3A_76 = tpu.memref_squeeze %dma_start3A_75 : memref<1x3072xi32, #tpu.memory_space<hbm>> -> memref<3072xi32, #tpu.memory_space<hbm>>
      tpu.enqueue_dma source(%dma_start3A_76 : memref<3072xi32, #tpu.memory_space<hbm>>) target(%arg7 : memref<3072xi32, #tpu.memory_space<vmem>>) target_semaphore(%run_scoped3A_71 : memref<!tpu.dma_semaphore, #tpu.memory_space<semaphore_mem>>)
      %dma_wait3A = arith.constant 0 : i32
      %dma_wait3A_77 = tpu.memref_slice %arg4[%run_scoped3A_35, %dma_wait3A] : memref<4x3072xi32, #tpu.memory_space<hbm>> -> memref<1x3072xi32, #tpu.memory_space<hbm>>
      %dma_wait3A_78 = tpu.memref_squeeze %dma_wait3A_77 : memref<1x3072xi32, #tpu.memory_space<hbm>> -> memref<3072xi32, #tpu.memory_space<hbm>>
      %dma_wait3A_79 = arith.constant 0 : i32
      %dma_wait3A_80 = tpu.memref_slice %arg4[%run_scoped3A_35, %dma_wait3A_79] : memref<4x3072xi32, #tpu.memory_space<hbm>> -> memref<1x3072xi32, #tpu.memory_space<hbm>>
      %dma_wait3A_81 = tpu.memref_squeeze %dma_wait3A_80 : memref<1x3072xi32, #tpu.memory_space<hbm>> -> memref<3072xi32, #tpu.memory_space<hbm>>
      tpu.wait_dma2 semaphore(%run_scoped3A_71 : memref<!tpu.dma_semaphore, #tpu.memory_space<semaphore_mem>>) src(%dma_wait3A_81 : memref<3072xi32, #tpu.memory_space<hbm>>) dst(%arg7 : memref<3072xi32, #tpu.memory_space<vmem>>)
      tpu.yield
    }) : () -> ()
    %parallel_loop3A_36 = arith.constant 0 : i32
    %parallel_loop3A_37 = arith.constant 3072 : i32
    %parallel_loop3A_38 = arith.constant 1 : i32
    scf.for %parallel_loop3A_71 = %parallel_loop3A_36 to %parallel_loop3A_37 step %parallel_loop3A_38  : i32 {
      %parallel_loop3A_72 = arith.constant 192 : i32
      %parallel_loop3A_73 = arith.divsi %parallel_loop3A_71, %parallel_loop3A_72 : i32
      %parallel_loop3A_74 = arith.constant 0 : i32
      %parallel_loop3A_75 = arith.cmpi sgt, %parallel_loop3A_71, %parallel_loop3A_74 : i32
      %parallel_loop3A_76 = arith.extui %parallel_loop3A_75 : i1 to i32
      %parallel_loop3A_77 = arith.constant 0 : i32
      %parallel_loop3A_78 = arith.cmpi slt, %parallel_loop3A_71, %parallel_loop3A_77 : i32
      %parallel_loop3A_79 = arith.extui %parallel_loop3A_78 : i1 to i32
      %parallel_loop3A_80 = arith.subi %parallel_loop3A_76, %parallel_loop3A_79 : i32
      %parallel_loop3A_81 = arith.constant 0 : i32
      %parallel_loop3A_82 = arith.cmpi sgt, %parallel_loop3A_72, %parallel_loop3A_81 : i32
      %parallel_loop3A_83 = arith.extui %parallel_loop3A_82 : i1 to i32
      %parallel_loop3A_84 = arith.constant 0 : i32
      %parallel_loop3A_85 = arith.cmpi slt, %parallel_loop3A_72, %parallel_loop3A_84 : i32
      %parallel_loop3A_86 = arith.extui %parallel_loop3A_85 : i1 to i32
      %parallel_loop3A_87 = arith.subi %parallel_loop3A_83, %parallel_loop3A_86 : i32
      %parallel_loop3A_88 = arith.cmpi ne, %parallel_loop3A_80, %parallel_loop3A_87 : i32
      %parallel_loop3A_89 = arith.remsi %parallel_loop3A_71, %parallel_loop3A_72 : i32
      %parallel_loop3A_90 = arith.constant 0 : i32
      %parallel_loop3A_91 = arith.cmpi ne, %parallel_loop3A_89, %parallel_loop3A_90 : i32
      %parallel_loop3A_92 = arith.andi %parallel_loop3A_88, %parallel_loop3A_91 : i1
      %parallel_loop3A_93 = arith.constant 1 : i32
      %parallel_loop3A_94 = arith.subi %parallel_loop3A_73, %parallel_loop3A_93 : i32
      %parallel_loop3A_95 = arith.select %parallel_loop3A_92, %parallel_loop3A_94, %parallel_loop3A_73 : i32
      %parallel_loop3A_96 = arith.constant 192 : i32
      %parallel_loop3A_97 = arith.muli %parallel_loop3A_95, %parallel_loop3A_96 : i32
      %parallel_loop3A_98 = arith.subi %parallel_loop3A_71, %parallel_loop3A_97 : i32
      %parallel_loop3A_99 = arith.constant 16 : i32
      %parallel_loop3A_100 = arith.muli %parallel_loop3A_98, %parallel_loop3A_99 : i32
      %parallel_loop3A_101 = arith.constant 0 : i32
      %parallel_loop3A_102 = arith.addi %parallel_loop3A_101, %parallel_loop3A_95 : i32
      %parallel_loop3A_103 = vector.broadcast %parallel_loop3A_102 : i32 to vector<16xi32>
      %parallel_loop3A_104 = arith.index_cast %parallel_loop3A_100 : i32 to index
      %parallel_loop3A_105 = tpu.vector_load %arg7[%parallel_loop3A_104] {strides = array<i32>} : memref<3072xi32, #tpu.memory_space<vmem>>, vector<16xi32>,
      %parallel_loop3A_106 = tpu.vector_load_idx %arg8[%parallel_loop3A_103, %parallel_loop3A_105] : memref<32x512xf32, #tpu.memory_space<vmem>>[vector<16xi32>, vector<16xi32>], vector<16xf32>,
      %parallel_loop3A_107 = arith.index_cast %parallel_loop3A_95 : i32 to index
      %parallel_loop3A_108 = arith.index_cast %parallel_loop3A_100 : i32 to index
      %parallel_loop3A_109 = tpu.vector_load %arg9[%parallel_loop3A_107, %parallel_loop3A_108] {strides = array<i32>} : memref<16x3072xf32, #tpu.memory_space<vmem>>, vector<16xf32>,
      tpu.vector_store %arg9[%parallel_loop3A_107, %parallel_loop3A_108], %parallel_loop3A_106 {strides = array<i32>} : memref<16x3072xf32, #tpu.memory_space<vmem>>, vector<16xf32>,
    } {sc.loop_unroll_factor = 8 : i64, sc.parallel_access}
    %mul3A_39 = arith.constant 32 : i32
    %mul3A_40 = arith.muli %add3A, %mul3A_39 : i32
    %add3A_41 = arith.constant 0 : i32
    %add3A_42 = arith.addi %mul3A_40, %add3A_41 : i32
    %run_scoped3A_43 = arith.constant 2 : i32
    "tpu.region"() ({
      %run_scoped3A_71 = tpu.sem_alloc : memref<!tpu.dma_semaphore, #tpu.memory_space<semaphore_mem>>
      %dma_start3A = arith.constant 0 : i32
      %dma_start3A_72 = tpu.memref_slice %arg6[%run_scoped3A_43, %add3A_42, %dma_start3A] : memref<4x1028x3072xf32, #tpu.memory_space<hbm>> -> memref<1x16x3072xf32, #tpu.memory_space<hbm>>
      %dma_start3A_73 = tpu.memref_squeeze %dma_start3A_72 : memref<1x16x3072xf32, #tpu.memory_space<hbm>> -> memref<16x3072xf32, #tpu.memory_space<hbm>>
      %dma_start3A_74 = arith.constant 0 : i32
      %dma_start3A_75 = tpu.memref_slice %arg6[%run_scoped3A_43, %add3A_42, %dma_start3A_74] : memref<4x1028x3072xf32, #tpu.memory_space<hbm>> -> memref<1x16x3072xf32, #tpu.memory_space<hbm>>
      %dma_start3A_76 = tpu.memref_squeeze %dma_start3A_75 : memref<1x16x3072xf32, #tpu.memory_space<hbm>> -> memref<16x3072xf32, #tpu.memory_space<hbm>>
      tpu.enqueue_dma source(%arg9 : memref<16x3072xf32, #tpu.memory_space<vmem>>) target(%dma_start3A_76 : memref<16x3072xf32, #tpu.memory_space<hbm>>) target_semaphore(%run_scoped3A_71 : memref<!tpu.dma_semaphore, #tpu.memory_space<semaphore_mem>>)
      %dma_wait3A = arith.constant 0 : i32
      %dma_wait3A_77 = tpu.memref_slice %arg6[%run_scoped3A_43, %add3A_42, %dma_wait3A] : memref<4x1028x3072xf32, #tpu.memory_space<hbm>> -> memref<1x16x3072xf32, #tpu.memory_space<hbm>>
      %dma_wait3A_78 = tpu.memref_squeeze %dma_wait3A_77 : memref<1x16x3072xf32, #tpu.memory_space<hbm>> -> memref<16x3072xf32, #tpu.memory_space<hbm>>
      %dma_wait3A_79 = arith.constant 0 : i32
      %dma_wait3A_80 = tpu.memref_slice %arg6[%run_scoped3A_43, %add3A_42, %dma_wait3A_79] : memref<4x1028x3072xf32, #tpu.memory_space<hbm>> -> memref<1x16x3072xf32, #tpu.memory_space<hbm>>
      %dma_wait3A_81 = tpu.memref_squeeze %dma_wait3A_80 : memref<1x16x3072xf32, #tpu.memory_space<hbm>> -> memref<16x3072xf32, #tpu.memory_space<hbm>>
      tpu.wait_dma2 semaphore(%run_scoped3A_71 : memref<!tpu.dma_semaphore, #tpu.memory_space<semaphore_mem>>) src(%arg9 : memref<16x3072xf32, #tpu.memory_space<vmem>>) dst(%dma_wait3A_81 : memref<16x3072xf32, #tpu.memory_space<hbm>>)
      tpu.yield
    }) : () -> ()
    %parallel_loop3A_44 = arith.constant 0 : i32
    %parallel_loop3A_45 = arith.constant 3072 : i32
    %parallel_loop3A_46 = arith.constant 1 : i32
    scf.for %parallel_loop3A_71 = %parallel_loop3A_44 to %parallel_loop3A_45 step %parallel_loop3A_46  : i32 {
      %parallel_loop3A_72 = arith.constant 192 : i32
      %parallel_loop3A_73 = arith.divsi %parallel_loop3A_71, %parallel_loop3A_72 : i32
      %parallel_loop3A_74 = arith.constant 0 : i32
      %parallel_loop3A_75 = arith.cmpi sgt, %parallel_loop3A_71, %parallel_loop3A_74 : i32
      %parallel_loop3A_76 = arith.extui %parallel_loop3A_75 : i1 to i32
      %parallel_loop3A_77 = arith.constant 0 : i32
      %parallel_loop3A_78 = arith.cmpi slt, %parallel_loop3A_71, %parallel_loop3A_77 : i32
      %parallel_loop3A_79 = arith.extui %parallel_loop3A_78 : i1 to i32
      %parallel_loop3A_80 = arith.subi %parallel_loop3A_76, %parallel_loop3A_79 : i32
      %parallel_loop3A_81 = arith.constant 0 : i32
      %parallel_loop3A_82 = arith.cmpi sgt, %parallel_loop3A_72, %parallel_loop3A_81 : i32
      %parallel_loop3A_83 = arith.extui %parallel_loop3A_82 : i1 to i32
      %parallel_loop3A_84 = arith.constant 0 : i32
      %parallel_loop3A_85 = arith.cmpi slt, %parallel_loop3A_72, %parallel_loop3A_84 : i32
      %parallel_loop3A_86 = arith.extui %parallel_loop3A_85 : i1 to i32
      %parallel_loop3A_87 = arith.subi %parallel_loop3A_83, %parallel_loop3A_86 : i32
      %parallel_loop3A_88 = arith.cmpi ne, %parallel_loop3A_80, %parallel_loop3A_87 : i32
      %parallel_loop3A_89 = arith.remsi %parallel_loop3A_71, %parallel_loop3A_72 : i32
      %parallel_loop3A_90 = arith.constant 0 : i32
      %parallel_loop3A_91 = arith.cmpi ne, %parallel_loop3A_89, %parallel_loop3A_90 : i32
      %parallel_loop3A_92 = arith.andi %parallel_loop3A_88, %parallel_loop3A_91 : i1
      %parallel_loop3A_93 = arith.constant 1 : i32
      %parallel_loop3A_94 = arith.subi %parallel_loop3A_73, %parallel_loop3A_93 : i32
      %parallel_loop3A_95 = arith.select %parallel_loop3A_92, %parallel_loop3A_94, %parallel_loop3A_73 : i32
      %parallel_loop3A_96 = arith.constant 192 : i32
      %parallel_loop3A_97 = arith.muli %parallel_loop3A_95, %parallel_loop3A_96 : i32
      %parallel_loop3A_98 = arith.subi %parallel_loop3A_71, %parallel_loop3A_97 : i32
      %parallel_loop3A_99 = arith.constant 16 : i32
      %parallel_loop3A_100 = arith.muli %parallel_loop3A_98, %parallel_loop3A_99 : i32
      %parallel_loop3A_101 = arith.constant 16 : i32
      %parallel_loop3A_102 = arith.addi %parallel_loop3A_101, %parallel_loop3A_95 : i32
      %parallel_loop3A_103 = vector.broadcast %parallel_loop3A_102 : i32 to vector<16xi32>
      %parallel_loop3A_104 = arith.index_cast %parallel_loop3A_100 : i32 to index
      %parallel_loop3A_105 = tpu.vector_load %arg7[%parallel_loop3A_104] {strides = array<i32>} : memref<3072xi32, #tpu.memory_space<vmem>>, vector<16xi32>,
      %parallel_loop3A_106 = tpu.vector_load_idx %arg8[%parallel_loop3A_103, %parallel_loop3A_105] : memref<32x512xf32, #tpu.memory_space<vmem>>[vector<16xi32>, vector<16xi32>], vector<16xf32>,
      %parallel_loop3A_107 = arith.index_cast %parallel_loop3A_95 : i32 to index
      %parallel_loop3A_108 = arith.index_cast %parallel_loop3A_100 : i32 to index
      %parallel_loop3A_109 = tpu.vector_load %arg9[%parallel_loop3A_107, %parallel_loop3A_108] {strides = array<i32>} : memref<16x3072xf32, #tpu.memory_space<vmem>>, vector<16xf32>,
      tpu.vector_store %arg9[%parallel_loop3A_107, %parallel_loop3A_108], %parallel_loop3A_106 {strides = array<i32>} : memref<16x3072xf32, #tpu.memory_space<vmem>>, vector<16xf32>,
    } {sc.loop_unroll_factor = 8 : i64, sc.parallel_access}
    %mul3A_47 = arith.constant 32 : i32
    %mul3A_48 = arith.muli %add3A, %mul3A_47 : i32
    %add3A_49 = arith.constant 16 : i32
    %add3A_50 = arith.addi %mul3A_48, %add3A_49 : i32
    %run_scoped3A_51 = arith.constant 2 : i32
    "tpu.region"() ({
      %run_scoped3A_71 = tpu.sem_alloc : memref<!tpu.dma_semaphore, #tpu.memory_space<semaphore_mem>>
      %dma_start3A = arith.constant 0 : i32
      %dma_start3A_72 = tpu.memref_slice %arg6[%run_scoped3A_51, %add3A_50, %dma_start3A] : memref<4x1028x3072xf32, #tpu.memory_space<hbm>> -> memref<1x16x3072xf32, #tpu.memory_space<hbm>>
      %dma_start3A_73 = tpu.memref_squeeze %dma_start3A_72 : memref<1x16x3072xf32, #tpu.memory_space<hbm>> -> memref<16x3072xf32, #tpu.memory_space<hbm>>
      %dma_start3A_74 = arith.constant 0 : i32
      %dma_start3A_75 = tpu.memref_slice %arg6[%run_scoped3A_51, %add3A_50, %dma_start3A_74] : memref<4x1028x3072xf32, #tpu.memory_space<hbm>> -> memref<1x16x3072xf32, #tpu.memory_space<hbm>>
      %dma_start3A_76 = tpu.memref_squeeze %dma_start3A_75 : memref<1x16x3072xf32, #tpu.memory_space<hbm>> -> memref<16x3072xf32, #tpu.memory_space<hbm>>
      tpu.enqueue_dma source(%arg9 : memref<16x3072xf32, #tpu.memory_space<vmem>>) target(%dma_start3A_76 : memref<16x3072xf32, #tpu.memory_space<hbm>>) target_semaphore(%run_scoped3A_71 : memref<!tpu.dma_semaphore, #tpu.memory_space<semaphore_mem>>)
      %dma_wait3A = arith.constant 0 : i32
      %dma_wait3A_77 = tpu.memref_slice %arg6[%run_scoped3A_51, %add3A_50, %dma_wait3A] : memref<4x1028x3072xf32, #tpu.memory_space<hbm>> -> memref<1x16x3072xf32, #tpu.memory_space<hbm>>
      %dma_wait3A_78 = tpu.memref_squeeze %dma_wait3A_77 : memref<1x16x3072xf32, #tpu.memory_space<hbm>> -> memref<16x3072xf32, #tpu.memory_space<hbm>>
      %dma_wait3A_79 = arith.constant 0 : i32
      %dma_wait3A_80 = tpu.memref_slice %arg6[%run_scoped3A_51, %add3A_50, %dma_wait3A_79] : memref<4x1028x3072xf32, #tpu.memory_space<hbm>> -> memref<1x16x3072xf32, #tpu.memory_space<hbm>>
      %dma_wait3A_81 = tpu.memref_squeeze %dma_wait3A_80 : memref<1x16x3072xf32, #tpu.memory_space<hbm>> -> memref<16x3072xf32, #tpu.memory_space<hbm>>
      tpu.wait_dma2 semaphore(%run_scoped3A_71 : memref<!tpu.dma_semaphore, #tpu.memory_space<semaphore_mem>>) src(%arg9 : memref<16x3072xf32, #tpu.memory_space<vmem>>) dst(%dma_wait3A_81 : memref<16x3072xf32, #tpu.memory_space<hbm>>)
      tpu.yield
    }) : () -> ()
    %run_scoped3A_52 = arith.constant 3 : i32
    "tpu.region"() ({
      %run_scoped3A_71 = tpu.sem_alloc : memref<!tpu.dma_semaphore, #tpu.memory_space<semaphore_mem>>
      %dma_start3A = arith.constant 0 : i32
      %dma_start3A_72 = tpu.memref_slice %arg4[%run_scoped3A_52, %dma_start3A] : memref<4x3072xi32, #tpu.memory_space<hbm>> -> memref<1x3072xi32, #tpu.memory_space<hbm>>
      %dma_start3A_73 = tpu.memref_squeeze %dma_start3A_72 : memref<1x3072xi32, #tpu.memory_space<hbm>> -> memref<3072xi32, #tpu.memory_space<hbm>>
      %dma_start3A_74 = arith.constant 0 : i32
      %dma_start3A_75 = tpu.memref_slice %arg4[%run_scoped3A_52, %dma_start3A_74] : memref<4x3072xi32, #tpu.memory_space<hbm>> -> memref<1x3072xi32, #tpu.memory_space<hbm>>
      %dma_start3A_76 = tpu.memref_squeeze %dma_start3A_75 : memref<1x3072xi32, #tpu.memory_space<hbm>> -> memref<3072xi32, #tpu.memory_space<hbm>>
      tpu.enqueue_dma source(%dma_start3A_76 : memref<3072xi32, #tpu.memory_space<hbm>>) target(%arg7 : memref<3072xi32, #tpu.memory_space<vmem>>) target_semaphore(%run_scoped3A_71 : memref<!tpu.dma_semaphore, #tpu.memory_space<semaphore_mem>>)
      %dma_wait3A = arith.constant 0 : i32
      %dma_wait3A_77 = tpu.memref_slice %arg4[%run_scoped3A_52, %dma_wait3A] : memref<4x3072xi32, #tpu.memory_space<hbm>> -> memref<1x3072xi32, #tpu.memory_space<hbm>>
      %dma_wait3A_78 = tpu.memref_squeeze %dma_wait3A_77 : memref<1x3072xi32, #tpu.memory_space<hbm>> -> memref<3072xi32, #tpu.memory_space<hbm>>
      %dma_wait3A_79 = arith.constant 0 : i32
      %dma_wait3A_80 = tpu.memref_slice %arg4[%run_scoped3A_52, %dma_wait3A_79] : memref<4x3072xi32, #tpu.memory_space<hbm>> -> memref<1x3072xi32, #tpu.memory_space<hbm>>
      %dma_wait3A_81 = tpu.memref_squeeze %dma_wait3A_80 : memref<1x3072xi32, #tpu.memory_space<hbm>> -> memref<3072xi32, #tpu.memory_space<hbm>>
      tpu.wait_dma2 semaphore(%run_scoped3A_71 : memref<!tpu.dma_semaphore, #tpu.memory_space<semaphore_mem>>) src(%dma_wait3A_81 : memref<3072xi32, #tpu.memory_space<hbm>>) dst(%arg7 : memref<3072xi32, #tpu.memory_space<vmem>>)
      tpu.yield
    }) : () -> ()
    %parallel_loop3A_53 = arith.constant 0 : i32
    %parallel_loop3A_54 = arith.constant 3072 : i32
    %parallel_loop3A_55 = arith.constant 1 : i32
    scf.for %parallel_loop3A_71 = %parallel_loop3A_53 to %parallel_loop3A_54 step %parallel_loop3A_55  : i32 {
      %parallel_loop3A_72 = arith.constant 192 : i32
      %parallel_loop3A_73 = arith.divsi %parallel_loop3A_71, %parallel_loop3A_72 : i32
      %parallel_loop3A_74 = arith.constant 0 : i32
      %parallel_loop3A_75 = arith.cmpi sgt, %parallel_loop3A_71, %parallel_loop3A_74 : i32
      %parallel_loop3A_76 = arith.extui %parallel_loop3A_75 : i1 to i32
      %parallel_loop3A_77 = arith.constant 0 : i32
      %parallel_loop3A_78 = arith.cmpi slt, %parallel_loop3A_71, %parallel_loop3A_77 : i32
      %parallel_loop3A_79 = arith.extui %parallel_loop3A_78 : i1 to i32
      %parallel_loop3A_80 = arith.subi %parallel_loop3A_76, %parallel_loop3A_79 : i32
      %parallel_loop3A_81 = arith.constant 0 : i32
      %parallel_loop3A_82 = arith.cmpi sgt, %parallel_loop3A_72, %parallel_loop3A_81 : i32
      %parallel_loop3A_83 = arith.extui %parallel_loop3A_82 : i1 to i32
      %parallel_loop3A_84 = arith.constant 0 : i32
      %parallel_loop3A_85 = arith.cmpi slt, %parallel_loop3A_72, %parallel_loop3A_84 : i32
      %parallel_loop3A_86 = arith.extui %parallel_loop3A_85 : i1 to i32
      %parallel_loop3A_87 = arith.subi %parallel_loop3A_83, %parallel_loop3A_86 : i32
      %parallel_loop3A_88 = arith.cmpi ne, %parallel_loop3A_80, %parallel_loop3A_87 : i32
      %parallel_loop3A_89 = arith.remsi %parallel_loop3A_71, %parallel_loop3A_72 : i32
      %parallel_loop3A_90 = arith.constant 0 : i32
      %parallel_loop3A_91 = arith.cmpi ne, %parallel_loop3A_89, %parallel_loop3A_90 : i32
      %parallel_loop3A_92 = arith.andi %parallel_loop3A_88, %parallel_loop3A_91 : i1
      %parallel_loop3A_93 = arith.constant 1 : i32
      %parallel_loop3A_94 = arith.subi %parallel_loop3A_73, %parallel_loop3A_93 : i32
      %parallel_loop3A_95 = arith.select %parallel_loop3A_92, %parallel_loop3A_94, %parallel_loop3A_73 : i32
      %parallel_loop3A_96 = arith.constant 192 : i32
      %parallel_loop3A_97 = arith.muli %parallel_loop3A_95, %parallel_loop3A_96 : i32
      %parallel_loop3A_98 = arith.subi %parallel_loop3A_71, %parallel_loop3A_97 : i32
      %parallel_loop3A_99 = arith.constant 16 : i32
      %parallel_loop3A_100 = arith.muli %parallel_loop3A_98, %parallel_loop3A_99 : i32
      %parallel_loop3A_101 = arith.constant 0 : i32
      %parallel_loop3A_102 = arith.addi %parallel_loop3A_101, %parallel_loop3A_95 : i32
      %parallel_loop3A_103 = vector.broadcast %parallel_loop3A_102 : i32 to vector<16xi32>
      %parallel_loop3A_104 = arith.index_cast %parallel_loop3A_100 : i32 to index
      %parallel_loop3A_105 = tpu.vector_load %arg7[%parallel_loop3A_104] {strides = array<i32>} : memref<3072xi32, #tpu.memory_space<vmem>>, vector<16xi32>,
      %parallel_loop3A_106 = tpu.vector_load_idx %arg8[%parallel_loop3A_103, %parallel_loop3A_105] : memref<32x512xf32, #tpu.memory_space<vmem>>[vector<16xi32>, vector<16xi32>], vector<16xf32>,
      %parallel_loop3A_107 = arith.index_cast %parallel_loop3A_95 : i32 to index
      %parallel_loop3A_108 = arith.index_cast %parallel_loop3A_100 : i32 to index
      %parallel_loop3A_109 = tpu.vector_load %arg9[%parallel_loop3A_107, %parallel_loop3A_108] {strides = array<i32>} : memref<16x3072xf32, #tpu.memory_space<vmem>>, vector<16xf32>,
      tpu.vector_store %arg9[%parallel_loop3A_107, %parallel_loop3A_108], %parallel_loop3A_106 {strides = array<i32>} : memref<16x3072xf32, #tpu.memory_space<vmem>>, vector<16xf32>,
    } {sc.loop_unroll_factor = 8 : i64, sc.parallel_access}
    %mul3A_56 = arith.constant 32 : i32
    %mul3A_57 = arith.muli %add3A, %mul3A_56 : i32
    %add3A_58 = arith.constant 0 : i32
    %add3A_59 = arith.addi %mul3A_57, %add3A_58 : i32
    %run_scoped3A_60 = arith.constant 3 : i32
    "tpu.region"() ({
      %run_scoped3A_71 = tpu.sem_alloc : memref<!tpu.dma_semaphore, #tpu.memory_space<semaphore_mem>>
      %dma_start3A = arith.constant 0 : i32
      %dma_start3A_72 = tpu.memref_slice %arg6[%run_scoped3A_60, %add3A_59, %dma_start3A] : memref<4x1028x3072xf32, #tpu.memory_space<hbm>> -> memref<1x16x3072xf32, #tpu.memory_space<hbm>>
      %dma_start3A_73 = tpu.memref_squeeze %dma_start3A_72 : memref<1x16x3072xf32, #tpu.memory_space<hbm>> -> memref<16x3072xf32, #tpu.memory_space<hbm>>
      %dma_start3A_74 = arith.constant 0 : i32
      %dma_start3A_75 = tpu.memref_slice %arg6[%run_scoped3A_60, %add3A_59, %dma_start3A_74] : memref<4x1028x3072xf32, #tpu.memory_space<hbm>> -> memref<1x16x3072xf32, #tpu.memory_space<hbm>>
      %dma_start3A_76 = tpu.memref_squeeze %dma_start3A_75 : memref<1x16x3072xf32, #tpu.memory_space<hbm>> -> memref<16x3072xf32, #tpu.memory_space<hbm>>
      tpu.enqueue_dma source(%arg9 : memref<16x3072xf32, #tpu.memory_space<vmem>>) target(%dma_start3A_76 : memref<16x3072xf32, #tpu.memory_space<hbm>>) target_semaphore(%run_scoped3A_71 : memref<!tpu.dma_semaphore, #tpu.memory_space<semaphore_mem>>)
      %dma_wait3A = arith.constant 0 : i32
      %dma_wait3A_77 = tpu.memref_slice %arg6[%run_scoped3A_60, %add3A_59, %dma_wait3A] : memref<4x1028x3072xf32, #tpu.memory_space<hbm>> -> memref<1x16x3072xf32, #tpu.memory_space<hbm>>
      %dma_wait3A_78 = tpu.memref_squeeze %dma_wait3A_77 : memref<1x16x3072xf32, #tpu.memory_space<hbm>> -> memref<16x3072xf32, #tpu.memory_space<hbm>>
      %dma_wait3A_79 = arith.constant 0 : i32
      %dma_wait3A_80 = tpu.memref_slice %arg6[%run_scoped3A_60, %add3A_59, %dma_wait3A_79] : memref<4x1028x3072xf32, #tpu.memory_space<hbm>> -> memref<1x16x3072xf32, #tpu.memory_space<hbm>>
      %dma_wait3A_81 = tpu.memref_squeeze %dma_wait3A_80 : memref<1x16x3072xf32, #tpu.memory_space<hbm>> -> memref<16x3072xf32, #tpu.memory_space<hbm>>
      tpu.wait_dma2 semaphore(%run_scoped3A_71 : memref<!tpu.dma_semaphore, #tpu.memory_space<semaphore_mem>>) src(%arg9 : memref<16x3072xf32, #tpu.memory_space<vmem>>) dst(%dma_wait3A_81 : memref<16x3072xf32, #tpu.memory_space<hbm>>)
      tpu.yield
    }) : () -> ()
    %parallel_loop3A_61 = arith.constant 0 : i32
    %parallel_loop3A_62 = arith.constant 3072 : i32
    %parallel_loop3A_63 = arith.constant 1 : i32
    scf.for %parallel_loop3A_71 = %parallel_loop3A_61 to %parallel_loop3A_62 step %parallel_loop3A_63  : i32 {
      %parallel_loop3A_72 = arith.constant 192 : i32
      %parallel_loop3A_73 = arith.divsi %parallel_loop3A_71, %parallel_loop3A_72 : i32
      %parallel_loop3A_74 = arith.constant 0 : i32
      %parallel_loop3A_75 = arith.cmpi sgt, %parallel_loop3A_71, %parallel_loop3A_74 : i32
      %parallel_loop3A_76 = arith.extui %parallel_loop3A_75 : i1 to i32
      %parallel_loop3A_77 = arith.constant 0 : i32
      %parallel_loop3A_78 = arith.cmpi slt, %parallel_loop3A_71, %parallel_loop3A_77 : i32
      %parallel_loop3A_79 = arith.extui %parallel_loop3A_78 : i1 to i32
      %parallel_loop3A_80 = arith.subi %parallel_loop3A_76, %parallel_loop3A_79 : i32
      %parallel_loop3A_81 = arith.constant 0 : i32
      %parallel_loop3A_82 = arith.cmpi sgt, %parallel_loop3A_72, %parallel_loop3A_81 : i32
      %parallel_loop3A_83 = arith.extui %parallel_loop3A_82 : i1 to i32
      %parallel_loop3A_84 = arith.constant 0 : i32
      %parallel_loop3A_85 = arith.cmpi slt, %parallel_loop3A_72, %parallel_loop3A_84 : i32
      %parallel_loop3A_86 = arith.extui %parallel_loop3A_85 : i1 to i32
      %parallel_loop3A_87 = arith.subi %parallel_loop3A_83, %parallel_loop3A_86 : i32
      %parallel_loop3A_88 = arith.cmpi ne, %parallel_loop3A_80, %parallel_loop3A_87 : i32
      %parallel_loop3A_89 = arith.remsi %parallel_loop3A_71, %parallel_loop3A_72 : i32
      %parallel_loop3A_90 = arith.constant 0 : i32
      %parallel_loop3A_91 = arith.cmpi ne, %parallel_loop3A_89, %parallel_loop3A_90 : i32
      %parallel_loop3A_92 = arith.andi %parallel_loop3A_88, %parallel_loop3A_91 : i1
      %parallel_loop3A_93 = arith.constant 1 : i32
      %parallel_loop3A_94 = arith.subi %parallel_loop3A_73, %parallel_loop3A_93 : i32
      %parallel_loop3A_95 = arith.select %parallel_loop3A_92, %parallel_loop3A_94, %parallel_loop3A_73 : i32
      %parallel_loop3A_96 = arith.constant 192 : i32
      %parallel_loop3A_97 = arith.muli %parallel_loop3A_95, %parallel_loop3A_96 : i32
      %parallel_loop3A_98 = arith.subi %parallel_loop3A_71, %parallel_loop3A_97 : i32
      %parallel_loop3A_99 = arith.constant 16 : i32
      %parallel_loop3A_100 = arith.muli %parallel_loop3A_98, %parallel_loop3A_99 : i32
      %parallel_loop3A_101 = arith.constant 16 : i32
      %parallel_loop3A_102 = arith.addi %parallel_loop3A_101, %parallel_loop3A_95 : i32
      %parallel_loop3A_103 = vector.broadcast %parallel_loop3A_102 : i32 to vector<16xi32>
      %parallel_loop3A_104 = arith.index_cast %parallel_loop3A_100 : i32 to index
      %parallel_loop3A_105 = tpu.vector_load %arg7[%parallel_loop3A_104] {strides = array<i32>} : memref<3072xi32, #tpu.memory_space<vmem>>, vector<16xi32>,
      %parallel_loop3A_106 = tpu.vector_load_idx %arg8[%parallel_loop3A_103, %parallel_loop3A_105] : memref<32x512xf32, #tpu.memory_space<vmem>>[vector<16xi32>, vector<16xi32>], vector<16xf32>,
      %parallel_loop3A_107 = arith.index_cast %parallel_loop3A_95 : i32 to index
      %parallel_loop3A_108 = arith.index_cast %parallel_loop3A_100 : i32 to index
      %parallel_loop3A_109 = tpu.vector_load %arg9[%parallel_loop3A_107, %parallel_loop3A_108] {strides = array<i32>} : memref<16x3072xf32, #tpu.memory_space<vmem>>, vector<16xf32>,
      tpu.vector_store %arg9[%parallel_loop3A_107, %parallel_loop3A_108], %parallel_loop3A_106 {strides = array<i32>} : memref<16x3072xf32, #tpu.memory_space<vmem>>, vector<16xf32>,
    } {sc.loop_unroll_factor = 8 : i64, sc.parallel_access}
    %mul3A_64 = arith.constant 32 : i32
    %mul3A_65 = arith.muli %add3A, %mul3A_64 : i32
    %add3A_66 = arith.constant 16 : i32
    %add3A_67 = arith.addi %mul3A_65, %add3A_66 : i32
    %run_scoped3A_68 = arith.constant 3 : i32
    "tpu.region"() ({
      %run_scoped3A_71 = tpu.sem_alloc : memref<!tpu.dma_semaphore, #tpu.memory_space<semaphore_mem>>
      %dma_start3A = arith.constant 0 : i32
      %dma_start3A_72 = tpu.memref_slice %arg6[%run_scoped3A_68, %add3A_67, %dma_start3A] : memref<4x1028x3072xf32, #tpu.memory_space<hbm>> -> memref<1x16x3072xf32, #tpu.memory_space<hbm>>
      %dma_start3A_73 = tpu.memref_squeeze %dma_start3A_72 : memref<1x16x3072xf32, #tpu.memory_space<hbm>> -> memref<16x3072xf32, #tpu.memory_space<hbm>>
      %dma_start3A_74 = arith.constant 0 : i32
      %dma_start3A_75 = tpu.memref_slice %arg6[%run_scoped3A_68, %add3A_67, %dma_start3A_74] : memref<4x1028x3072xf32, #tpu.memory_space<hbm>> -> memref<1x16x3072xf32, #tpu.memory_space<hbm>>
      %dma_start3A_76 = tpu.memref_squeeze %dma_start3A_75 : memref<1x16x3072xf32, #tpu.memory_space<hbm>> -> memref<16x3072xf32, #tpu.memory_space<hbm>>
      tpu.enqueue_dma source(%arg9 : memref<16x3072xf32, #tpu.memory_space<vmem>>) target(%dma_start3A_76 : memref<16x3072xf32, #tpu.memory_space<hbm>>) target_semaphore(%run_scoped3A_71 : memref<!tpu.dma_semaphore, #tpu.memory_space<semaphore_mem>>)
      %dma_wait3A = arith.constant 0 : i32
      %dma_wait3A_77 = tpu.memref_slice %arg6[%run_scoped3A_68, %add3A_67, %dma_wait3A] : memref<4x1028x3072xf32, #tpu.memory_space<hbm>> -> memref<1x16x3072xf32, #tpu.memory_space<hbm>>
      %dma_wait3A_78 = tpu.memref_squeeze %dma_wait3A_77 : memref<1x16x3072xf32, #tpu.memory_space<hbm>> -> memref<16x3072xf32, #tpu.memory_space<hbm>>
      %dma_wait3A_79 = arith.constant 0 : i32
      %dma_wait3A_80 = tpu.memref_slice %arg6[%run_scoped3A_68, %add3A_67, %dma_wait3A_79] : memref<4x1028x3072xf32, #tpu.memory_space<hbm>> -> memref<1x16x3072xf32, #tpu.memory_space<hbm>>
      %dma_wait3A_81 = tpu.memref_squeeze %dma_wait3A_80 : memref<1x16x3072xf32, #tpu.memory_space<hbm>> -> memref<16x3072xf32, #tpu.memory_space<hbm>>
      tpu.wait_dma2 semaphore(%run_scoped3A_71 : memref<!tpu.dma_semaphore, #tpu.memory_space<semaphore_mem>>) src(%arg9 : memref<16x3072xf32, #tpu.memory_space<vmem>>) dst(%dma_wait3A_81 : memref<16x3072xf32, #tpu.memory_space<hbm>>)
      tpu.yield
    }) : () -> ()
    %lt3A = arith.constant 16 : i32
    %lt3A_69 = arith.cmpi slt, %add3A, %lt3A : i32
    %convert_element_type3A = arith.extui %lt3A_69 : i1 to i32
    %cond3A = arith.constant 0 : i32
    %cond3A_70 = arith.cmpi ne, %convert_element_type3A, %cond3A : i32
    scf.if %cond3A_70 {
      %jit3A = arith.constant 4 : i32
      %div3A = arith.divsi %add3A, %jit3A : i32
      %sign3A = arith.constant 0 : i32
      %sign3A_71 = arith.cmpi sgt, %add3A, %sign3A : i32
      %sign3A_72 = arith.extui %sign3A_71 : i1 to i32
      %sign3A_73 = arith.constant 0 : i32
      %sign3A_74 = arith.cmpi slt, %add3A, %sign3A_73 : i32
      %sign3A_75 = arith.extui %sign3A_74 : i1 to i32
      %sign3A_76 = arith.subi %sign3A_72, %sign3A_75 : i32
      %sign3A_77 = arith.constant 0 : i32
      %sign3A_78 = arith.cmpi sgt, %jit3A, %sign3A_77 : i32
      %sign3A_79 = arith.extui %sign3A_78 : i1 to i32
      %sign3A_80 = arith.constant 0 : i32
      %sign3A_81 = arith.cmpi slt, %jit3A, %sign3A_80 : i32
      %sign3A_82 = arith.extui %sign3A_81 : i1 to i32
      %sign3A_83 = arith.subi %sign3A_79, %sign3A_82 : i32
      %ne3A = arith.cmpi ne, %sign3A_76, %sign3A_83 : i32
      %rem3A = arith.remsi %add3A, %jit3A : i32
      %ne3A_84 = arith.constant 0 : i32
      %ne3A_85 = arith.cmpi ne, %rem3A, %ne3A_84 : i32
      %and3A = arith.andi %ne3A, %ne3A_85 : i1
      %sub3A = arith.constant 1 : i32
      %sub3A_86 = arith.subi %div3A, %sub3A : i32
      %select_n3A = arith.select %and3A, %sub3A_86, %div3A : i32
      %jit3A_87 = arith.constant 4 : i32
      %eq3A = arith.constant 0 : i32
      %eq3A_88 = arith.cmpi eq, %jit3A_87, %eq3A : i32
      %jit3A_89 = arith.constant 1 : i32
      %select_n3A_90 = arith.select %eq3A_88, %jit3A_89, %jit3A_87 : i32
      %rem3A_91 = arith.remsi %add3A, %select_n3A_90 : i32
      %ne3A_92 = arith.constant 0 : i32
      %ne3A_93 = arith.cmpi ne, %rem3A_91, %ne3A_92 : i32
      %lt3A_94 = arith.constant 0 : i32
      %lt3A_95 = arith.cmpi slt, %rem3A_91, %lt3A_94 : i32
      %lt3A_96 = arith.constant 0 : i32
      %lt3A_97 = arith.cmpi slt, %select_n3A_90, %lt3A_96 : i32
      %ne3A_98 = arith.xori %lt3A_95, %lt3A_97 : i1
      %and3A_99 = arith.andi %ne3A_98, %ne3A_93 : i1
      %add3A_100 = arith.addi %rem3A_91, %select_n3A_90 : i32
      %select_n3A_101 = arith.select %and3A_99, %add3A_100, %rem3A_91 : i32
      "tpu.region"() ({
        %run_scoped3A_108 = tpu.sem_alloc : memref<!tpu.dma_semaphore, #tpu.memory_space<semaphore_mem>>
        %dma_start3A = arith.constant 0 : i32
        %dma_start3A_109 = tpu.memref_slice %arg5[%select_n3A, %dma_start3A] : memref<4x3072xi32, #tpu.memory_space<hbm>> -> memref<1x3072xi32, #tpu.memory_space<hbm>>
        %dma_start3A_110 = tpu.memref_squeeze %dma_start3A_109 : memref<1x3072xi32, #tpu.memory_space<hbm>> -> memref<3072xi32, #tpu.memory_space<hbm>>
        %dma_start3A_111 = arith.constant 0 : i32
        %dma_start3A_112 = tpu.memref_slice %arg5[%select_n3A, %dma_start3A_111] : memref<4x3072xi32, #tpu.memory_space<hbm>> -> memref<1x3072xi32, #tpu.memory_space<hbm>>
        %dma_start3A_113 = tpu.memref_squeeze %dma_start3A_112 : memref<1x3072xi32, #tpu.memory_space<hbm>> -> memref<3072xi32, #tpu.memory_space<hbm>>
        tpu.enqueue_dma source(%dma_start3A_113 : memref<3072xi32, #tpu.memory_space<hbm>>) target(%arg7 : memref<3072xi32, #tpu.memory_space<vmem>>) target_semaphore(%run_scoped3A_108 : memref<!tpu.dma_semaphore, #tpu.memory_space<semaphore_mem>>)
        %dma_wait3A = arith.constant 0 : i32
        %dma_wait3A_114 = tpu.memref_slice %arg5[%select_n3A, %dma_wait3A] : memref<4x3072xi32, #tpu.memory_space<hbm>> -> memref<1x3072xi32, #tpu.memory_space<hbm>>
        %dma_wait3A_115 = tpu.memref_squeeze %dma_wait3A_114 : memref<1x3072xi32, #tpu.memory_space<hbm>> -> memref<3072xi32, #tpu.memory_space<hbm>>
        %dma_wait3A_116 = arith.constant 0 : i32
        %dma_wait3A_117 = tpu.memref_slice %arg5[%select_n3A, %dma_wait3A_116] : memref<4x3072xi32, #tpu.memory_space<hbm>> -> memref<1x3072xi32, #tpu.memory_space<hbm>>
        %dma_wait3A_118 = tpu.memref_squeeze %dma_wait3A_117 : memref<1x3072xi32, #tpu.memory_space<hbm>> -> memref<3072xi32, #tpu.memory_space<hbm>>
        tpu.wait_dma2 semaphore(%run_scoped3A_108 : memref<!tpu.dma_semaphore, #tpu.memory_space<semaphore_mem>>) src(%dma_wait3A_118 : memref<3072xi32, #tpu.memory_space<hbm>>) dst(%arg7 : memref<3072xi32, #tpu.memory_space<vmem>>)
        tpu.yield
      }) : () -> ()
      "tpu.region"() ({
        %run_scoped3A_108 = tpu.sem_alloc : memref<!tpu.dma_semaphore, #tpu.memory_space<semaphore_mem>>
        %dma_start3A = arith.constant 0 : i32
        %dma_start3A_109 = tpu.memref_slice %arg3[%select_n3A, %select_n3A_101, %dma_start3A] : memref<4x4x128xf32, #tpu.memory_space<hbm>> -> memref<1x1x128xf32, #tpu.memory_space<hbm>>
        %dma_start3A_110 = tpu.memref_squeeze %dma_start3A_109 : memref<1x1x128xf32, #tpu.memory_space<hbm>> -> memref<128xf32, #tpu.memory_space<hbm>>
        %dma_start3A_111 = arith.constant 0 : i32
        %dma_start3A_112 = tpu.memref_slice %arg3[%select_n3A, %select_n3A_101, %dma_start3A_111] : memref<4x4x128xf32, #tpu.memory_space<hbm>> -> memref<1x1x128xf32, #tpu.memory_space<hbm>>
        %dma_start3A_113 = tpu.memref_squeeze %dma_start3A_112 : memref<1x1x128xf32, #tpu.memory_space<hbm>> -> memref<128xf32, #tpu.memory_space<hbm>>
        tpu.enqueue_dma source(%dma_start3A_113 : memref<128xf32, #tpu.memory_space<hbm>>) target(%arg10 : memref<128xf32, #tpu.memory_space<vmem>>) target_semaphore(%run_scoped3A_108 : memref<!tpu.dma_semaphore, #tpu.memory_space<semaphore_mem>>)
        %dma_wait3A = arith.constant 0 : i32
        %dma_wait3A_114 = tpu.memref_slice %arg3[%select_n3A, %select_n3A_101, %dma_wait3A] : memref<4x4x128xf32, #tpu.memory_space<hbm>> -> memref<1x1x128xf32, #tpu.memory_space<hbm>>
        %dma_wait3A_115 = tpu.memref_squeeze %dma_wait3A_114 : memref<1x1x128xf32, #tpu.memory_space<hbm>> -> memref<128xf32, #tpu.memory_space<hbm>>
        %dma_wait3A_116 = arith.constant 0 : i32
        %dma_wait3A_117 = tpu.memref_slice %arg3[%select_n3A, %select_n3A_101, %dma_wait3A_116] : memref<4x4x128xf32, #tpu.memory_space<hbm>> -> memref<1x1x128xf32, #tpu.memory_space<hbm>>
        %dma_wait3A_118 = tpu.memref_squeeze %dma_wait3A_117 : memref<1x1x128xf32, #tpu.memory_space<hbm>> -> memref<128xf32, #tpu.memory_space<hbm>>
        tpu.wait_dma2 semaphore(%run_scoped3A_108 : memref<!tpu.dma_semaphore, #tpu.memory_space<semaphore_mem>>) src(%dma_wait3A_118 : memref<128xf32, #tpu.memory_space<hbm>>) dst(%arg10 : memref<128xf32, #tpu.memory_space<vmem>>)
        tpu.yield
      }) : () -> ()
      %parallel_loop3A_102 = arith.constant 0 : i32
      %parallel_loop3A_103 = arith.constant 192 : i32
      %parallel_loop3A_104 = arith.constant 1 : i32
      scf.for %parallel_loop3A_108 = %parallel_loop3A_102 to %parallel_loop3A_103 step %parallel_loop3A_104  : i32 {
        %parallel_loop3A_109 = arith.constant 16 : i32
        %parallel_loop3A_110 = arith.muli %parallel_loop3A_108, %parallel_loop3A_109 : i32
        %parallel_loop3A_111 = arith.index_cast %parallel_loop3A_110 : i32 to index
        %parallel_loop3A_112 = tpu.vector_load %arg7[%parallel_loop3A_111] {strides = array<i32>} : memref<3072xi32, #tpu.memory_space<vmem>>, vector<16xi32>,
        %parallel_loop3A_113 = tpu.vector_load_idx %arg10[%parallel_loop3A_112] : memref<128xf32, #tpu.memory_space<vmem>>[vector<16xi32>], vector<16xf32>,
        %parallel_loop3A_114 = arith.constant 0 : i32
        %parallel_loop3A_115 = arith.index_cast %parallel_loop3A_114 : i32 to index
        %parallel_loop3A_116 = arith.index_cast %parallel_loop3A_110 : i32 to index
        %parallel_loop3A_117 = tpu.vector_load %arg9[%parallel_loop3A_115, %parallel_loop3A_116] {strides = array<i32>} : memref<16x3072xf32, #tpu.memory_space<vmem>>, vector<16xf32>,
        tpu.vector_store %arg9[%parallel_loop3A_115, %parallel_loop3A_116], %parallel_loop3A_113 {strides = array<i32>} : memref<16x3072xf32, #tpu.memory_space<vmem>>, vector<16xf32>,
      } {sc.loop_unroll_factor = 8 : i64, sc.parallel_access}
      %add3A_105 = arith.constant 1024 : i32
      %add3A_106 = arith.addi %add3A_105, %select_n3A_101 : i32
      %run_scoped3A_107 = arith.constant 0 : i32
      "tpu.region"() ({
        %run_scoped3A_108 = tpu.sem_alloc : memref<!tpu.dma_semaphore, #tpu.memory_space<semaphore_mem>>
        %dma_start3A = arith.constant 0 : i32
        %dma_start3A_109 = tpu.memref_slice %arg9[%run_scoped3A_107, %dma_start3A] : memref<16x3072xf32, #tpu.memory_space<vmem>> -> memref<1x3072xf32, #tpu.memory_space<vmem>>
        %dma_start3A_110 = tpu.memref_squeeze %dma_start3A_109 : memref<1x3072xf32, #tpu.memory_space<vmem>> -> memref<3072xf32, #tpu.memory_space<vmem>>
        %dma_start3A_111 = arith.constant 0 : i32
        %dma_start3A_112 = tpu.memref_slice %arg6[%select_n3A, %add3A_106, %dma_start3A_111] : memref<4x1028x3072xf32, #tpu.memory_space<hbm>> -> memref<1x1x3072xf32, #tpu.memory_space<hbm>>
        %dma_start3A_113 = tpu.memref_squeeze %dma_start3A_112 : memref<1x1x3072xf32, #tpu.memory_space<hbm>> -> memref<3072xf32, #tpu.memory_space<hbm>>
        %dma_start3A_114 = arith.constant 0 : i32
        %dma_start3A_115 = tpu.memref_slice %arg6[%select_n3A, %add3A_106, %dma_start3A_114] : memref<4x1028x3072xf32, #tpu.memory_space<hbm>> -> memref<1x1x3072xf32, #tpu.memory_space<hbm>>
        %dma_start3A_116 = tpu.memref_squeeze %dma_start3A_115 : memref<1x1x3072xf32, #tpu.memory_space<hbm>> -> memref<3072xf32, #tpu.memory_space<hbm>>
        %dma_start3A_117 = arith.constant 0 : i32
        %dma_start3A_118 = tpu.memref_slice %arg9[%run_scoped3A_107, %dma_start3A_117] : memref<16x3072xf32, #tpu.memory_space<vmem>> -> memref<1x3072xf32, #tpu.memory_space<vmem>>
        %dma_start3A_119 = tpu.memref_squeeze %dma_start3A_118 : memref<1x3072xf32, #tpu.memory_space<vmem>> -> memref<3072xf32, #tpu.memory_space<vmem>>
        tpu.enqueue_dma source(%dma_start3A_119 : memref<3072xf32, #tpu.memory_space<vmem>>) target(%dma_start3A_116 : memref<3072xf32, #tpu.memory_space<hbm>>) target_semaphore(%run_scoped3A_108 : memref<!tpu.dma_semaphore, #tpu.memory_space<semaphore_mem>>)
        %dma_wait3A = arith.constant 0 : i32
        %dma_wait3A_120 = tpu.memref_slice %arg9[%run_scoped3A_107, %dma_wait3A] : memref<16x3072xf32, #tpu.memory_space<vmem>> -> memref<1x3072xf32, #tpu.memory_space<vmem>>
        %dma_wait3A_121 = tpu.memref_squeeze %dma_wait3A_120 : memref<1x3072xf32, #tpu.memory_space<vmem>> -> memref<3072xf32, #tpu.memory_space<vmem>>
        %dma_wait3A_122 = arith.constant 0 : i32
        %dma_wait3A_123 = tpu.memref_slice %arg6[%select_n3A, %add3A_106, %dma_wait3A_122] : memref<4x1028x3072xf32, #tpu.memory_space<hbm>> -> memref<1x1x3072xf32, #tpu.memory_space<hbm>>
        %dma_wait3A_124 = tpu.memref_squeeze %dma_wait3A_123 : memref<1x1x3072xf32, #tpu.memory_space<hbm>> -> memref<3072xf32, #tpu.memory_space<hbm>>
        %dma_wait3A_125 = arith.constant 0 : i32
        %dma_wait3A_126 = tpu.memref_slice %arg6[%select_n3A, %add3A_106, %dma_wait3A_125] : memref<4x1028x3072xf32, #tpu.memory_space<hbm>> -> memref<1x1x3072xf32, #tpu.memory_space<hbm>>
        %dma_wait3A_127 = tpu.memref_squeeze %dma_wait3A_126 : memref<1x1x3072xf32, #tpu.memory_space<hbm>> -> memref<3072xf32, #tpu.memory_space<hbm>>
        %dma_wait3A_128 = arith.constant 0 : i32
        %dma_wait3A_129 = tpu.memref_slice %arg9[%run_scoped3A_107, %dma_wait3A_128] : memref<16x3072xf32, #tpu.memory_space<vmem>> -> memref<1x3072xf32, #tpu.memory_space<vmem>>
        %dma_wait3A_130 = tpu.memref_squeeze %dma_wait3A_129 : memref<1x3072xf32, #tpu.memory_space<vmem>> -> memref<3072xf32, #tpu.memory_space<vmem>>
        tpu.wait_dma2 semaphore(%run_scoped3A_108 : memref<!tpu.dma_semaphore, #tpu.memory_space<semaphore_mem>>) src(%dma_wait3A_130 : memref<3072xf32, #tpu.memory_space<vmem>>) dst(%dma_wait3A_127 : memref<3072xf32, #tpu.memory_space<hbm>>)
        tpu.yield
      }) : () -> ()
    } else {
    }
    return
  }
}

module attributes {stable_mosaic.version = 14 : i64} {
  func.func @_vq_tc_body(%arg0: i32, %arg1: i32, %arg2: memref<4x4xf32, #tpu.memory_space<smem>>, %arg3: memref<1x1028x1536xf32, #tpu.memory_space<vmem>>, %arg4: memref<512x1024xf32, #tpu.memory_space<vmem>>, %arg5: memref<4x128x4xf32, #tpu.memory_space<vmem>>, %arg6: memref<1x1x1536xi32, #tpu.memory_space<vmem>>, %arg7: memref<1x1x1536xi32, #tpu.memory_space<vmem>>, %arg8: memref<1x1x1x1xf32, #tpu.memory_space<vmem>>) attributes {dimension_semantics = [#tpu.dimension_semantics<parallel>, #tpu.dimension_semantics<parallel>], iteration_bounds = array<i64: 4, 2>, scalar_prefetch = 0 : i64, scratch_operands = 0 : i64, tpu.core_type = #tpu.core_type<tc>, window_params = [{transform_indices = @transform_0, window_bounds = array<i64: 4, 4>}, {transform_indices = @transform_1, window_bounds = array<i64: 1, 1028, 1536>}, {pipeline_mode = #tpu.pipeline_mode<synchronous>, transform_indices = @transform_2, window_bounds = array<i64: 512, 1024>}, {pipeline_mode = #tpu.pipeline_mode<synchronous>, transform_indices = @transform_3, window_bounds = array<i64: 4, 128, 4>}, {transform_indices = @transform_4, window_bounds = array<i64: 1, 1, 1536>}, {transform_indices = @transform_5, window_bounds = array<i64: 1, 1, 1536>}, {transform_indices = @transform_6, window_bounds = array<i64: 1, 1, 1, 1>}]} {
    %get3A = arith.constant 0 : index
    %get3A_0 = arith.constant 0 : index
    %get3A_1 = arith.constant 0 : index
    %get3A_2 = vector.load %arg3[%get3A, %get3A_0, %get3A_1] : memref<1x1028x1536xf32, #tpu.memory_space<vmem>>, vector<1x1024x1536xf32>
    %get3A_3 = vector.shape_cast %get3A_2 : vector<1x1024x1536xf32> to vector<1024x1536xf32>
    %get3A_4 = arith.constant 0 : index
    %get3A_5 = arith.constant 1024 : index
    %get3A_6 = arith.constant 0 : index
    %get3A_7 = vector.load %arg3[%get3A_4, %get3A_5, %get3A_6] : memref<1x1028x1536xf32, #tpu.memory_space<vmem>>, vector<1x4x1536xf32>
    %get3A_8 = vector.shape_cast %get3A_7 : vector<1x4x1536xf32> to vector<4x1536xf32>
    %get3A_9 = arith.constant 0 : index
    %get3A_10 = arith.constant 0 : index
    %get3A_11 = vector.load %arg4[%get3A_9, %get3A_10] : memref<512x1024xf32, #tpu.memory_space<vmem>>, vector<512x1024xf32>
    %dot_general3A = arith.constant dense<0.000000e+00> : vector<512x1536xf32>
    %dot_general3A_12 = tpu.matmul %get3A_11, %get3A_3, %dot_general3A {dimension_numbers = #tpu.dot_dimension_numbers<[1], [0], [0], [1], [0, 0, 1, 1], [], []>, transpose_lhs_hint = false} : vector<512x1024xf32>, vector<1024x1536xf32>, vector<512x1536xf32> -> vector<512x1536xf32>
    %mul3A = arith.mulf %get3A_3, %get3A_3 : vector<1024x1536xf32>
    %reduce_sum3A = arith.constant dense<0.000000e+00> : vector<1536xf32>
    %reduce_sum3A_13 = vector.multi_reduction <add>, %mul3A, %reduce_sum3A [0] : vector<1024x1536xf32> to vector<1536xf32>
    %broadcast_in_dim3A = vector.shape_cast %reduce_sum3A_13 : vector<1536xf32> to vector<1x1536xf32>
    %mul3A_14 = arith.mulf %get3A_11, %get3A_11 : vector<512x1024xf32>
    %reduce_sum3A_15 = arith.constant dense<0.000000e+00> : vector<512xf32>
    %reduce_sum3A_16 = vector.multi_reduction <add>, %mul3A_14, %reduce_sum3A_15 [1] : vector<512x1024xf32> to vector<512xf32>
    %broadcast_in_dim3A_17 = vector.shape_cast %reduce_sum3A_16 : vector<512xf32> to vector<512x1xf32>
    %mul3A_18 = arith.constant 2.000000e+00 : f32
    %mul3A_19 = vector.broadcast %mul3A_18 : f32 to vector<512x1536xf32>
    %mul3A_20 = arith.mulf %mul3A_19, %dot_general3A_12 : vector<512x1536xf32>
    %sub3A = vector.broadcast %broadcast_in_dim3A : vector<1x1536xf32> to vector<512x1536xf32>
    %sub3A_21 = arith.subf %sub3A, %mul3A_20 : vector<512x1536xf32>
    %add3A = vector.broadcast %broadcast_in_dim3A_17 : vector<512x1xf32> to vector<512x1536xf32>
    %add3A_22 = arith.addf %sub3A_21, %add3A : vector<512x1536xf32>
    %reduce_min3A = arith.constant dense<0x7F800000> : vector<1536xf32>
    %reduce_min3A_23 = vector.multi_reduction <minimumf>, %add3A_22, %reduce_min3A [0] : vector<512x1536xf32> to vector<1536xf32>
    %broadcast_in_dim3A_24 = vector.shape_cast %reduce_min3A_23 : vector<1536xf32> to vector<1x1536xf32>
    %iota3A = tpu.iota {dimensions = array<i32: 0>} : vector<512x1536xi32>
    %eq3A = vector.broadcast %broadcast_in_dim3A_24 : vector<1x1536xf32> to vector<512x1536xf32>
    %eq3A_25 = arith.cmpf oeq, %add3A_22, %eq3A : vector<512x1536xf32>
    %jit3A = arith.constant 512 : i32
    %broadcast_in_dim3A_26 = vector.broadcast %jit3A : i32 to vector<512x1536xi32>
    %select_n3A = arith.select %eq3A_25, %iota3A, %broadcast_in_dim3A_26 : vector<512x1536xi1>, vector<512x1536xi32>
    %reduce_min3A_27 = arith.constant dense<2147483647> : vector<1536xi32>
    %reduce_min3A_28 = vector.multi_reduction <minsi>, %select_n3A, %reduce_min3A_27 [0] : vector<512x1536xi32> to vector<1536xi32>
    %get3A_29 = arith.index_cast %arg0 : i32 to index
    %get3A_30 = arith.constant 0 : index
    %get3A_31 = memref.load %arg2[%get3A_29, %get3A_30] : memref<4x4xf32, #tpu.memory_space<smem>>
    %get3A_32 = arith.constant 0 : index
    %get3A_33 = arith.constant 0 : index
    %get3A_34 = arith.constant 0 : index
    %get3A_35 = vector.load %arg5[%get3A_32, %get3A_33, %get3A_34] : memref<4x128x4xf32, #tpu.memory_space<vmem>>, vector<1x128x4xf32>
    %get3A_36 = vector.shape_cast %get3A_35 : vector<1x128x4xf32> to vector<128x4xf32>
    %mul3A_37 = vector.broadcast %get3A_31 : f32 to vector<128x4xf32>
    %mul3A_38 = arith.mulf %mul3A_37, %get3A_36 : vector<128x4xf32>
    %get3A_39 = arith.index_cast %arg0 : i32 to index
    %get3A_40 = arith.constant 1 : index
    %get3A_41 = memref.load %arg2[%get3A_39, %get3A_40] : memref<4x4xf32, #tpu.memory_space<smem>>
    %get3A_42 = arith.constant 1 : index
    %get3A_43 = arith.constant 0 : index
    %get3A_44 = arith.constant 0 : index
    %get3A_45 = vector.load %arg5[%get3A_42, %get3A_43, %get3A_44] : memref<4x128x4xf32, #tpu.memory_space<vmem>>, vector<1x128x4xf32>
    %get3A_46 = vector.shape_cast %get3A_45 : vector<1x128x4xf32> to vector<128x4xf32>
    %mul3A_47 = vector.broadcast %get3A_41 : f32 to vector<128x4xf32>
    %mul3A_48 = arith.mulf %mul3A_47, %get3A_46 : vector<128x4xf32>
    %add3A_49 = arith.addf %mul3A_38, %mul3A_48 : vector<128x4xf32>
    %get3A_50 = arith.index_cast %arg0 : i32 to index
    %get3A_51 = arith.constant 2 : index
    %get3A_52 = memref.load %arg2[%get3A_50, %get3A_51] : memref<4x4xf32, #tpu.memory_space<smem>>
    %get3A_53 = arith.constant 2 : index
    %get3A_54 = arith.constant 0 : index
    %get3A_55 = arith.constant 0 : index
    %get3A_56 = vector.load %arg5[%get3A_53, %get3A_54, %get3A_55] : memref<4x128x4xf32, #tpu.memory_space<vmem>>, vector<1x128x4xf32>
    %get3A_57 = vector.shape_cast %get3A_56 : vector<1x128x4xf32> to vector<128x4xf32>
    %mul3A_58 = vector.broadcast %get3A_52 : f32 to vector<128x4xf32>
    %mul3A_59 = arith.mulf %mul3A_58, %get3A_57 : vector<128x4xf32>
    %add3A_60 = arith.addf %add3A_49, %mul3A_59 : vector<128x4xf32>
    %get3A_61 = arith.index_cast %arg0 : i32 to index
    %get3A_62 = arith.constant 3 : index
    %get3A_63 = memref.load %arg2[%get3A_61, %get3A_62] : memref<4x4xf32, #tpu.memory_space<smem>>
    %get3A_64 = arith.constant 3 : index
    %get3A_65 = arith.constant 0 : index
    %get3A_66 = arith.constant 0 : index
    %get3A_67 = vector.load %arg5[%get3A_64, %get3A_65, %get3A_66] : memref<4x128x4xf32, #tpu.memory_space<vmem>>, vector<1x128x4xf32>
    %get3A_68 = vector.shape_cast %get3A_67 : vector<1x128x4xf32> to vector<128x4xf32>
    %mul3A_69 = vector.broadcast %get3A_63 : f32 to vector<128x4xf32>
    %mul3A_70 = arith.mulf %mul3A_69, %get3A_68 : vector<128x4xf32>
    %add3A_71 = arith.addf %add3A_60, %mul3A_70 : vector<128x4xf32>
    %dot_general3A_72 = arith.constant dense<0.000000e+00> : vector<128x1536xf32>
    %dot_general3A_73 = tpu.matmul %add3A_71, %get3A_8, %dot_general3A_72 {dimension_numbers = #tpu.dot_dimension_numbers<[1], [0], [0], [1], [0, 0, 1, 1], [], []>, transpose_lhs_hint = false} : vector<128x4xf32>, vector<4x1536xf32>, vector<128x1536xf32> -> vector<128x1536xf32>
    %mul3A_74 = arith.mulf %get3A_8, %get3A_8 : vector<4x1536xf32>
    %reduce_sum3A_75 = arith.constant dense<0.000000e+00> : vector<1536xf32>
    %reduce_sum3A_76 = vector.multi_reduction <add>, %mul3A_74, %reduce_sum3A_75 [0] : vector<4x1536xf32> to vector<1536xf32>
    %broadcast_in_dim3A_77 = vector.shape_cast %reduce_sum3A_76 : vector<1536xf32> to vector<1x1536xf32>
    %mul3A_78 = arith.mulf %add3A_71, %add3A_71 : vector<128x4xf32>
    %reduce_sum3A_79 = arith.constant dense<0.000000e+00> : vector<128xf32>
    %reduce_sum3A_80 = vector.multi_reduction <add>, %mul3A_78, %reduce_sum3A_79 [1] : vector<128x4xf32> to vector<128xf32>
    %broadcast_in_dim3A_81 = vector.shape_cast %reduce_sum3A_80 : vector<128xf32> to vector<128x1xf32>
    %mul3A_82 = arith.constant 2.000000e+00 : f32
    %mul3A_83 = vector.broadcast %mul3A_82 : f32 to vector<128x1536xf32>
    %mul3A_84 = arith.mulf %mul3A_83, %dot_general3A_73 : vector<128x1536xf32>
    %sub3A_85 = vector.broadcast %broadcast_in_dim3A_77 : vector<1x1536xf32> to vector<128x1536xf32>
    %sub3A_86 = arith.subf %sub3A_85, %mul3A_84 : vector<128x1536xf32>
    %add3A_87 = vector.broadcast %broadcast_in_dim3A_81 : vector<128x1xf32> to vector<128x1536xf32>
    %add3A_88 = arith.addf %sub3A_86, %add3A_87 : vector<128x1536xf32>
    %reduce_min3A_89 = arith.constant dense<0x7F800000> : vector<1536xf32>
    %reduce_min3A_90 = vector.multi_reduction <minimumf>, %add3A_88, %reduce_min3A_89 [0] : vector<128x1536xf32> to vector<1536xf32>
    %broadcast_in_dim3A_91 = vector.shape_cast %reduce_min3A_90 : vector<1536xf32> to vector<1x1536xf32>
    %iota3A_92 = tpu.iota {dimensions = array<i32: 0>} : vector<128x1536xi32>
    %eq3A_93 = vector.broadcast %broadcast_in_dim3A_91 : vector<1x1536xf32> to vector<128x1536xf32>
    %eq3A_94 = arith.cmpf oeq, %add3A_88, %eq3A_93 : vector<128x1536xf32>
    %jit3A_95 = arith.constant 128 : i32
    %broadcast_in_dim3A_96 = vector.broadcast %jit3A_95 : i32 to vector<128x1536xi32>
    %select_n3A_97 = arith.select %eq3A_94, %iota3A_92, %broadcast_in_dim3A_96 : vector<128x1536xi1>, vector<128x1536xi32>
    %reduce_min3A_98 = arith.constant dense<2147483647> : vector<1536xi32>
    %reduce_min3A_99 = vector.multi_reduction <minsi>, %select_n3A_97, %reduce_min3A_98 [0] : vector<128x1536xi32> to vector<1536xi32>
    %swap3A = arith.constant 0 : index
    %swap3A_100 = arith.constant 0 : index
    %swap3A_101 = arith.constant 0 : index
    %swap3A_102 = vector.load %arg6[%swap3A, %swap3A_100, %swap3A_101] : memref<1x1x1536xi32, #tpu.memory_space<vmem>>, vector<1x1x1536xi32>
    %swap3A_103 = vector.shape_cast %swap3A_102 : vector<1x1x1536xi32> to vector<1536xi32>
    %swap3A_104 = vector.shape_cast %reduce_min3A_28 : vector<1536xi32> to vector<1x1x1536xi32>
    tpu.vector_store %arg6[%swap3A, %swap3A_100, %swap3A_101], %swap3A_104 {strides = array<i32>} : memref<1x1x1536xi32, #tpu.memory_space<vmem>>, vector<1x1x1536xi32>,
    %swap3A_105 = arith.constant 0 : index
    %swap3A_106 = arith.constant 0 : index
    %swap3A_107 = arith.constant 0 : index
    %swap3A_108 = vector.load %arg7[%swap3A_105, %swap3A_106, %swap3A_107] : memref<1x1x1536xi32, #tpu.memory_space<vmem>>, vector<1x1x1536xi32>
    %swap3A_109 = vector.shape_cast %swap3A_108 : vector<1x1x1536xi32> to vector<1536xi32>
    %swap3A_110 = vector.shape_cast %reduce_min3A_99 : vector<1536xi32> to vector<1x1x1536xi32>
    tpu.vector_store %arg7[%swap3A_105, %swap3A_106, %swap3A_107], %swap3A_110 {strides = array<i32>} : memref<1x1x1536xi32, #tpu.memory_space<vmem>>, vector<1x1x1536xi32>,
    %reduce_sum3A_111 = vector.shape_cast %broadcast_in_dim3A_24 : vector<1x1536xf32> to vector<1x1x1536xf32>
    %reduce_sum3A_112 = arith.constant dense<0.000000e+00> : vector<1xf32>
    %reduce_sum3A_113 = vector.multi_reduction <add>, %reduce_sum3A_111, %reduce_sum3A_112 [1, 2] : vector<1x1x1536xf32> to vector<1xf32>
    %reduce_sum3A_114 = vector.shape_cast %reduce_sum3A_113 : vector<1xf32> to vector<1x1x1xf32>
    %reduce_sum3A_115 = vector.extract %reduce_sum3A_114[0, 0, 0] : f32 from vector<1x1x1xf32>
    %reduce_sum3A_116 = vector.shape_cast %broadcast_in_dim3A_91 : vector<1x1536xf32> to vector<1x1x1536xf32>
    %reduce_sum3A_117 = arith.constant dense<0.000000e+00> : vector<1xf32>
    %reduce_sum3A_118 = vector.multi_reduction <add>, %reduce_sum3A_116, %reduce_sum3A_117 [1, 2] : vector<1x1x1536xf32> to vector<1xf32>
    %reduce_sum3A_119 = vector.shape_cast %reduce_sum3A_118 : vector<1xf32> to vector<1x1x1xf32>
    %reduce_sum3A_120 = vector.extract %reduce_sum3A_119[0, 0, 0] : f32 from vector<1x1x1xf32>
    %add3A_121 = arith.addf %reduce_sum3A_115, %reduce_sum3A_120 : f32
    %reshape3A = vector.broadcast %add3A_121 : f32 to vector<1x1x1x1xf32>
    %swap3A_122 = arith.constant 0 : index
    %swap3A_123 = arith.constant 0 : index
    %swap3A_124 = arith.constant 0 : index
    %swap3A_125 = arith.constant 0 : index
    %swap3A_126 = vector.load %arg8[%swap3A_122, %swap3A_123, %swap3A_124, %swap3A_125] : memref<1x1x1x1xf32, #tpu.memory_space<vmem>>, vector<1x1x1x1xf32>
    tpu.vector_store %arg8[%swap3A_122, %swap3A_123, %swap3A_124, %swap3A_125], %reshape3A {strides = array<i32>} : memref<1x1x1x1xf32, #tpu.memory_space<vmem>>, vector<1x1x1x1xf32>,
    return
  }
  func.func @transform_0(%arg0: i32, %arg1: i32) -> (i32, i32) {
    %c0_i32 = arith.constant 0 : i32
    %c0_i32_0 = arith.constant 0 : i32
    %c0_i32_1 = arith.constant 0 : i32
    return %c0_i32, %c0_i32_0 : i32, i32
  }
  func.func @transform_1(%arg0: i32, %arg1: i32) -> (i32, i32, i32) {
    %c0_i32 = arith.constant 0 : i32
    %c0_i32_0 = arith.constant 0 : i32
    return %arg0, %c0_i32, %arg1 : i32, i32, i32
  }
  func.func @transform_2(%arg0: i32, %arg1: i32) -> (i32, i32) {
    %c0_i32 = arith.constant 0 : i32
    %c0_i32_0 = arith.constant 0 : i32
    %c0_i32_1 = arith.constant 0 : i32
    return %c0_i32, %c0_i32_0 : i32, i32
  }
  func.func @transform_3(%arg0: i32, %arg1: i32) -> (i32, i32, i32) {
    %c0_i32 = arith.constant 0 : i32
    %c0_i32_0 = arith.constant 0 : i32
    %c0_i32_1 = arith.constant 0 : i32
    %c0_i32_2 = arith.constant 0 : i32
    return %c0_i32, %c0_i32_0, %c0_i32_1 : i32, i32, i32
  }
  func.func @transform_4(%arg0: i32, %arg1: i32) -> (i32, i32, i32) {
    %c0_i32 = arith.constant 0 : i32
    %c0_i32_0 = arith.constant 0 : i32
    return %arg0, %c0_i32, %arg1 : i32, i32, i32
  }
  func.func @transform_5(%arg0: i32, %arg1: i32) -> (i32, i32, i32) {
    %c0_i32 = arith.constant 0 : i32
    %c0_i32_0 = arith.constant 0 : i32
    return %arg0, %c0_i32, %arg1 : i32, i32, i32
  }
  func.func @transform_6(%arg0: i32, %arg1: i32) -> (i32, i32, i32, i32) {
    %c0_i32 = arith.constant 0 : i32
    %c0_i32_0 = arith.constant 0 : i32
    %c0_i32_1 = arith.constant 0 : i32
    return %arg0, %arg1, %c0_i32, %c0_i32_0 : i32, i32, i32, i32
  }
}

</mosaic_0001>

<sc_bundles>
// kernel: kernel.4.cloned.1.call-start
scs
__scs_entry_jumppad:
0x0: {  	(pc) =	sbr.rel $0x88, $3  }
0x1: {  	(tag) =	ssettag $0x0;
	lr =	simm.s32 $0x1  }
0x2: {  	[smem:$0x3F9D] =	sst lr;
	_ =	strace $0xD0000000  }
0x3: {  	_ = 	snop  }
0x4: {  	_ = 	snop  }
0x5: {  	_ = 	snop  }
0x6: {  	_ = 	snop  }
0x7: {  	_ = 	snop  }
__scs_overlays_trampoline_lowered:
0x8: {  	[smem:$0x3FAC] =	sst s0  }
0x9: {  	[smem:$0x3FAD] =	sst s1  }
0xa: {  	[smem:$0x3FAE] =	sst s2  }
0xb: {  	[smem:$0x3FAF] =	sst s3  }
0xc: {  	[smem:$0x3FB0] =	sst s4  }
0xd: {  	[smem:$0x3FB1] =	sst s5  }
0xe: {  	[smem:$0x3FB2] =	sst s6  }
0xf: {  	[smem:$0x3FB3] =	sst s7  }
0x10: {  	[smem:$0x3FB4] =	sst s8  }
0x11: {  	[smem:$0x3FB5] =	sst s9;
	s0 =	simm.s32 @!p0 $0x0  }
0x12: {  	s1 =	sld [smem:$0x3F9B];
	s0 =	simm.s32 @p0 $0x1  }
0x13: {  	[smem:$0x3FB6] =	sst s0;
	s0 =	simm.s32 @!p1 $0x0  }
0x14: {  	s2 =	sld [smem:$0x3F9A];
	s0 =	simm.s32 @p1 $0x1  }
0x15: {  	[smem:$0x3FB7] =	sst s0;
	s0 =	simm.s32 @!p2 $0x0  }
0x16: {  	s3 =	sld [smem:$0x3FDB];
	s0 =	simm.s32 @p2 $0x1  }
0x17: {  	s4 =	simm.s32 $0x1BF5;
	[smem:$0x3FB9] =	sst s0  }
0x18: {  	s0 =	sld [smem:$0x3F9C];
	_ =	swait.ge [sflag:s4], $0x0  }
0x19: {  	s7 =	sld [smem:$0x3F9D]  }
0x1a: {  	s8 =	sadd.s32 $0xFFFFE003, lr  }
0x1b: {  	s9 =	sadd.s32 $0xFFFFFEF7, lr;
	s5 =	simm.s32 $0xFFFFFFFF;
	p2 =	slt.u32 s8, $0xFFFFF086  }
0x1c: {  	p1 =	slt.u32 s9, $0xF7A;
	s5 =	simm.s32 @!p2 $0x0  }
0x1d: {  	s5 =	simm.s32 @p1 $0x1;
	p0 =	seq.s32 s7, s2  }
0x1e: {  	s7 =	smul.u32 @!p0 $0xF7A, s2;
	p2 =	seq.s32 @!p0 s5, $0x0  }
0x1f: {  	s9 =	smul.u32 $0xF7A, s1;
	s8 =	simm.s32 @!p0 $0x1BF5;
	p2 =	por !p2, p0  }
0x20: {  	[sflag:s8] =	ssyncset.s32 @!p0 $0xFFFFF086;
	s6 =	sadd.s32 @!p0 s3, s7;
	s7 =	simm.s32 @!p0 $0x108  }
0x21: {  	s3 =	sadd.s32 s3, s9;
	s6 =	sadd.s32 @!p0 $0x88, s6;
	s7 =	simm.s32 @p2 $0x1082  }
0x22: {  	[simem:s7], [sflag:s8] =	dma.local @!p0 [hbm:s6], $0xF7A  }
0x23: {  	s9 =	sor.u32 $0xD0000000, s2;
	s6 =	simm.s32 $0x108;
	_ =	swait.ge @!p0 [sflag:s8], $0x0  }
0x24: {  	s3 =	sadd.s32 $0x88, s3;
	s6 =	simm.s32 @!p1 $0x1082;
	[sflag:s4] =	ssyncset.s32 $0xFFFFF086  }
0x25: {  	[simem:s6], [sflag:s4] =	dma.local [hbm:s3], $0xF7A  }
0x26: {  	[smem:$0x3F9D] =	sst s1;
	(tag) =	ssettag s2;
	_ =	strace s9  }
0x27: {  	s1 =	sld [smem:$0x3FAD]  }
0x28: {  	s2 =	sld [smem:$0x3FAE]  }
0x29: {  	s4 =	sld [smem:$0x3FB0]  }
0x2a: {  	p0 =	seq.s32 s5, $0x0;
	s5 =	sld [smem:$0x3FB1]  }
0x2b: {  	s6 =	sld [smem:$0x3FB2]  }
0x2c: {  	s7 =	sld [smem:$0x3FB3]  }
0x2d: {  	s3 =	simm.s32 $0x108;
	s8 =	sld [smem:$0x3FB4]  }
0x2e: {  	s3 =	simm.s32 @!p0 $0x1082;
	s9 =	sld [smem:$0x3FB5]  }
0x2f: {  	lr =	sadd.s32 s0, s3;
	s0 =	sld [smem:$0x3FAC]  }
0x30: {  	s3 =	sld [smem:$0x3FAF]  }
0x31: {  	[smem:$0x3FB8] =	sst s10  }
0x32: {  	s10 =	sld [smem:$0x3FB6];
	_ =	sdelay $0x3  }
0x33: {  	p0 =	seq.s32 s10, $0x1;
	s10 =	sld [smem:$0x3FB8];
	_ =	sdelay $0x3  }
0x34: {  	[smem:$0x3FB8] =	sst s10  }
0x35: {  	s10 =	sld [smem:$0x3FB7];
	_ =	sdelay $0x3  }
0x36: {  	p1 =	seq.s32 s10, $0x1;
	s10 =	sld [smem:$0x3FB8];
	_ =	sdelay $0x3  }
0x37: {  	[smem:$0x3FB8] =	sst s10  }
0x38: {  	s10 =	sld [smem:$0x3FB9]  }
0x39: {  	_ = 	snop;
	(pc) =	sbr.ind lr, $3  }
0x3a: {  	_ = 	snop  }
0x3b: {  	_ = 	snop  }
0x3c: {  	p2 =	seq.s32 s10, $0x1;
	s10 =	sld [smem:$0x3FB8]  }
0x3d: {  	_ =	shalt  }
0x3e: {  	_ =	shalt  }
0x3f: {  	_ =	shalt  }
0x40: {  	_ =	shalt  }
0x41: {  	_ =	shalt  }
0x42: {  	_ =	shalt  }
0x43: {  	_ =	shalt  }
0x44: {  	_ =	shalt  }
0x45: {  	_ =	shalt  }
0x46: {  	_ =	shalt  }
0x47: {  	_ =	shalt  }
0x48: {  	_ =	shalt  }
0x49: {  	_ =	shalt  }
0x4a: {  	_ =	shalt  }
0x4b: {  	_ =	shalt  }
0x4c: {  	_ =	shalt  }
0x4d: {  	_ =	shalt  }
0x4e: {  	_ =	shalt  }
0x4f: {  	_ =	shalt  }
0x50: {  	_ =	shalt  }
0x51: {  	_ =	shalt  }
0x52: {  	_ =	shalt  }
0x53: {  	_ =	shalt  }
0x54: {  	_ =	shalt  }
0x55: {  	_ =	shalt  }
0x56: {  	_ =	shalt  }
0x57: {  	_ =	shalt  }
0x58: {  	_ =	shalt  }
0x59: {  	_ =	shalt  }
0x5a: {  	_ =	shalt  }
0x5b: {  	_ =	shalt  }
0x5c: {  	_ =	shalt  }
0x5d: {  	_ =	shalt  }
0x5e: {  	_ =	shalt  }
0x5f: {  	_ =	shalt  }
0x60: {  	_ =	shalt  }
0x61: {  	_ =	shalt  }
0x62: {  	_ =	shalt  }
0x63: {  	_ =	shalt  }
0x64: {  	_ =	shalt  }
0x65: {  	_ =	shalt  }
0x66: {  	_ =	shalt  }
0x67: {  	_ =	shalt  }
0x68: {  	_ =	shalt  }
0x69: {  	_ =	shalt  }
0x6a: {  	_ =	shalt  }
0x6b: {  	_ =	shalt  }
0x6c: {  	_ =	shalt  }
0x6d: {  	_ =	shalt  }
0x6e: {  	_ =	shalt  }
0x6f: {  	_ =	shalt  }
0x70: {  	_ =	shalt  }
0x71: {  	_ =	shalt  }
0x72: {  	_ =	shalt  }
0x73: {  	_ =	shalt  }
0x74: {  	_ =	shalt  }
0x75: {  	_ =	shalt  }
0x76: {  	_ =	shalt  }
0x77: {  	_ =	shalt  }
0x78: {  	_ =	shalt  }
0x79: {  	_ =	shalt  }
0x7a: {  	_ =	shalt  }
0x7b: {  	_ =	shalt  }
0x7c: {  	_ =	shalt  }
0x7d: {  	_ =	shalt  }
0x7e: {  	_ =	shalt  }
0x7f: {  	_ =	shalt  }
0x80: {  	_ =	shalt  }
0x81: {  	_ =	shalt  }
0x82: {  	_ =	shalt  }
0x83: {  	_ =	shalt  }
0x84: {  	_ =	shalt  }
0x85: {  	_ =	shalt  }
0x86: {  	_ =	shalt  }
0x87: {  	_ =	shalt  }
.Lfunc_end0:
.L_simem_size_0:
called_computation_lowered:
.L_overlay_start_0:
0x88: {  	s2 =	sld [smem:$0x3FD9]  }
0x89: {  	s3 =	sld [smem:$0x3FFE];
	_ =	sdelay $0x1  }
0x8a: {  	s1 =	srdreg.scid  }
0x8b: {  	s0 =	sand.u32 $0x1, s1  }
0x8c: {  	s14 =	sshll.u32 s0, $0xA;
	s2 =	sadd.s32 s3, s2  }
0x8d: {  	s2 =	sadd.s32 s2, s14  }
0x8e: {  	[smem:$0x3FC4] =	sst s2  }
0x8f: {  	_ = 	snop  }
0x90: {  	s2 =	sld [smem:$0x3FD0];
	_ =	sdelay $0x2  }
0x91: {  	s15 =	simm.s32 $0xA;
	s4 =	simm.s32 $0x10  }
0x92: {  	[smem:s4], [sflag:s15] =	dma.local [hbm:s2], $0x1  }
0x93: {  	_ =	swait.eq [sflag:s15], $0x1  }
0x94: {  	[sflag:s15] =	ssyncset.done $0x0  }
0x95: {  	s16 =	sld [smem:$0x12];
	[sflag:s15] =	ssyncadd.s32 $0xFFFFFFFF  }
0x96: {  	s17 =	sld [smem:$0x13];
	(tm) =	ssettm $0x1  }
0x97: {  	s18 =	sld [smem:$0x3FFB];
	_ =	sdelay $0x3  }
0x98: {  	_ =	strace s18  }
0x99: {  	s4 =	sld [smem:$0x3FFC];
	_ =	sdelay $0x3  }
0x9a: {  	_ =	strace s4  }
0x9b: {  	s4 =	sld [smem:$0x3FFD];
	_ =	sdelay $0x3  }
0x9c: {  	_ =	strace s4  }
0x9d: {  	_ =	strace $0x8FFFFFFF  }
0x9e: {  	s19 =	sld [smem:$0x3FDB];
	_ =	sdelay $0x1  }
0x9f: {  	s5 =	simm.s32 $_scs_section_size  }
0xa0: {  	s6 =	simm.s32 $_size__tile_overlayer_lowered;
	s7 =	simm.s32 $_tile_overlayer_lowered  }
0xa1: {  	s22 =	simm.s32 $0x1BFF;
	s21 =	sshll.u32 s7, $0x1;
	s4 =	sadd.s32 s5, s19  }
0xa2: {  	s8 =	simm.s32 $0x0;
	s20 =	sshll.u32 s6, $0x1;
	s6 =	sadd.s32 s21, s4  }
0xa3: {  	[timem:s8], [sflag:s22] =	dma.local [hbm:s6], s20  }
0xa4: {  	_ =	swait.ge [sflag:s22], s20  }
0xa5: {  	s5 =	ssub.s32 $0x0, s20;
	[sflag:s22] =	ssyncset.done $0x0  }
0xa6: {  	[sflag:s22] =	ssyncadd.s32 s5;
	_ =	sdelay $0x1  }
0xa7: {  	s23 =	simm.s32 $0x1B8B  }
0xa8: {  	_ =	swait.ge [sflag:s23], $0x1  }
0xa9: {  	[sflag:s23] =	ssyncset.done $0x0  }
0xaa: {  	s25 =	simm.s32 $0x1B8E;
	s24 =	sld [smem:$0x3FFE];
	[sflag:s23] =	ssyncadd.s32 $0xFFFFFFFF  }
0xab: {  	s26 =	simm.s32 $execute0_lowered;
	[smem:$0x3FD2] =	sst s25  }
0xac: {  	s6 =	sshll.u32 s26, $0x1;
	_ =	strace $0x80000046;
	[dreg:$0x1] =	wrdreg $0xFFFFFFFF  }
0xad: {  	s28 =	simm.s32 $_size_execute0_lowered;
	s4 =	sadd.s32 s4, s6;
	[dreg:$0x0] =	wrdreg $0x0  }
0xae: {  	s6 =	sshll.u32 s28, $0x1;
	[dreg:$0x2] =	wrdreg s4  }
0xaf: {  	[dreg:$0x3] =	wrdreg s6  }
0xb0: {  	[dreg:$0x4] =	wrdreg $0xC0  }
0xb1: {  	_ =	task [dreg:s8], $0x5FFFF  }
0xb2: {  	[dreg:$0x1] =	wrdreg $0xFFFFFFFF  }
0xb3: {  	[dreg:$0x0] =	wrdreg $0x60  }
0xb4: {  	[dreg:$0x2] =	wrdreg s24  }
0xb5: {  	[dreg:$0x3] =	wrdreg s16  }
0xb6: {  	[dreg:$0x4] =	wrdreg s17  }
0xb7: {  	[dreg:$0x5] =	wrdreg $0x9  }
0xb8: {  	_ =	task.clear_ibuf [dreg:s8], $0x6FFFF;
	_ =	strace $0x90000046  }
0xb9: {  	s29 =	simm.s32 $0x9;
	_ =	strace $0x80000048  }
0xba: {  	_ =	swait.ge [sflag:s29], $0x1  }
0xbb: {  	[sflag:s29] =	ssyncadd.s32 $0xFFFFFFFF  }
0xbc: {  	_ =	strace $0x90000048  }
0xbd: {  	_ =	sfence  }
0xbe: {  	s30 =	sld [smem:$0x0];
	_ =	sdelay $0x2  }
0xbf: {  	s31 =	sshll.u32 s1, $0xD;
	s1 =	sshrl.u32 s1, $0x2  }
0xc0: {  	s3 =	sand.u32 $0x4000, s31;
	s1 =	sadd.s32 s1, s30  }
0xc1: {  	s0 =	sor.u32 s3, s0;
	s1 =	sshll.u32 s1, $0x11  }
0xc2: {  	s0 =	sor.u32 s1, s0  }
0xc3: {  	s0 =	sadd.s32 $0x8F2B, s0  }
0xc4: {  	[sflag:s0] =	ssyncadd.remote.s32 $0x1  }
0xc5: {  	_ =	sfence.sel $0xFFFF  }
0xc6: {  	[dreg:$0x0] =	wrdreg $0xFFFFFFFF;
	(pc) =	sbr.abs _section_cstart, $3  }
0xc7: {  	[dreg:$0x1] =	wrdreg $0xFFFFFFFF  }
0xc8: {  	_ =	task.clear_ibuf [dreg:s8], $0x2FFFF;
	_ =	strace $0x9FFFFFFF  }
0xc9: {  	(tm) =	ssettm $0x7FFFFFFF  }
tec
execute0_lowered:
.L_overlay_start_1:
0x0: {  	(tag) =	ssettag $0x1  }
0x1: {  	s0 =	rddreg [dreg:$0x0]  }
0x2: {  	s13 =	rddreg [dreg:$0x1]  }
0x3: {  	s1 =	srdreg.scid;
	s2 =	stileid.u32  }
0x4: {  	s16 =	rddreg [dreg:$0x2];
	s3 =	simm.s32 $0x0;
	s22 =	simm.s32 $0x80  }
0x5: {  	s23 =	simm.s32 $0x200;
	s25 =	simm.s32 $0x10C00;
	s26 =	simm.s32 $0x0  }
0x6: {  	s1 =	sand.u32 $0x1, s1;
	s4 =	sshll.u32 s2, $0x1;
	[smem:$0x7FF] =	sst s3  }
0x7: {  	s18 =	sadd.s32 $0x10200, s0;
	s7 =	sadd.s32 $0x10, s13;
	s10 =	sadd.s32 $0x20, s13  }
0x8: {  	s17 =	sshrl.u32 s2, $0x1;
	s13 =	sadd.s32 $0x30, s13;
	p0 =	sgt.u32 s2, $0x7  }
0x9: {  	s12 =	sor.u32 s1, s4;
	_ =	strace $0x80000047;
	s1 =	ssub.s32 $0x2, s1  }
0xa: {  	s15 =	smul.u32 $0x306000, s17;
	s20 =	sshll.u32 s17, $0x9;
	s17 =	sshll.u32 s17, $0x4  }
0xb: {  	s4 =	sshll.u32 s12, $0xB;
	s5 =	smul.u32 $0x18000, s12;
	s6 =	sshrl.u32 s1, $0x1  }
0xc: {  	s14 =	sshll.u32 s12, $0x7;
	s31 =	sadd.s32 s16, s17;
	s4 =	sadd.s32 s4, s0  }
0xd: {  	s1 =	ssub.s32 s1, s6;
	s19 =	sand.u32 $0x180, s14;
	[dreg:$0x6] =	wrdreg s31  }
0xe: {  	s5 =	sshrl.u32 s5, $0x3;
	s4 =	sadd.s32 $0x200, s4;
	s21 =	sor.u32 s19, s15  }
0xf: {  	s19 =	sor.u32 s20, s19;
	[dreg:$0x4] =	wrdreg s4;
	s5 =	sadd.s32 s18, s5  }
0x10: {  	s30 =	sadd.s32 $0x300000, s21;
	s19 =	sshrl.u32 s19, $0x3;
	s21 =	simm.s32 $0x1  }
.Ltmp0:
0x11: {  	s29 =	sadd.s32 $0x1800, s5;
	s8 =	sadd.s32 $0x60C00, s5;
	(pc) =	sbr.rel .LBB2_1-.Ltmp0, $4  }
0x12: {  	s9 =	sadd.s32 $0x62400, s5;
	s11 =	sadd.s32 $0xC1800, s5;
	s12 =	sadd.s32 $0xC3000, s5  }
0x13: {  	s14 =	sadd.s32 $0x122400, s5;
	s15 =	sadd.s32 $0x123C00, s5;
	s20 =	sshrl.u32 s30, $0x3  }
0x14: {  	s0 =	sadd.s32 s0, s19;
	s19 =	smax.u32 s1, $0x1;
	[dreg:$0x5] =	wrdreg s29  }
0x15: {  	[dreg:$0x7] =	wrdreg s0;
	s18 =	sadd.s32 s18, s20;
	s20 =	simm.s32 $0xC00  }
.LBB2_22:
0x16: {  	[hbm4b:s28+s3] =	stream.linear.scatter [tilespmem:s1], [sflag:$0x1], $0x80, $0x38;
	[tilespmem:$0x10C80] =	vst v63  }
0x17: {  	_ =	swait.ge [sflag:s21], $0xC00  }
0x18: {  	[sflag:s21] =	ssyncset.done $0x0  }
0x19: {  	[sflag:s21] =	ssyncadd.s32 $0xFFFFF400  }
.LBB2_23:
0x1a: {  	s26 =	sadd.s32 $0x1, s26  }
0x1b: {  	p1 =	sne.s32 s26, s19  }
.Ltmp1:
0x1c: {  	_ = 	snop;
	(pc) =	sbr.rel @!p1 .LBB2_24-.Ltmp1, $1  }
0x1d: {  	_ =	sdelay $0x3  }
.LBB2_1:
0x1e: {  	s0 =	rddreg [dreg:$0x4]  }
0x1f: {  	[tilespmem:s20], [sflag:$0x1] =	stream.linear.gather [hbm4b:s0+s3], $0x4000, $0x38;
	[tilespmem:$0x10C80] =	vst v63  }
0x20: {  	s24 =	smulhi.u32 $0xAAAAAAAB, s3;
	_ =	swait.ge [sflag:s21], $0x4000  }
0x21: {  	[sflag:s21] =	ssyncset.done $0x0  }
0x22: {  	s6 =	sshrl.u32 s24, $0x7;
	[sflag:s21] =	ssyncadd.s32 $0xFFFFC000  }
0x23: {  	s1 =	smul.u32 $0xFFFFD000, s6;
	s4 =	rddreg [dreg:$0x1]  }
0x24: {  	[tilespmem:s3], [sflag:$0x1] =	stream.strided.gather [hbm4b:s4+s22], $0xC00, s23, s22, $0x38;
	[tilespmem:$0x10C80] =	vst v63  }
0x25: {  	_ =	swait.ge [sflag:s21], $0xC00  }
0x26: {  	s1 =	sshra.s32 s1, $0x2;
	[sflag:s21] =	ssyncset.done $0x0  }
0x27: {  	s1 =	sadd.s32 $0x0, s1;
	[sflag:s21] =	ssyncadd.s32 $0xFFFFF400  }
0x28: {  	v0 =	vld [tilespmem:s1+$0x70]  }
0x29: {  	v1 =	vld [tilespmem:s1+$0x0]  }
0x2a: {  	s28 =	simm.s32 $0x0;
	v2 =	vld [tilespmem:s1+$0x10]  }
0x2b: {  	s28 =	smul.u32 $0xAAAB, s28;
	v5 =	vld [tilespmem:s1+$0x30]  }
0x2c: {  	v7 =	vld [tilespmem:s1+$0x40]  }
0x2d: {  	s28 =	sshrl.u32 s28, $0x17;
	v10 =	vld [tilespmem:s1+$0x50]  }
0x2e: {  	v4 =	vmov s28;
	v11 =	vld [tilespmem:s1+$0x60]  }
0x2f: {  	v6 =	vshll.u32 v4, $0x9;
	v4 =	vshll.u32 v4, $0x7  }
0x30: {  	v6 =	vand.u32 $0x3000, v6;
	v4 =	vand.u32 $0x380, v4  }
0x31: {  	v8 =	vshll.u32 v0, $0x3;
	v9 =	vshll.u32 v1, $0x3;
	v0 =	vand.u32 $0x7F, v0  }
0x32: {  	v3 =	vld [tilespmem:s1+$0x20];
	v12 =	vshll.u32 v2, $0x3;
	v13 =	vshll.u32 v5, $0x3;
	v14 =	vshll.u32 v7, $0x3  }
0x33: {  	s16 =	simm.s32 $0x8;
	v15 =	vshll.u32 v10, $0x3;
	v16 =	vshll.u32 v11, $0x3;
	v1 =	vand.u32 $0x7F, v1  }
0x34: {  	s28 =	smulhi.u32 $0xAAAAAAAB, s16;
	v2 =	vand.u32 $0x7F, v2;
	v8 =	vand.u32 $0xFFFFFC00, v8;
	v9 =	vand.u32 $0xFFFFFC00, v9  }
0x35: {  	v12 =	vand.u32 $0xFFFFFC00, v12;
	v13 =	vand.u32 $0xFFFFFC00, v13;
	v8 =	vadd.s32 v6, v8  }
0x36: {  	s29 =	sshrl.u32 s28, $0x7;
	v14 =	vand.u32 $0xFFFFFC00, v14;
	v15 =	vand.u32 $0xFFFFFC00, v15;
	v0 =	vor.u32 v0, v8  }
0x37: {  	s17 =	smul.u32 $0xFFFFD000, s29;
	v16 =	vand.u32 $0xFFFFFC00, v16;
	v8 =	vshll.u32 v3, $0x3;
	v0 =	vor.u32 v4, v0  }
0x38: {  	v9 =	vadd.s32 v6, v9;
	v12 =	vadd.s32 v6, v12;
	v8 =	vand.u32 $0xFFFFFC00, v8  }
0x39: {  	s30 =	sshra.s32 s17, $0x2;
	v13 =	vadd.s32 v6, v13;
	v3 =	vand.u32 $0x7F, v3;
	v8 =	vadd.s32 v6, v8  }
0x3a: {  	s30 =	sadd.s32 $0x80, s30;
	v14 =	vadd.s32 v6, v14;
	v15 =	vadd.s32 v6, v15;
	v8 =	vor.u32 v3, v8  }
0x3b: {  	s1 =	simm.s32 $0x8;
	v9 =	vor.u32 v1, v9;
	v6 =	vadd.s32 v6, v16;
	v16 =	vld [tilespmem:s30+$0x70];
	v22 =	vor.u32 v4, v8  }
0x3c: {  	s31 =	smul.u32 $0xAAAB, s1;
	v17 =	vld.idx.msk [tilespmem:v0+s20+$0x0], $0xffff;
	v0 =	vand.u32 $0x7F, v5;
	v5 =	vand.u32 $0x7F, v7;
	v7 =	vand.u32 $0x7F, v10  }
0x3d: {  	v1 =	vld [tilespmem:s30+$0x0];
	v10 =	vand.u32 $0x7F, v11;
	v11 =	vor.u32 v2, v12;
	v0 =	vor.u32 v0, v13  }
0x3e: {  	s31 =	sshrl.u32 s31, $0x17;
	v3 =	vld [tilespmem:s30+$0x20];
	v5 =	vor.u32 v5, v14;
	v7 =	vor.u32 v7, v15;
	v13 =	vor.u32 v4, v9  }
0x3f: {  	v2 =	vld [tilespmem:s30+$0x10];
	v14 =	vmov s31;
	s31 =	sshrl.u32 s24, $0xA;
	v18 =	vor.u32 v4, v11;
	v6 =	vor.u32 v10, v6  }
0x40: {  	s24 =	sshll.u32 s24, $0x2;
	v8 =	vshll.u32 v16, $0x3;
	s31 =	smul.u32 $0x18000, s31;
	v11 =	vor.u32 v4, v0;
	v10 =	vor.u32 v4, v5;
	v5 =	vld [tilespmem:s30+$0x30]  }
0x41: {  	s0 =	smul.u32 $0x18000, s6;
	v9 =	vor.u32 v4, v7;
	s24 =	sand.u32 $0xE00, s24;
	v4 =	vor.u32 v4, v6;
	v0 =	vshll.u32 v14, $0x9;
	v6 =	vld [tilespmem:s30+$0x40]  }
0x42: {  	v21 =	vshll.u32 v1, $0x3;
	v7 =	vld [tilespmem:s30+$0x50];
	v12 =	vand.u32 $0x3000, v0;
	v0 =	vand.u32 $0xFFFFFC00, v8;
	s24 =	sor.u32 s24, s31  }
0x43: {  	v15 =	vand.u32 $0x7F, v16;
	v14 =	vshll.u32 v14, $0x7;
	v8 =	vld [tilespmem:s30+$0x60];
	v16 =	vadd.s32 v12, v0;
	s0 =	ssub.s32 s24, s0  }
0x44: {  	v0 =	vand.u32 $0x380, v14;
	v23 =	vshll.u32 v2, $0x3;
	v14 =	vor.u32 v15, v16;
	s0 =	sshra.s32 s0, $0x2;
	v15 =	vld.idx.msk [tilespmem:v13+s20+$0x0], $0xffff  }
0x45: {  	v20 =	vshll.u32 v3, $0x3;
	v16 =	vor.u32 v0, v14;
	v14 =	vld.idx.msk [tilespmem:v18+s20+$0x0], $0xffff;
	v18 =	vand.u32 $0xFFFFFC00, v23;
	s30 =	sadd.s32 $0x4C00, s0  }
0x46: {  	s31 =	simm.s32 $0x4C00;
	s24 =	simm.s32 $0x10;
	v13 =	vld.idx.msk [tilespmem:v22+s20+$0x0], $0xffff;
	v19 =	vshll.u32 v5, $0x3;
	s0 =	simm.s32 $0x80;
	[tilespmem:s30+$0x70] =	vst v17;
	v17 =	vand.u32 $0xFFFFFC00, v21;
	v21 =	vshll.u32 v6, $0x3  }
.LBB2_2:
0x47: {  	s16 =	smulhi.u32 $0xAAAAAAAB, s24;
	v20 =	vand.u32 $0xFFFFFC00, v20;
	v19 =	vand.u32 $0xFFFFFC00, v19;
	v22 =	vshll.u32 v7, $0x3;
	v11 =	vld.idx.msk [tilespmem:v11+s20+$0x0], $0xffff  }
0x48: {  	s17 =	sshrl.u32 s28, $0xA;
	v21 =	vand.u32 $0xFFFFFC00, v21;
	v22 =	vand.u32 $0xFFFFFC00, v22;
	v23 =	vshll.u32 v8, $0x3;
	v10 =	vld.idx.msk [tilespmem:v10+s20+$0x0], $0xffff  }
0x49: {  	v17 =	vadd.s32 v12, v17;
	v18 =	vadd.s32 v12, v18;
	s17 =	smul.u32 $0x18000, s17;
	s2 =	sshrl.u32 s16, $0x7;
	v23 =	vand.u32 $0xFFFFFC00, v23;
	v9 =	vld.idx.msk [tilespmem:v9+s20+$0x0], $0xffff  }
0x4a: {  	s6 =	sshll.u32 s28, $0x2;
	v20 =	vadd.s32 v12, v20;
	v19 =	vadd.s32 v12, v19;
	v21 =	vadd.s32 v12, v21;
	s28 =	smov.u32 s16;
	s4 =	smul.u32 $0xFFFFD000, s2;
	v16 =	vld.idx.msk [tilespmem:v16+s20+$0x0], $0xffff  }
0x4b: {  	v1 =	vand.u32 $0x7F, v1;
	s6 =	sand.u32 $0xE00, s6;
	s16 =	smul.u32 $0x18000, s29;
	v22 =	vadd.s32 v12, v22;
	v12 =	vadd.s32 v12, v23;
	s29 =	smov.u32 s2;
	[tilespmem:s30+$0x0] =	vst v15;
	v15 =	vld.idx.msk [tilespmem:v4+s20+$0x0], $0xffff  }
0x4c: {  	v2 =	vand.u32 $0x7F, v2;
	v3 =	vand.u32 $0x7F, v3;
	s0 =	sadd.s32 $0x80, s0;
	v4 =	vand.u32 $0x7F, v5;
	s2 =	sshra.s32 s4, $0x2;
	s4 =	sor.u32 s6, s17;
	[tilespmem:s30+$0x10] =	vst v14  }
0x4d: {  	v5 =	vand.u32 $0x7F, v6;
	v6 =	vand.u32 $0x7F, v7;
	v7 =	vand.u32 $0x7F, v8;
	s2 =	sadd.s32 s2, s0;
	s4 =	ssub.s32 s4, s16;
	[tilespmem:s30+$0x20] =	vst v13  }
0x4e: {  	s1 =	sadd.s32 $0x8, s1;
	s31 =	sadd.s32 $0x400, s31;
	v8 =	vor.u32 v1, v17;
	v17 =	vor.u32 v3, v20;
	v14 =	vor.u32 v2, v18;
	v13 =	vld [tilespmem:s2+$0x70];
	s4 =	sshra.s32 s4, $0x2;
	[tilespmem:s30+$0x30] =	vst v11  }
0x4f: {  	p1 =	slt.u32 s1, $0xBF8;
	s6 =	smul.u32 $0xAAAB, s1;
	v4 =	vor.u32 v4, v19;
	v5 =	vor.u32 v5, v21;
	v6 =	vor.u32 v6, v22;
	v1 =	vld [tilespmem:s2+$0x0];
	s4 =	sadd.s32 s4, s31;
	[tilespmem:s30+$0x40] =	vst v10  }
0x50: {  	v18 =	vor.u32 v0, v8;
	v7 =	vor.u32 v7, v12;
	v14 =	vor.u32 v0, v14;
	v2 =	vld [tilespmem:s2+$0x10];
	[tilespmem:s4+$0x70] =	vst v16  }
0x51: {  	v22 =	vor.u32 v0, v17;
	s6 =	sshrl.u32 s6, $0x17;
	v11 =	vor.u32 v0, v4;
	v10 =	vor.u32 v0, v5;
	v3 =	vld [tilespmem:s2+$0x20];
	[tilespmem:s30+$0x50] =	vst v9  }
0x52: {  	v4 =	vor.u32 v0, v7;
	v8 =	vmov s6;
	v9 =	vor.u32 v0, v6;
	v5 =	vld [tilespmem:s2+$0x30];
	[tilespmem:s30+$0x60] =	vst v15;
	s30 =	smov.u32 s4  }
0x53: {  	v0 =	vshll.u32 v8, $0x9;
	v6 =	vld [tilespmem:s2+$0x40];
	v15 =	vshll.u32 v13, $0x3  }
.Ltmp2:
0x54: {  	v12 =	vand.u32 $0x3000, v0;
	v17 =	vshll.u32 v1, $0x3;
	v7 =	vld [tilespmem:s2+$0x50];
	v0 =	vand.u32 $0xFFFFFC00, v15;
	(pc) =	sbr.rel @p1 .LBB2_2-.Ltmp2, $4  }
0x55: {  	v13 =	vand.u32 $0x7F, v13;
	v15 =	vshll.u32 v8, $0x7;
	v8 =	vld [tilespmem:s2+$0x60];
	v16 =	vadd.s32 v12, v0  }
0x56: {  	v0 =	vand.u32 $0x380, v15;
	v21 =	vshll.u32 v2, $0x3;
	v13 =	vor.u32 v13, v16;
	v15 =	vld.idx.msk [tilespmem:v18+s20+$0x0], $0xffff  }
0x57: {  	v20 =	vshll.u32 v3, $0x3;
	v19 =	vshll.u32 v5, $0x3;
	v16 =	vor.u32 v0, v13;
	v14 =	vld.idx.msk [tilespmem:v14+s20+$0x0], $0xffff  }
0x58: {  	s24 =	sadd.s32 $0x8, s24;
	v17 =	vand.u32 $0xFFFFFC00, v17;
	v18 =	vand.u32 $0xFFFFFC00, v21;
	v21 =	vshll.u32 v6, $0x3;
	v13 =	vld.idx.msk [tilespmem:v22+s20+$0x0], $0xffff  }
0x59: {  	v20 =	vand.u32 $0xFFFFFC00, v20;
	v22 =	vshll.u32 v7, $0x3  }
0x5a: {  	v19 =	vand.u32 $0xFFFFFC00, v19;
	v21 =	vand.u32 $0xFFFFFC00, v21;
	v17 =	vadd.s32 v12, v17  }
0x5b: {  	v18 =	vadd.s32 v12, v18;
	v1 =	vand.u32 $0x7F, v1;
	v2 =	vand.u32 $0x7F, v2  }
0x5c: {  	v3 =	vand.u32 $0x7F, v3;
	v5 =	vand.u32 $0x7F, v5;
	v6 =	vand.u32 $0x7F, v6  }
0x5d: {  	v11 =	vld.idx.msk [tilespmem:v11+s20+$0x0], $0xffff;
	v7 =	vand.u32 $0x7F, v7;
	v22 =	vand.u32 $0xFFFFFC00, v22;
	v23 =	vshll.u32 v8, $0x3  }
0x5e: {  	v10 =	vld.idx.msk [tilespmem:v10+s20+$0x0], $0xffff;
	v20 =	vadd.s32 v12, v20;
	v19 =	vadd.s32 v12, v19;
	v1 =	vor.u32 v1, v17  }
0x5f: {  	v16 =	vld.idx.msk [tilespmem:v16+s20+$0x0], $0xffff;
	v21 =	vadd.s32 v12, v21;
	v2 =	vor.u32 v2, v18;
	v1 =	vor.u32 v0, v1  }
0x60: {  	v9 =	vld.idx.msk [tilespmem:v9+s20+$0x0], $0xffff;
	v8 =	vand.u32 $0x7F, v8;
	v3 =	vor.u32 v3, v20;
	v2 =	vor.u32 v0, v2  }
0x61: {  	s0 =	sshrl.u32 s28, $0xA;
	v4 =	vld.idx.msk [tilespmem:v4+s20+$0x0], $0xffff;
	v23 =	vand.u32 $0xFFFFFC00, v23;
	[tilespmem:s30+$0x0] =	vst v15;
	v5 =	vor.u32 v5, v19;
	v3 =	vor.u32 v0, v3  }
0x62: {  	s1 =	sshll.u32 s28, $0x2;
	s0 =	smul.u32 $0x18000, s0;
	v22 =	vadd.s32 v12, v22;
	v6 =	vor.u32 v6, v21;
	[tilespmem:s30+$0x10] =	vst v14;
	v5 =	vor.u32 v0, v5  }
0x63: {  	s2 =	smul.u32 $0x18000, s29;
	s1 =	sand.u32 $0xE00, s1;
	v12 =	vadd.s32 v12, v23;
	v7 =	vor.u32 v7, v22;
	v6 =	vor.u32 v0, v6;
	[tilespmem:s30+$0x20] =	vst v13  }
0x64: {  	s0 =	sor.u32 s1, s0;
	v8 =	vor.u32 v8, v12;
	v7 =	vor.u32 v0, v7;
	[tilespmem:s30+$0x30] =	vst v11;
	v1 =	vld.idx.msk [tilespmem:v1+s20+$0x0], $0xffff  }
0x65: {  	s0 =	ssub.s32 s0, s2;
	[tilespmem:s30+$0x40] =	vst v10;
	v0 =	vor.u32 v0, v8;
	v2 =	vld.idx.msk [tilespmem:v2+s20+$0x0], $0xffff  }
0x66: {  	s16 =	sadd.s32 $0x400, s31;
	s0 =	sshra.s32 s0, $0x2;
	[tilespmem:s30+$0x50] =	vst v9;
	v3 =	vld.idx.msk [tilespmem:v3+s20+$0x0], $0xffff  }
0x67: {  	[tilespmem:s30+$0x60] =	vst v4;
	s0 =	sadd.s32 s0, s16;
	v5 =	vld.idx.msk [tilespmem:v5+s20+$0x0], $0xffff  }
0x68: {  	[tilespmem:s0+$0x70] =	vst v16;
	v4 =	vld.idx.msk [tilespmem:v6+s20+$0x0], $0xffff  }
0x69: {  	v6 =	vld.idx.msk [tilespmem:v7+s20+$0x0], $0xffff;
	[tilespmem:s0+$0x0] =	vst v1  }
0x6a: {  	v0 =	vld.idx.msk [tilespmem:v0+s20+$0x0], $0xffff;
	[tilespmem:s0+$0x10] =	vst v2  }
0x6b: {  	[tilespmem:s0+$0x20] =	vst v3  }
0x6c: {  	s17 =	simm.s32 $0x0;
	[tilespmem:s0+$0x30] =	vst v5  }
0x6d: {  	s24 =	smulhi.u32 $0xAAAAAAAB, s17;
	[tilespmem:s0+$0x40] =	vst v4  }
0x6e: {  	[tilespmem:s0+$0x50] =	vst v6  }
0x6f: {  	s28 =	simm.s32 $0x4C00;
	[tilespmem:s0+$0x60] =	vst v0;
	s0 =	sshrl.u32 s24, $0x7  }
0x70: {  	[hbm4b:s5+s17] =	stream.linear.scatter [tilespmem:s28], [sflag:$0x1], $0xC000, $0x38;
	[tilespmem:$0x10C80] =	vst v63  }
0x71: {  	s2 =	smul.u32 $0xFFFFD000, s0  }
0x72: {  	_ =	swait.ge [sflag:s21], $0xC000  }
0x73: {  	[sflag:s21] =	ssyncset.done $0x0;
	s1 =	sshra.s32 s2, $0x2  }
0x74: {  	[sflag:s21] =	ssyncadd.s32 $0xFFFF4000;
	s1 =	sadd.s32 $0x0, s1  }
0x75: {  	v0 =	vld [tilespmem:s1+$0x70]  }
0x76: {  	s4 =	simm.s32 $0x0;
	v1 =	vld [tilespmem:s1+$0x0]  }
0x77: {  	s2 =	smul.u32 $0xAAAB, s4;
	v2 =	vld [tilespmem:s1+$0x10]  }
0x78: {  	v5 =	vld [tilespmem:s1+$0x30]  }
0x79: {  	s2 =	sshrl.u32 s2, $0x17;
	v7 =	vld [tilespmem:s1+$0x40]  }
0x7a: {  	v10 =	vld [tilespmem:s1+$0x50];
	s2 =	sadd.s32 $0x10, s2  }
0x7b: {  	v11 =	vld [tilespmem:s1+$0x60];
	v4 =	vmov s2  }
0x7c: {  	s6 =	simm.s32 $0x8;
	v6 =	vshll.u32 v4, $0x9;
	v4 =	vshll.u32 v4, $0x7  }
0x7d: {  	s29 =	smulhi.u32 $0xAAAAAAAB, s6;
	v6 =	vand.u32 $0x7000, v6;
	v4 =	vand.u32 $0x380, v4  }
0x7e: {  	v8 =	vshll.u32 v0, $0x3;
	v9 =	vshll.u32 v1, $0x3;
	v0 =	vand.u32 $0x7F, v0  }
0x7f: {  	s30 =	sshrl.u32 s29, $0x7;
	v3 =	vld [tilespmem:s1+$0x20];
	v12 =	vshll.u32 v2, $0x3;
	v13 =	vshll.u32 v5, $0x3;
	v14 =	vshll.u32 v7, $0x3  }
0x80: {  	s16 =	smul.u32 $0xFFFFD000, s30;
	v15 =	vshll.u32 v10, $0x3;
	v16 =	vshll.u32 v11, $0x3;
	v1 =	vand.u32 $0x7F, v1  }
0x81: {  	v2 =	vand.u32 $0x7F, v2;
	v8 =	vand.u32 $0xFFFFFC00, v8;
	v9 =	vand.u32 $0xFFFFFC00, v9  }
0x82: {  	s2 =	sshra.s32 s16, $0x2;
	v12 =	vand.u32 $0xFFFFFC00, v12;
	v13 =	vand.u32 $0xFFFFFC00, v13;
	v8 =	vadd.s32 v6, v8  }
0x83: {  	s2 =	sadd.s32 $0x80, s2;
	v14 =	vand.u32 $0xFFFFFC00, v14;
	v9 =	vadd.s32 v6, v9;
	v0 =	vor.u32 v0, v8  }
0x84: {  	v8 =	vshll.u32 v3, $0x3;
	v9 =	vor.u32 v1, v9;
	v1 =	vld [tilespmem:s2+$0x0];
	v0 =	vor.u32 v4, v0  }
0x85: {  	v15 =	vand.u32 $0xFFFFFC00, v15;
	v16 =	vand.u32 $0xFFFFFC00, v16;
	v8 =	vand.u32 $0xFFFFFC00, v8  }
0x86: {  	v12 =	vadd.s32 v6, v12;
	v3 =	vand.u32 $0x7F, v3;
	v8 =	vadd.s32 v6, v8  }
0x87: {  	s1 =	simm.s32 $0x8;
	v13 =	vadd.s32 v6, v13;
	v14 =	vadd.s32 v6, v14;
	v8 =	vor.u32 v3, v8  }
0x88: {  	s4 =	smul.u32 $0xAAAB, s1;
	v15 =	vadd.s32 v6, v15;
	v6 =	vadd.s32 v6, v16;
	v16 =	vld [tilespmem:s2+$0x70];
	v22 =	vor.u32 v4, v8  }
0x89: {  	v21 =	vshll.u32 v1, $0x3;
	v17 =	vld.idx.msk [tilespmem:v0+s20+$0x0], $0xffff;
	v0 =	vand.u32 $0x7F, v5;
	v5 =	vand.u32 $0x7F, v7  }
0x8a: {  	s4 =	sshrl.u32 s4, $0x17;
	v7 =	vand.u32 $0x7F, v10;
	v10 =	vand.u32 $0x7F, v11;
	v11 =	vor.u32 v2, v12  }
0x8b: {  	s4 =	sadd.s32 $0x10, s4;
	v3 =	vld [tilespmem:s2+$0x20];
	v0 =	vor.u32 v0, v13;
	v5 =	vor.u32 v5, v14;
	v7 =	vor.u32 v7, v15  }
0x8c: {  	s17 =	sshrl.u32 s24, $0xA;
	v2 =	vld [tilespmem:s2+$0x10];
	v13 =	vor.u32 v4, v9;
	v14 =	vmov s4;
	v18 =	vor.u32 v4, v11  }
0x8d: {  	s6 =	sshll.u32 s24, $0x2;
	v12 =	vor.u32 v10, v6;
	s4 =	smul.u32 $0x18000, s17;
	v6 =	vld [tilespmem:s2+$0x30];
	v8 =	vshll.u32 v16, $0x3;
	v11 =	vor.u32 v4, v0  }
0x8e: {  	s6 =	sand.u32 $0xE00, s6;
	s0 =	smul.u32 $0x18000, s0;
	v10 =	vor.u32 v4, v5;
	v9 =	vor.u32 v4, v7;
	v0 =	vshll.u32 v14, $0x9;
	v5 =	vld [tilespmem:s2+$0x40]  }
0x8f: {  	v4 =	vor.u32 v4, v12;
	v7 =	vld [tilespmem:s2+$0x50];
	s4 =	sor.u32 s6, s4;
	v12 =	vand.u32 $0x7000, v0;
	v0 =	vand.u32 $0xFFFFFC00, v8  }
0x90: {  	v15 =	vand.u32 $0x7F, v16;
	v14 =	vshll.u32 v14, $0x7;
	v8 =	vld [tilespmem:s2+$0x60];
	s0 =	ssub.s32 s4, s0;
	v16 =	vadd.s32 v12, v0  }
0x91: {  	v20 =	vshll.u32 v3, $0x3;
	v0 =	vand.u32 $0x380, v14;
	s0 =	sshra.s32 s0, $0x2;
	v14 =	vor.u32 v15, v16;
	v15 =	vld.idx.msk [tilespmem:v13+s20+$0x0], $0xffff  }
0x92: {  	v23 =	vshll.u32 v2, $0x3;
	s31 =	sadd.s32 $0x4C00, s0;
	v19 =	vshll.u32 v6, $0x3;
	v16 =	vor.u32 v0, v14;
	v14 =	vld.idx.msk [tilespmem:v18+s20+$0x0], $0xffff  }
0x93: {  	s24 =	simm.s32 $0x10;
	s0 =	simm.s32 $0x80;
	v18 =	vand.u32 $0xFFFFFC00, v23;
	v13 =	vld.idx.msk [tilespmem:v22+s20+$0x0], $0xffff;
	[tilespmem:s31+$0x70] =	vst v17;
	v17 =	vand.u32 $0xFFFFFC00, v21;
	v21 =	vshll.u32 v5, $0x3  }
.LBB2_4:
0x94: {  	s2 =	smulhi.u32 $0xAAAAAAAB, s24;
	v20 =	vand.u32 $0xFFFFFC00, v20;
	v19 =	vand.u32 $0xFFFFFC00, v19;
	v22 =	vshll.u32 v7, $0x3;
	v11 =	vld.idx.msk [tilespmem:v11+s20+$0x0], $0xffff  }
0x95: {  	s4 =	sshrl.u32 s29, $0xA;
	v21 =	vand.u32 $0xFFFFFC00, v21;
	v22 =	vand.u32 $0xFFFFFC00, v22;
	v23 =	vshll.u32 v8, $0x3;
	v10 =	vld.idx.msk [tilespmem:v10+s20+$0x0], $0xffff  }
0x96: {  	v17 =	vadd.s32 v12, v17;
	v18 =	vadd.s32 v12, v18;
	s4 =	smul.u32 $0x18000, s4;
	s6 =	sshrl.u32 s2, $0x7;
	v23 =	vand.u32 $0xFFFFFC00, v23;
	v9 =	vld.idx.msk [tilespmem:v9+s20+$0x0], $0xffff  }
0x97: {  	s17 =	sshll.u32 s29, $0x2;
	v20 =	vadd.s32 v12, v20;
	v19 =	vadd.s32 v12, v19;
	v21 =	vadd.s32 v12, v21;
	s29 =	smov.u32 s2;
	s16 =	smul.u32 $0xFFFFD000, s6;
	v16 =	vld.idx.msk [tilespmem:v16+s20+$0x0], $0xffff  }
0x98: {  	v1 =	vand.u32 $0x7F, v1;
	s2 =	sand.u32 $0xE00, s17;
	s17 =	smul.u32 $0x18000, s30;
	v22 =	vadd.s32 v12, v22;
	v12 =	vadd.s32 v12, v23;
	s30 =	smov.u32 s6;
	[tilespmem:s31+$0x0] =	vst v15;
	v15 =	vld.idx.msk [tilespmem:v4+s20+$0x0], $0xffff  }
0x99: {  	v2 =	vand.u32 $0x7F, v2;
	v3 =	vand.u32 $0x7F, v3;
	s0 =	sadd.s32 $0x80, s0;
	s2 =	sor.u32 s2, s4;
	v4 =	vand.u32 $0x7F, v6;
	s6 =	sshra.s32 s16, $0x2;
	[tilespmem:s31+$0x10] =	vst v14  }
0x9a: {  	s1 =	sadd.s32 $0x8, s1;
	v5 =	vand.u32 $0x7F, v5;
	s2 =	ssub.s32 s2, s17;
	v6 =	vand.u32 $0x7F, v7;
	v7 =	vand.u32 $0x7F, v8;
	s4 =	sadd.s32 s6, s0;
	[tilespmem:s31+$0x20] =	vst v13  }
0x9b: {  	s28 =	sadd.s32 $0x400, s28;
	v8 =	vor.u32 v1, v17;
	v17 =	vor.u32 v3, v20;
	s2 =	sshra.s32 s2, $0x2;
	v14 =	vor.u32 v2, v18;
	s6 =	smul.u32 $0xAAAB, s1;
	v13 =	vld [tilespmem:s4+$0x70];
	[tilespmem:s31+$0x30] =	vst v11  }
0x9c: {  	p1 =	slt.u32 s1, $0xBF8;
	v5 =	vor.u32 v5, v21;
	v4 =	vor.u32 v4, v19;
	v18 =	vor.u32 v6, v22;
	s2 =	sadd.s32 s2, s28;
	v1 =	vld [tilespmem:s4+$0x0];
	[tilespmem:s31+$0x40] =	vst v10  }
0x9d: {  	v19 =	vor.u32 v0, v8;
	v7 =	vor.u32 v7, v12;
	v14 =	vor.u32 v0, v14;
	s6 =	sshrl.u32 s6, $0x17;
	v2 =	vld [tilespmem:s4+$0x10];
	[tilespmem:s2+$0x70] =	vst v16  }
0x9e: {  	v22 =	vor.u32 v0, v17;
	v11 =	vor.u32 v0, v4;
	v10 =	vor.u32 v0, v5;
	s6 =	sadd.s32 $0x10, s6;
	v3 =	vld [tilespmem:s4+$0x20];
	[tilespmem:s31+$0x50] =	vst v9  }
0x9f: {  	v4 =	vor.u32 v0, v7;
	v8 =	vmov s6;
	v9 =	vor.u32 v0, v18;
	v6 =	vld [tilespmem:s4+$0x30];
	[tilespmem:s31+$0x60] =	vst v15;
	s31 =	smov.u32 s2  }
0xa0: {  	v0 =	vshll.u32 v8, $0x9;
	v5 =	vld [tilespmem:s4+$0x40];
	v15 =	vshll.u32 v13, $0x3  }
.Ltmp3:
0xa1: {  	v12 =	vand.u32 $0x7000, v0;
	v17 =	vshll.u32 v1, $0x3;
	v7 =	vld [tilespmem:s4+$0x50];
	v0 =	vand.u32 $0xFFFFFC00, v15;
	(pc) =	sbr.rel @p1 .LBB2_4-.Ltmp3, $4  }
0xa2: {  	v13 =	vand.u32 $0x7F, v13;
	v15 =	vshll.u32 v8, $0x7;
	v8 =	vld [tilespmem:s4+$0x60];
	v16 =	vadd.s32 v12, v0  }
0xa3: {  	v0 =	vand.u32 $0x380, v15;
	v18 =	vshll.u32 v2, $0x3;
	v13 =	vor.u32 v13, v16;
	v15 =	vld.idx.msk [tilespmem:v19+s20+$0x0], $0xffff  }
0xa4: {  	v20 =	vshll.u32 v3, $0x3;
	v19 =	vshll.u32 v6, $0x3;
	v16 =	vor.u32 v0, v13;
	v14 =	vld.idx.msk [tilespmem:v14+s20+$0x0], $0xffff  }
0xa5: {  	s24 =	sadd.s32 $0x8, s24;
	v17 =	vand.u32 $0xFFFFFC00, v17;
	v18 =	vand.u32 $0xFFFFFC00, v18;
	v21 =	vshll.u32 v5, $0x3;
	v13 =	vld.idx.msk [tilespmem:v22+s20+$0x0], $0xffff  }
0xa6: {  	v20 =	vand.u32 $0xFFFFFC00, v20;
	v22 =	vshll.u32 v7, $0x3  }
0xa7: {  	v19 =	vand.u32 $0xFFFFFC00, v19;
	v21 =	vand.u32 $0xFFFFFC00, v21;
	v17 =	vadd.s32 v12, v17  }
0xa8: {  	v18 =	vadd.s32 v12, v18;
	v1 =	vand.u32 $0x7F, v1;
	v2 =	vand.u32 $0x7F, v2  }
0xa9: {  	v3 =	vand.u32 $0x7F, v3;
	v6 =	vand.u32 $0x7F, v6;
	v5 =	vand.u32 $0x7F, v5  }
0xaa: {  	v11 =	vld.idx.msk [tilespmem:v11+s20+$0x0], $0xffff;
	v7 =	vand.u32 $0x7F, v7;
	v22 =	vand.u32 $0xFFFFFC00, v22;
	v23 =	vshll.u32 v8, $0x3  }
0xab: {  	v10 =	vld.idx.msk [tilespmem:v10+s20+$0x0], $0xffff;
	v20 =	vadd.s32 v12, v20;
	v19 =	vadd.s32 v12, v19;
	v1 =	vor.u32 v1, v17  }
0xac: {  	v16 =	vld.idx.msk [tilespmem:v16+s20+$0x0], $0xffff;
	v21 =	vadd.s32 v12, v21;
	v2 =	vor.u32 v2, v18;
	v1 =	vor.u32 v0, v1  }
0xad: {  	v9 =	vld.idx.msk [tilespmem:v9+s20+$0x0], $0xffff;
	v8 =	vand.u32 $0x7F, v8;
	v3 =	vor.u32 v3, v20;
	v2 =	vor.u32 v0, v2  }
0xae: {  	s0 =	sshrl.u32 s29, $0xA;
	v4 =	vld.idx.msk [tilespmem:v4+s20+$0x0], $0xffff;
	v23 =	vand.u32 $0xFFFFFC00, v23;
	[tilespmem:s31+$0x0] =	vst v15;
	v6 =	vor.u32 v6, v19;
	v3 =	vor.u32 v0, v3  }
0xaf: {  	s1 =	sshll.u32 s29, $0x2;
	s0 =	smul.u32 $0x18000, s0;
	v22 =	vadd.s32 v12, v22;
	v5 =	vor.u32 v5, v21;
	[tilespmem:s31+$0x10] =	vst v14;
	v6 =	vor.u32 v0, v6  }
0xb0: {  	s2 =	smul.u32 $0x18000, s30;
	s1 =	sand.u32 $0xE00, s1;
	v12 =	vadd.s32 v12, v23;
	v7 =	vor.u32 v7, v22;
	v5 =	vor.u32 v0, v5;
	[tilespmem:s31+$0x20] =	vst v13  }
0xb1: {  	s0 =	sor.u32 s1, s0;
	v8 =	vor.u32 v8, v12;
	v7 =	vor.u32 v0, v7;
	[tilespmem:s31+$0x30] =	vst v11;
	v1 =	vld.idx.msk [tilespmem:v1+s20+$0x0], $0xffff  }
0xb2: {  	s0 =	ssub.s32 s0, s2;
	[tilespmem:s31+$0x40] =	vst v10;
	v0 =	vor.u32 v0, v8;
	v2 =	vld.idx.msk [tilespmem:v2+s20+$0x0], $0xffff  }
0xb3: {  	s2 =	sadd.s32 $0x400, s28;
	s0 =	sshra.s32 s0, $0x2;
	[tilespmem:s31+$0x50] =	vst v9;
	v3 =	vld.idx.msk [tilespmem:v3+s20+$0x0], $0xffff  }
0xb4: {  	[tilespmem:s31+$0x60] =	vst v4;
	s0 =	sadd.s32 s0, s2;
	v6 =	vld.idx.msk [tilespmem:v6+s20+$0x0], $0xffff  }
0xb5: {  	[tilespmem:s0+$0x70] =	vst v16;
	v4 =	vld.idx.msk [tilespmem:v5+s20+$0x0], $0xffff  }
0xb6: {  	v5 =	vld.idx.msk [tilespmem:v7+s20+$0x0], $0xffff;
	[tilespmem:s0+$0x0] =	vst v1  }
0xb7: {  	v0 =	vld.idx.msk [tilespmem:v0+s20+$0x0], $0xffff;
	[tilespmem:s0+$0x10] =	vst v2  }
0xb8: {  	[tilespmem:s0+$0x20] =	vst v3  }
0xb9: {  	[tilespmem:s0+$0x30] =	vst v6  }
0xba: {  	[tilespmem:s0+$0x40] =	vst v4  }
0xbb: {  	[tilespmem:s0+$0x50] =	vst v5  }
0xbc: {  	s4 =	simm.s32 $0x0;
	[tilespmem:s0+$0x60] =	vst v0  }
0xbd: {  	s24 =	smulhi.u32 $0xAAAAAAAB, s4;
	s28 =	simm.s32 $0x4C00;
	s6 =	rddreg [dreg:$0x5]  }
0xbe: {  	[hbm4b:s6+s4] =	stream.linear.scatter [tilespmem:s28], [sflag:$0x1], $0xC000, $0x38;
	[tilespmem:$0x10C80] =	vst v63  }
0xbf: {  	_ =	swait.ge [sflag:s21], $0xC000  }
0xc0: {  	s0 =	sshrl.u32 s24, $0x7;
	[sflag:s21] =	ssyncset.done $0x0  }
0xc1: {  	s16 =	smul.u32 $0xFFFFD000, s0;
	[sflag:s21] =	ssyncadd.s32 $0xFFFF4000  }
0xc2: {  	[tilespmem:s4], [sflag:$0x1] =	stream.strided.gather [hbm4b:s7+s22], $0xC00, s23, s22, $0x38;
	[tilespmem:$0x10C80] =	vst v63  }
0xc3: {  	_ =	swait.ge [sflag:s21], $0xC00  }
0xc4: {  	s1 =	sshra.s32 s16, $0x2;
	[sflag:s21] =	ssyncset.done $0x0  }
0xc5: {  	s1 =	sadd.s32 $0x0, s1;
	[sflag:s21] =	ssyncadd.s32 $0xFFFFF400  }
0xc6: {  	v0 =	vld [tilespmem:s1+$0x70]  }
0xc7: {  	v1 =	vld [tilespmem:s1+$0x0]  }
0xc8: {  	s17 =	simm.s32 $0x0;
	v2 =	vld [tilespmem:s1+$0x10]  }
0xc9: {  	s2 =	smul.u32 $0xAAAB, s17;
	v5 =	vld [tilespmem:s1+$0x30]  }
0xca: {  	v7 =	vld [tilespmem:s1+$0x40]  }
0xcb: {  	s2 =	sshrl.u32 s2, $0x17;
	v10 =	vld [tilespmem:s1+$0x50]  }
0xcc: {  	v4 =	vmov s2;
	v11 =	vld [tilespmem:s1+$0x60]  }
0xcd: {  	v6 =	vshll.u32 v4, $0x9;
	v4 =	vshll.u32 v4, $0x7  }
0xce: {  	v6 =	vand.u32 $0x3000, v6;
	v4 =	vand.u32 $0x380, v4  }
0xcf: {  	v8 =	vshll.u32 v0, $0x3;
	v9 =	vshll.u32 v1, $0x3;
	v0 =	vand.u32 $0x7F, v0  }
0xd0: {  	v3 =	vld [tilespmem:s1+$0x20];
	v12 =	vshll.u32 v2, $0x3;
	v13 =	vshll.u32 v5, $0x3;
	v14 =	vshll.u32 v7, $0x3  }
0xd1: {  	s4 =	simm.s32 $0x8;
	v15 =	vshll.u32 v10, $0x3;
	v16 =	vshll.u32 v11, $0x3;
	v1 =	vand.u32 $0x7F, v1  }
0xd2: {  	s29 =	smulhi.u32 $0xAAAAAAAB, s4;
	v2 =	vand.u32 $0x7F, v2;
	v8 =	vand.u32 $0xFFFFFC00, v8;
	v9 =	vand.u32 $0xFFFFFC00, v9  }
0xd3: {  	v12 =	vand.u32 $0xFFFFFC00, v12;
	v13 =	vand.u32 $0xFFFFFC00, v13;
	v8 =	vadd.s32 v6, v8  }
0xd4: {  	s30 =	sshrl.u32 s29, $0x7;
	v14 =	vand.u32 $0xFFFFFC00, v14;
	v15 =	vand.u32 $0xFFFFFC00, v15;
	v0 =	vor.u32 v0, v8  }
0xd5: {  	s6 =	smul.u32 $0xFFFFD000, s30;
	v16 =	vand.u32 $0xFFFFFC00, v16;
	v8 =	vshll.u32 v3, $0x3;
	v0 =	vor.u32 v4, v0  }
0xd6: {  	v9 =	vadd.s32 v6, v9;
	v12 =	vadd.s32 v6, v12;
	v8 =	vand.u32 $0xFFFFFC00, v8  }
0xd7: {  	s16 =	sshra.s32 s6, $0x2;
	v13 =	vadd.s32 v6, v13;
	v3 =	vand.u32 $0x7F, v3;
	v8 =	vadd.s32 v6, v8  }
0xd8: {  	s2 =	sadd.s32 $0x80, s16;
	v14 =	vadd.s32 v6, v14;
	v15 =	vadd.s32 v6, v15;
	v8 =	vor.u32 v3, v8  }
0xd9: {  	s1 =	simm.s32 $0x8;
	v9 =	vor.u32 v1, v9;
	v6 =	vadd.s32 v6, v16;
	v16 =	vld [tilespmem:s2+$0x70];
	v22 =	vor.u32 v4, v8  }
0xda: {  	s4 =	smul.u32 $0xAAAB, s1;
	v17 =	vld.idx.msk [tilespmem:v0+s20+$0x0], $0xffff;
	v0 =	vand.u32 $0x7F, v5;
	v5 =	vand.u32 $0x7F, v7;
	v7 =	vand.u32 $0x7F, v10  }
0xdb: {  	v1 =	vld [tilespmem:s2+$0x0];
	v10 =	vand.u32 $0x7F, v11;
	v11 =	vor.u32 v2, v12;
	v0 =	vor.u32 v0, v13  }
0xdc: {  	s4 =	sshrl.u32 s4, $0x17;
	v3 =	vld [tilespmem:s2+$0x20];
	v5 =	vor.u32 v5, v14;
	v7 =	vor.u32 v7, v15;
	v13 =	vor.u32 v4, v9  }
0xdd: {  	s17 =	sshrl.u32 s24, $0xA;
	v2 =	vld [tilespmem:s2+$0x10];
	v14 =	vmov s4;
	v18 =	vor.u32 v4, v11;
	v6 =	vor.u32 v10, v6  }
0xde: {  	s6 =	sshll.u32 s24, $0x2;
	s4 =	smul.u32 $0x18000, s17;
	v8 =	vshll.u32 v16, $0x3;
	v11 =	vor.u32 v4, v0;
	v10 =	vor.u32 v4, v5;
	v5 =	vld [tilespmem:s2+$0x30]  }
0xdf: {  	s0 =	smul.u32 $0x18000, s0;
	s6 =	sand.u32 $0xE00, s6;
	v9 =	vor.u32 v4, v7;
	v4 =	vor.u32 v4, v6;
	v0 =	vshll.u32 v14, $0x9;
	v6 =	vld [tilespmem:s2+$0x40]  }
0xe0: {  	v21 =	vshll.u32 v1, $0x3;
	v7 =	vld [tilespmem:s2+$0x50];
	s4 =	sor.u32 s6, s4;
	v12 =	vand.u32 $0x3000, v0;
	v0 =	vand.u32 $0xFFFFFC00, v8  }
0xe1: {  	v15 =	vand.u32 $0x7F, v16;
	v14 =	vshll.u32 v14, $0x7;
	v8 =	vld [tilespmem:s2+$0x60];
	s0 =	ssub.s32 s4, s0;
	v16 =	vadd.s32 v12, v0  }
0xe2: {  	v0 =	vand.u32 $0x380, v14;
	s0 =	sshra.s32 s0, $0x2;
	v23 =	vshll.u32 v2, $0x3;
	v14 =	vor.u32 v15, v16;
	v15 =	vld.idx.msk [tilespmem:v13+s20+$0x0], $0xffff  }
0xe3: {  	v20 =	vshll.u32 v3, $0x3;
	s31 =	sadd.s32 $0x4C00, s0;
	v16 =	vor.u32 v0, v14;
	v14 =	vld.idx.msk [tilespmem:v18+s20+$0x0], $0xffff;
	v18 =	vand.u32 $0xFFFFFC00, v23  }
0xe4: {  	s24 =	simm.s32 $0x10;
	s0 =	simm.s32 $0x80;
	v13 =	vld.idx.msk [tilespmem:v22+s20+$0x0], $0xffff;
	v19 =	vshll.u32 v5, $0x3;
	[tilespmem:s31+$0x70] =	vst v17;
	v17 =	vand.u32 $0xFFFFFC00, v21;
	v21 =	vshll.u32 v6, $0x3  }
.LBB2_6:
0xe5: {  	s2 =	smulhi.u32 $0xAAAAAAAB, s24;
	v20 =	vand.u32 $0xFFFFFC00, v20;
	v19 =	vand.u32 $0xFFFFFC00, v19;
	v22 =	vshll.u32 v7, $0x3;
	v11 =	vld.idx.msk [tilespmem:v11+s20+$0x0], $0xffff  }
0xe6: {  	s4 =	sshrl.u32 s29, $0xA;
	v21 =	vand.u32 $0xFFFFFC00, v21;
	v22 =	vand.u32 $0xFFFFFC00, v22;
	v23 =	vshll.u32 v8, $0x3;
	v10 =	vld.idx.msk [tilespmem:v10+s20+$0x0], $0xffff  }
0xe7: {  	v17 =	vadd.s32 v12, v17;
	v18 =	vadd.s32 v12, v18;
	s4 =	smul.u32 $0x18000, s4;
	s6 =	sshrl.u32 s2, $0x7;
	v23 =	vand.u32 $0xFFFFFC00, v23;
	v9 =	vld.idx.msk [tilespmem:v9+s20+$0x0], $0xffff  }
0xe8: {  	s17 =	sshll.u32 s29, $0x2;
	v20 =	vadd.s32 v12, v20;
	v19 =	vadd.s32 v12, v19;
	v21 =	vadd.s32 v12, v21;
	s29 =	smov.u32 s2;
	s16 =	smul.u32 $0xFFFFD000, s6;
	v16 =	vld.idx.msk [tilespmem:v16+s20+$0x0], $0xffff  }
0xe9: {  	v1 =	vand.u32 $0x7F, v1;
	s2 =	sand.u32 $0xE00, s17;
	s17 =	smul.u32 $0x18000, s30;
	v22 =	vadd.s32 v12, v22;
	v12 =	vadd.s32 v12, v23;
	s30 =	smov.u32 s6;
	[tilespmem:s31+$0x0] =	vst v15;
	v15 =	vld.idx.msk [tilespmem:v4+s20+$0x0], $0xffff  }
0xea: {  	v2 =	vand.u32 $0x7F, v2;
	v3 =	vand.u32 $0x7F, v3;
	s0 =	sadd.s32 $0x80, s0;
	s2 =	sor.u32 s2, s4;
	v4 =	vand.u32 $0x7F, v5;
	s6 =	sshra.s32 s16, $0x2;
	[tilespmem:s31+$0x10] =	vst v14  }
0xeb: {  	s2 =	ssub.s32 s2, s17;
	v5 =	vand.u32 $0x7F, v6;
	v6 =	vand.u32 $0x7F, v7;
	v7 =	vand.u32 $0x7F, v8;
	s4 =	sadd.s32 s6, s0;
	[tilespmem:s31+$0x20] =	vst v13  }
0xec: {  	s1 =	sadd.s32 $0x8, s1;
	s28 =	sadd.s32 $0x400, s28;
	v8 =	vor.u32 v1, v17;
	v17 =	vor.u32 v3, v20;
	s2 =	sshra.s32 s2, $0x2;
	v14 =	vor.u32 v2, v18;
	v13 =	vld [tilespmem:s4+$0x70];
	[tilespmem:s31+$0x30] =	vst v11  }
0xed: {  	p1 =	slt.u32 s1, $0xBF8;
	v4 =	vor.u32 v4, v19;
	v5 =	vor.u32 v5, v21;
	v6 =	vor.u32 v6, v22;
	s6 =	smul.u32 $0xAAAB, s1;
	s2 =	sadd.s32 s2, s28;
	v1 =	vld [tilespmem:s4+$0x0];
	[tilespmem:s31+$0x40] =	vst v10  }
0xee: {  	v18 =	vor.u32 v0, v8;
	v7 =	vor.u32 v7, v12;
	v14 =	vor.u32 v0, v14;
	v2 =	vld [tilespmem:s4+$0x10];
	[tilespmem:s2+$0x70] =	vst v16  }
0xef: {  	v22 =	vor.u32 v0, v17;
	v11 =	vor.u32 v0, v4;
	s6 =	sshrl.u32 s6, $0x17;
	v10 =	vor.u32 v0, v5;
	v3 =	vld [tilespmem:s4+$0x20];
	[tilespmem:s31+$0x50] =	vst v9  }
0xf0: {  	v4 =	vor.u32 v0, v7;
	v8 =	vmov s6;
	v9 =	vor.u32 v0, v6;
	v5 =	vld [tilespmem:s4+$0x30];
	[tilespmem:s31+$0x60] =	vst v15;
	s31 =	smov.u32 s2  }
0xf1: {  	v0 =	vshll.u32 v8, $0x9;
	v6 =	vld [tilespmem:s4+$0x40];
	v15 =	vshll.u32 v13, $0x3  }
.Ltmp4:
0xf2: {  	v12 =	vand.u32 $0x3000, v0;
	v17 =	vshll.u32 v1, $0x3;
	v7 =	vld [tilespmem:s4+$0x50];
	v0 =	vand.u32 $0xFFFFFC00, v15;
	(pc) =	sbr.rel @p1 .LBB2_6-.Ltmp4, $4  }
0xf3: {  	v13 =	vand.u32 $0x7F, v13;
	v15 =	vshll.u32 v8, $0x7;
	v8 =	vld [tilespmem:s4+$0x60];
	v16 =	vadd.s32 v12, v0  }
0xf4: {  	v0 =	vand.u32 $0x380, v15;
	v21 =	vshll.u32 v2, $0x3;
	v13 =	vor.u32 v13, v16;
	v15 =	vld.idx.msk [tilespmem:v18+s20+$0x0], $0xffff  }
0xf5: {  	v20 =	vshll.u32 v3, $0x3;
	v19 =	vshll.u32 v5, $0x3;
	v16 =	vor.u32 v0, v13;
	v14 =	vld.idx.msk [tilespmem:v14+s20+$0x0], $0xffff  }
0xf6: {  	s24 =	sadd.s32 $0x8, s24;
	v17 =	vand.u32 $0xFFFFFC00, v17;
	v18 =	vand.u32 $0xFFFFFC00, v21;
	v21 =	vshll.u32 v6, $0x3;
	v13 =	vld.idx.msk [tilespmem:v22+s20+$0x0], $0xffff  }
0xf7: {  	v20 =	vand.u32 $0xFFFFFC00, v20;
	v22 =	vshll.u32 v7, $0x3  }
0xf8: {  	v19 =	vand.u32 $0xFFFFFC00, v19;
	v21 =	vand.u32 $0xFFFFFC00, v21;
	v17 =	vadd.s32 v12, v17  }
0xf9: {  	v18 =	vadd.s32 v12, v18;
	v1 =	vand.u32 $0x7F, v1;
	v2 =	vand.u32 $0x7F, v2  }
0xfa: {  	v3 =	vand.u32 $0x7F, v3;
	v5 =	vand.u32 $0x7F, v5;
	v6 =	vand.u32 $0x7F, v6  }
0xfb: {  	v11 =	vld.idx.msk [tilespmem:v11+s20+$0x0], $0xffff;
	v7 =	vand.u32 $0x7F, v7;
	v22 =	vand.u32 $0xFFFFFC00, v22;
	v23 =	vshll.u32 v8, $0x3  }
0xfc: {  	v10 =	vld.idx.msk [tilespmem:v10+s20+$0x0], $0xffff;
	v20 =	vadd.s32 v12, v20;
	v19 =	vadd.s32 v12, v19;
	v1 =	vor.u32 v1, v17  }
0xfd: {  	v16 =	vld.idx.msk [tilespmem:v16+s20+$0x0], $0xffff;
	v21 =	vadd.s32 v12, v21;
	v2 =	vor.u32 v2, v18;
	v1 =	vor.u32 v0, v1  }
0xfe: {  	v9 =	vld.idx.msk [tilespmem:v9+s20+$0x0], $0xffff;
	v8 =	vand.u32 $0x7F, v8;
	v3 =	vor.u32 v3, v20;
	v2 =	vor.u32 v0, v2  }
0xff: {  	s0 =	sshrl.u32 s29, $0xA;
	v4 =	vld.idx.msk [tilespmem:v4+s20+$0x0], $0xffff;
	v23 =	vand.u32 $0xFFFFFC00, v23;
	[tilespmem:s31+$0x0] =	vst v15;
	v5 =	vor.u32 v5, v19;
	v3 =	vor.u32 v0, v3  }
0x100: {  	s1 =	sshll.u32 s29, $0x2;
	s0 =	smul.u32 $0x18000, s0;
	v22 =	vadd.s32 v12, v22;
	v6 =	vor.u32 v6, v21;
	[tilespmem:s31+$0x10] =	vst v14;
	v5 =	vor.u32 v0, v5  }
0x101: {  	s2 =	smul.u32 $0x18000, s30;
	s1 =	sand.u32 $0xE00, s1;
	v12 =	vadd.s32 v12, v23;
	v7 =	vor.u32 v7, v22;
	v6 =	vor.u32 v0, v6;
	[tilespmem:s31+$0x20] =	vst v13  }
0x102: {  	s0 =	sor.u32 s1, s0;
	v8 =	vor.u32 v8, v12;
	v7 =	vor.u32 v0, v7;
	[tilespmem:s31+$0x30] =	vst v11;
	v1 =	vld.idx.msk [tilespmem:v1+s20+$0x0], $0xffff  }
0x103: {  	s0 =	ssub.s32 s0, s2;
	[tilespmem:s31+$0x40] =	vst v10;
	v0 =	vor.u32 v0, v8;
	v2 =	vld.idx.msk [tilespmem:v2+s20+$0x0], $0xffff  }
0x104: {  	s16 =	sadd.s32 $0x400, s28;
	s0 =	sshra.s32 s0, $0x2;
	[tilespmem:s31+$0x50] =	vst v9;
	v3 =	vld.idx.msk [tilespmem:v3+s20+$0x0], $0xffff  }
0x105: {  	[tilespmem:s31+$0x60] =	vst v4;
	s0 =	sadd.s32 s0, s16;
	v5 =	vld.idx.msk [tilespmem:v5+s20+$0x0], $0xffff  }
0x106: {  	[tilespmem:s0+$0x70] =	vst v16;
	v4 =	vld.idx.msk [tilespmem:v6+s20+$0x0], $0xffff  }
0x107: {  	v6 =	vld.idx.msk [tilespmem:v7+s20+$0x0], $0xffff;
	[tilespmem:s0+$0x0] =	vst v1  }
0x108: {  	v0 =	vld.idx.msk [tilespmem:v0+s20+$0x0], $0xffff;
	[tilespmem:s0+$0x10] =	vst v2  }
0x109: {  	[tilespmem:s0+$0x20] =	vst v3  }
0x10a: {  	s17 =	simm.s32 $0x0;
	[tilespmem:s0+$0x30] =	vst v5  }
0x10b: {  	s24 =	smulhi.u32 $0xAAAAAAAB, s17;
	[tilespmem:s0+$0x40] =	vst v4  }
0x10c: {  	[tilespmem:s0+$0x50] =	vst v6  }
0x10d: {  	s28 =	simm.s32 $0x4C00;
	[tilespmem:s0+$0x60] =	vst v0;
	s0 =	sshrl.u32 s24, $0x7  }
0x10e: {  	[hbm4b:s8+s17] =	stream.linear.scatter [tilespmem:s28], [sflag:$0x1], $0xC000, $0x38;
	[tilespmem:$0x10C80] =	vst v63  }
0x10f: {  	s2 =	smul.u32 $0xFFFFD000, s0  }
0x110: {  	_ =	swait.ge [sflag:s21], $0xC000  }
0x111: {  	[sflag:s21] =	ssyncset.done $0x0;
	s1 =	sshra.s32 s2, $0x2  }
0x112: {  	[sflag:s21] =	ssyncadd.s32 $0xFFFF4000;
	s1 =	sadd.s32 $0x0, s1  }
0x113: {  	v0 =	vld [tilespmem:s1+$0x70]  }
0x114: {  	s4 =	simm.s32 $0x0;
	v1 =	vld [tilespmem:s1+$0x0]  }
0x115: {  	s2 =	smul.u32 $0xAAAB, s4;
	v2 =	vld [tilespmem:s1+$0x10]  }
0x116: {  	v5 =	vld [tilespmem:s1+$0x30]  }
0x117: {  	s2 =	sshrl.u32 s2, $0x17;
	v7 =	vld [tilespmem:s1+$0x40]  }
0x118: {  	v10 =	vld [tilespmem:s1+$0x50];
	s2 =	sadd.s32 $0x10, s2  }
0x119: {  	v11 =	vld [tilespmem:s1+$0x60];
	v4 =	vmov s2  }
0x11a: {  	s6 =	simm.s32 $0x8;
	v6 =	vshll.u32 v4, $0x9;
	v4 =	vshll.u32 v4, $0x7  }
0x11b: {  	s29 =	smulhi.u32 $0xAAAAAAAB, s6;
	v6 =	vand.u32 $0x7000, v6;
	v4 =	vand.u32 $0x380, v4  }
0x11c: {  	v8 =	vshll.u32 v0, $0x3;
	v9 =	vshll.u32 v1, $0x3;
	v0 =	vand.u32 $0x7F, v0  }
0x11d: {  	s30 =	sshrl.u32 s29, $0x7;
	v3 =	vld [tilespmem:s1+$0x20];
	v12 =	vshll.u32 v2, $0x3;
	v13 =	vshll.u32 v5, $0x3;
	v14 =	vshll.u32 v7, $0x3  }
0x11e: {  	s16 =	smul.u32 $0xFFFFD000, s30;
	v15 =	vshll.u32 v10, $0x3;
	v16 =	vshll.u32 v11, $0x3;
	v1 =	vand.u32 $0x7F, v1  }
0x11f: {  	v2 =	vand.u32 $0x7F, v2;
	v8 =	vand.u32 $0xFFFFFC00, v8;
	v9 =	vand.u32 $0xFFFFFC00, v9  }
0x120: {  	s2 =	sshra.s32 s16, $0x2;
	v12 =	vand.u32 $0xFFFFFC00, v12;
	v13 =	vand.u32 $0xFFFFFC00, v13;
	v8 =	vadd.s32 v6, v8  }
0x121: {  	s2 =	sadd.s32 $0x80, s2;
	v14 =	vand.u32 $0xFFFFFC00, v14;
	v9 =	vadd.s32 v6, v9;
	v0 =	vor.u32 v0, v8  }
0x122: {  	v8 =	vshll.u32 v3, $0x3;
	v9 =	vor.u32 v1, v9;
	v1 =	vld [tilespmem:s2+$0x0];
	v0 =	vor.u32 v4, v0  }
0x123: {  	v15 =	vand.u32 $0xFFFFFC00, v15;
	v16 =	vand.u32 $0xFFFFFC00, v16;
	v8 =	vand.u32 $0xFFFFFC00, v8  }
0x124: {  	v12 =	vadd.s32 v6, v12;
	v3 =	vand.u32 $0x7F, v3;
	v8 =	vadd.s32 v6, v8  }
0x125: {  	s1 =	simm.s32 $0x8;
	v13 =	vadd.s32 v6, v13;
	v14 =	vadd.s32 v6, v14;
	v8 =	vor.u32 v3, v8  }
0x126: {  	s4 =	smul.u32 $0xAAAB, s1;
	v15 =	vadd.s32 v6, v15;
	v6 =	vadd.s32 v6, v16;
	v16 =	vld [tilespmem:s2+$0x70];
	v22 =	vor.u32 v4, v8  }
0x127: {  	v21 =	vshll.u32 v1, $0x3;
	v17 =	vld.idx.msk [tilespmem:v0+s20+$0x0], $0xffff;
	v0 =	vand.u32 $0x7F, v5;
	v5 =	vand.u32 $0x7F, v7  }
0x128: {  	s4 =	sshrl.u32 s4, $0x17;
	v7 =	vand.u32 $0x7F, v10;
	v10 =	vand.u32 $0x7F, v11;
	v11 =	vor.u32 v2, v12  }
0x129: {  	s4 =	sadd.s32 $0x10, s4;
	v3 =	vld [tilespmem:s2+$0x20];
	v0 =	vor.u32 v0, v13;
	v5 =	vor.u32 v5, v14;
	v7 =	vor.u32 v7, v15  }
0x12a: {  	s17 =	sshrl.u32 s24, $0xA;
	v2 =	vld [tilespmem:s2+$0x10];
	v13 =	vor.u32 v4, v9;
	v14 =	vmov s4;
	v18 =	vor.u32 v4, v11  }
0x12b: {  	s6 =	sshll.u32 s24, $0x2;
	v12 =	vor.u32 v10, v6;
	s4 =	smul.u32 $0x18000, s17;
	v6 =	vld [tilespmem:s2+$0x30];
	v8 =	vshll.u32 v16, $0x3;
	v11 =	vor.u32 v4, v0  }
0x12c: {  	s6 =	sand.u32 $0xE00, s6;
	s0 =	smul.u32 $0x18000, s0;
	v10 =	vor.u32 v4, v5;
	v9 =	vor.u32 v4, v7;
	v0 =	vshll.u32 v14, $0x9;
	v5 =	vld [tilespmem:s2+$0x40]  }
0x12d: {  	v4 =	vor.u32 v4, v12;
	v7 =	vld [tilespmem:s2+$0x50];
	s4 =	sor.u32 s6, s4;
	v12 =	vand.u32 $0x7000, v0;
	v0 =	vand.u32 $0xFFFFFC00, v8  }
0x12e: {  	v15 =	vand.u32 $0x7F, v16;
	v14 =	vshll.u32 v14, $0x7;
	v8 =	vld [tilespmem:s2+$0x60];
	s0 =	ssub.s32 s4, s0;
	v16 =	vadd.s32 v12, v0  }
0x12f: {  	v20 =	vshll.u32 v3, $0x3;
	v0 =	vand.u32 $0x380, v14;
	s0 =	sshra.s32 s0, $0x2;
	v14 =	vor.u32 v15, v16;
	v15 =	vld.idx.msk [tilespmem:v13+s20+$0x0], $0xffff  }
0x130: {  	v23 =	vshll.u32 v2, $0x3;
	s31 =	sadd.s32 $0x4C00, s0;
	v19 =	vshll.u32 v6, $0x3;
	v16 =	vor.u32 v0, v14;
	v14 =	vld.idx.msk [tilespmem:v18+s20+$0x0], $0xffff  }
0x131: {  	s24 =	simm.s32 $0x10;
	s0 =	simm.s32 $0x80;
	v18 =	vand.u32 $0xFFFFFC00, v23;
	v13 =	vld.idx.msk [tilespmem:v22+s20+$0x0], $0xffff;
	[tilespmem:s31+$0x70] =	vst v17;
	v17 =	vand.u32 $0xFFFFFC00, v21;
	v21 =	vshll.u32 v5, $0x3  }
.LBB2_8:
0x132: {  	s2 =	smulhi.u32 $0xAAAAAAAB, s24;
	v20 =	vand.u32 $0xFFFFFC00, v20;
	v19 =	vand.u32 $0xFFFFFC00, v19;
	v22 =	vshll.u32 v7, $0x3;
	v11 =	vld.idx.msk [tilespmem:v11+s20+$0x0], $0xffff  }
0x133: {  	s4 =	sshrl.u32 s29, $0xA;
	v21 =	vand.u32 $0xFFFFFC00, v21;
	v22 =	vand.u32 $0xFFFFFC00, v22;
	v23 =	vshll.u32 v8, $0x3;
	v10 =	vld.idx.msk [tilespmem:v10+s20+$0x0], $0xffff  }
0x134: {  	v17 =	vadd.s32 v12, v17;
	v18 =	vadd.s32 v12, v18;
	s4 =	smul.u32 $0x18000, s4;
	s6 =	sshrl.u32 s2, $0x7;
	v23 =	vand.u32 $0xFFFFFC00, v23;
	v9 =	vld.idx.msk [tilespmem:v9+s20+$0x0], $0xffff  }
0x135: {  	s17 =	sshll.u32 s29, $0x2;
	v20 =	vadd.s32 v12, v20;
	v19 =	vadd.s32 v12, v19;
	v21 =	vadd.s32 v12, v21;
	s29 =	smov.u32 s2;
	s16 =	smul.u32 $0xFFFFD000, s6;
	v16 =	vld.idx.msk [tilespmem:v16+s20+$0x0], $0xffff  }
0x136: {  	v1 =	vand.u32 $0x7F, v1;
	s2 =	sand.u32 $0xE00, s17;
	s17 =	smul.u32 $0x18000, s30;
	v22 =	vadd.s32 v12, v22;
	v12 =	vadd.s32 v12, v23;
	s30 =	smov.u32 s6;
	[tilespmem:s31+$0x0] =	vst v15;
	v15 =	vld.idx.msk [tilespmem:v4+s20+$0x0], $0xffff  }
0x137: {  	v2 =	vand.u32 $0x7F, v2;
	v3 =	vand.u32 $0x7F, v3;
	s0 =	sadd.s32 $0x80, s0;
	s2 =	sor.u32 s2, s4;
	v4 =	vand.u32 $0x7F, v6;
	s6 =	sshra.s32 s16, $0x2;
	[tilespmem:s31+$0x10] =	vst v14  }
0x138: {  	s1 =	sadd.s32 $0x8, s1;
	v5 =	vand.u32 $0x7F, v5;
	s2 =	ssub.s32 s2, s17;
	v6 =	vand.u32 $0x7F, v7;
	v7 =	vand.u32 $0x7F, v8;
	s4 =	sadd.s32 s6, s0;
	[tilespmem:s31+$0x20] =	vst v13  }
0x139: {  	s28 =	sadd.s32 $0x400, s28;
	v8 =	vor.u32 v1, v17;
	v17 =	vor.u32 v3, v20;
	s2 =	sshra.s32 s2, $0x2;
	v14 =	vor.u32 v2, v18;
	s6 =	smul.u32 $0xAAAB, s1;
	v13 =	vld [tilespmem:s4+$0x70];
	[tilespmem:s31+$0x30] =	vst v11  }
0x13a: {  	p1 =	slt.u32 s1, $0xBF8;
	v5 =	vor.u32 v5, v21;
	v4 =	vor.u32 v4, v19;
	v18 =	vor.u32 v6, v22;
	s2 =	sadd.s32 s2, s28;
	v1 =	vld [tilespmem:s4+$0x0];
	[tilespmem:s31+$0x40] =	vst v10  }
0x13b: {  	v19 =	vor.u32 v0, v8;
	v7 =	vor.u32 v7, v12;
	v14 =	vor.u32 v0, v14;
	s6 =	sshrl.u32 s6, $0x17;
	v2 =	vld [tilespmem:s4+$0x10];
	[tilespmem:s2+$0x70] =	vst v16  }
0x13c: {  	v22 =	vor.u32 v0, v17;
	v11 =	vor.u32 v0, v4;
	v10 =	vor.u32 v0, v5;
	s6 =	sadd.s32 $0x10, s6;
	v3 =	vld [tilespmem:s4+$0x20];
	[tilespmem:s31+$0x50] =	vst v9  }
0x13d: {  	v4 =	vor.u32 v0, v7;
	v8 =	vmov s6;
	v9 =	vor.u32 v0, v18;
	v6 =	vld [tilespmem:s4+$0x30];
	[tilespmem:s31+$0x60] =	vst v15;
	s31 =	smov.u32 s2  }
0x13e: {  	v0 =	vshll.u32 v8, $0x9;
	v5 =	vld [tilespmem:s4+$0x40];
	v15 =	vshll.u32 v13, $0x3  }
.Ltmp5:
0x13f: {  	v12 =	vand.u32 $0x7000, v0;
	v17 =	vshll.u32 v1, $0x3;
	v7 =	vld [tilespmem:s4+$0x50];
	v0 =	vand.u32 $0xFFFFFC00, v15;
	(pc) =	sbr.rel @p1 .LBB2_8-.Ltmp5, $4  }
0x140: {  	v13 =	vand.u32 $0x7F, v13;
	v15 =	vshll.u32 v8, $0x7;
	v8 =	vld [tilespmem:s4+$0x60];
	v16 =	vadd.s32 v12, v0  }
0x141: {  	v0 =	vand.u32 $0x380, v15;
	v18 =	vshll.u32 v2, $0x3;
	v13 =	vor.u32 v13, v16;
	v15 =	vld.idx.msk [tilespmem:v19+s20+$0x0], $0xffff  }
0x142: {  	v20 =	vshll.u32 v3, $0x3;
	v19 =	vshll.u32 v6, $0x3;
	v16 =	vor.u32 v0, v13;
	v14 =	vld.idx.msk [tilespmem:v14+s20+$0x0], $0xffff  }
0x143: {  	s24 =	sadd.s32 $0x8, s24;
	v17 =	vand.u32 $0xFFFFFC00, v17;
	v18 =	vand.u32 $0xFFFFFC00, v18;
	v21 =	vshll.u32 v5, $0x3;
	v13 =	vld.idx.msk [tilespmem:v22+s20+$0x0], $0xffff  }
0x144: {  	v20 =	vand.u32 $0xFFFFFC00, v20;
	v22 =	vshll.u32 v7, $0x3  }
0x145: {  	v19 =	vand.u32 $0xFFFFFC00, v19;
	v21 =	vand.u32 $0xFFFFFC00, v21;
	v17 =	vadd.s32 v12, v17  }
0x146: {  	v18 =	vadd.s32 v12, v18;
	v1 =	vand.u32 $0x7F, v1;
	v2 =	vand.u32 $0x7F, v2  }
0x147: {  	v3 =	vand.u32 $0x7F, v3;
	v6 =	vand.u32 $0x7F, v6;
	v5 =	vand.u32 $0x7F, v5  }
0x148: {  	v11 =	vld.idx.msk [tilespmem:v11+s20+$0x0], $0xffff;
	v7 =	vand.u32 $0x7F, v7;
	v22 =	vand.u32 $0xFFFFFC00, v22;
	v23 =	vshll.u32 v8, $0x3  }
0x149: {  	v10 =	vld.idx.msk [tilespmem:v10+s20+$0x0], $0xffff;
	v20 =	vadd.s32 v12, v20;
	v19 =	vadd.s32 v12, v19;
	v1 =	vor.u32 v1, v17  }
0x14a: {  	v16 =	vld.idx.msk [tilespmem:v16+s20+$0x0], $0xffff;
	v21 =	vadd.s32 v12, v21;
	v2 =	vor.u32 v2, v18;
	v1 =	vor.u32 v0, v1  }
0x14b: {  	v9 =	vld.idx.msk [tilespmem:v9+s20+$0x0], $0xffff;
	v8 =	vand.u32 $0x7F, v8;
	v3 =	vor.u32 v3, v20;
	v2 =	vor.u32 v0, v2  }
0x14c: {  	s0 =	sshrl.u32 s29, $0xA;
	v4 =	vld.idx.msk [tilespmem:v4+s20+$0x0], $0xffff;
	v23 =	vand.u32 $0xFFFFFC00, v23;
	[tilespmem:s31+$0x0] =	vst v15;
	v6 =	vor.u32 v6, v19;
	v3 =	vor.u32 v0, v3  }
0x14d: {  	s1 =	sshll.u32 s29, $0x2;
	s0 =	smul.u32 $0x18000, s0;
	v22 =	vadd.s32 v12, v22;
	v5 =	vor.u32 v5, v21;
	[tilespmem:s31+$0x10] =	vst v14;
	v6 =	vor.u32 v0, v6  }
0x14e: {  	s2 =	smul.u32 $0x18000, s30;
	s1 =	sand.u32 $0xE00, s1;
	v12 =	vadd.s32 v12, v23;
	v7 =	vor.u32 v7, v22;
	v5 =	vor.u32 v0, v5;
	[tilespmem:s31+$0x20] =	vst v13  }
0x14f: {  	s0 =	sor.u32 s1, s0;
	v8 =	vor.u32 v8, v12;
	v7 =	vor.u32 v0, v7;
	[tilespmem:s31+$0x30] =	vst v11;
	v1 =	vld.idx.msk [tilespmem:v1+s20+$0x0], $0xffff  }
0x150: {  	s0 =	ssub.s32 s0, s2;
	[tilespmem:s31+$0x40] =	vst v10;
	v0 =	vor.u32 v0, v8;
	v2 =	vld.idx.msk [tilespmem:v2+s20+$0x0], $0xffff  }
0x151: {  	s4 =	sadd.s32 $0x400, s28;
	s0 =	sshra.s32 s0, $0x2;
	[tilespmem:s31+$0x50] =	vst v9;
	v3 =	vld.idx.msk [tilespmem:v3+s20+$0x0], $0xffff  }
0x152: {  	[tilespmem:s31+$0x60] =	vst v4;
	s0 =	sadd.s32 s0, s4;
	v6 =	vld.idx.msk [tilespmem:v6+s20+$0x0], $0xffff  }
0x153: {  	[tilespmem:s0+$0x70] =	vst v16;
	v4 =	vld.idx.msk [tilespmem:v5+s20+$0x0], $0xffff  }
0x154: {  	v5 =	vld.idx.msk [tilespmem:v7+s20+$0x0], $0xffff;
	[tilespmem:s0+$0x0] =	vst v1  }
0x155: {  	v0 =	vld.idx.msk [tilespmem:v0+s20+$0x0], $0xffff;
	[tilespmem:s0+$0x10] =	vst v2  }
0x156: {  	[tilespmem:s0+$0x20] =	vst v3  }
0x157: {  	[tilespmem:s0+$0x30] =	vst v6  }
0x158: {  	[tilespmem:s0+$0x40] =	vst v4  }
0x159: {  	s6 =	simm.s32 $0x0;
	[tilespmem:s0+$0x50] =	vst v5  }
0x15a: {  	s28 =	simm.s32 $0x4C00;
	s24 =	smulhi.u32 $0xAAAAAAAB, s6;
	[tilespmem:s0+$0x60] =	vst v0  }
0x15b: {  	[hbm4b:s9+s6] =	stream.linear.scatter [tilespmem:s28], [sflag:$0x1], $0xC000, $0x38;
	[tilespmem:$0x10C80] =	vst v63  }
0x15c: {  	_ =	swait.ge [sflag:s21], $0xC000  }
0x15d: {  	s0 =	sshrl.u32 s24, $0x7;
	[sflag:s21] =	ssyncset.done $0x0  }
0x15e: {  	s16 =	smul.u32 $0xFFFFD000, s0;
	[sflag:s21] =	ssyncadd.s32 $0xFFFF4000  }
0x15f: {  	[tilespmem:s6], [sflag:$0x1] =	stream.strided.gather [hbm4b:s10+s22], $0xC00, s23, s22, $0x38;
	[tilespmem:$0x10C80] =	vst v63  }
0x160: {  	_ =	swait.ge [sflag:s21], $0xC00  }
0x161: {  	s1 =	sshra.s32 s16, $0x2;
	[sflag:s21] =	ssyncset.done $0x0  }
0x162: {  	s1 =	sadd.s32 $0x0, s1;
	[sflag:s21] =	ssyncadd.s32 $0xFFFFF400  }
0x163: {  	v0 =	vld [tilespmem:s1+$0x70]  }
0x164: {  	v1 =	vld [tilespmem:s1+$0x0]  }
0x165: {  	s17 =	simm.s32 $0x0;
	v2 =	vld [tilespmem:s1+$0x10]  }
0x166: {  	s2 =	smul.u32 $0xAAAB, s17;
	v5 =	vld [tilespmem:s1+$0x30]  }
0x167: {  	v7 =	vld [tilespmem:s1+$0x40]  }
0x168: {  	s2 =	sshrl.u32 s2, $0x17;
	v10 =	vld [tilespmem:s1+$0x50]  }
0x169: {  	v4 =	vmov s2;
	v11 =	vld [tilespmem:s1+$0x60]  }
0x16a: {  	v6 =	vshll.u32 v4, $0x9;
	v4 =	vshll.u32 v4, $0x7  }
0x16b: {  	v6 =	vand.u32 $0x3000, v6;
	v4 =	vand.u32 $0x380, v4  }
0x16c: {  	v8 =	vshll.u32 v0, $0x3;
	v9 =	vshll.u32 v1, $0x3;
	v0 =	vand.u32 $0x7F, v0  }
0x16d: {  	v3 =	vld [tilespmem:s1+$0x20];
	v12 =	vshll.u32 v2, $0x3;
	v13 =	vshll.u32 v5, $0x3;
	v14 =	vshll.u32 v7, $0x3  }
0x16e: {  	s4 =	simm.s32 $0x8;
	v15 =	vshll.u32 v10, $0x3;
	v16 =	vshll.u32 v11, $0x3;
	v1 =	vand.u32 $0x7F, v1  }
0x16f: {  	s29 =	smulhi.u32 $0xAAAAAAAB, s4;
	v2 =	vand.u32 $0x7F, v2;
	v8 =	vand.u32 $0xFFFFFC00, v8;
	v9 =	vand.u32 $0xFFFFFC00, v9  }
0x170: {  	v12 =	vand.u32 $0xFFFFFC00, v12;
	v13 =	vand.u32 $0xFFFFFC00, v13;
	v8 =	vadd.s32 v6, v8  }
0x171: {  	s30 =	sshrl.u32 s29, $0x7;
	v14 =	vand.u32 $0xFFFFFC00, v14;
	v15 =	vand.u32 $0xFFFFFC00, v15;
	v0 =	vor.u32 v0, v8  }
0x172: {  	s6 =	smul.u32 $0xFFFFD000, s30;
	v16 =	vand.u32 $0xFFFFFC00, v16;
	v8 =	vshll.u32 v3, $0x3;
	v0 =	vor.u32 v4, v0  }
0x173: {  	v9 =	vadd.s32 v6, v9;
	v12 =	vadd.s32 v6, v12;
	v8 =	vand.u32 $0xFFFFFC00, v8  }
0x174: {  	s16 =	sshra.s32 s6, $0x2;
	v13 =	vadd.s32 v6, v13;
	v3 =	vand.u32 $0x7F, v3;
	v8 =	vadd.s32 v6, v8  }
0x175: {  	s2 =	sadd.s32 $0x80, s16;
	v14 =	vadd.s32 v6, v14;
	v15 =	vadd.s32 v6, v15;
	v8 =	vor.u32 v3, v8  }
0x176: {  	s1 =	simm.s32 $0x8;
	v9 =	vor.u32 v1, v9;
	v6 =	vadd.s32 v6, v16;
	v16 =	vld [tilespmem:s2+$0x70];
	v22 =	vor.u32 v4, v8  }
0x177: {  	s4 =	smul.u32 $0xAAAB, s1;
	v17 =	vld.idx.msk [tilespmem:v0+s20+$0x0], $0xffff;
	v0 =	vand.u32 $0x7F, v5;
	v5 =	vand.u32 $0x7F, v7;
	v7 =	vand.u32 $0x7F, v10  }
0x178: {  	v1 =	vld [tilespmem:s2+$0x0];
	v10 =	vand.u32 $0x7F, v11;
	v11 =	vor.u32 v2, v12;
	v0 =	vor.u32 v0, v13  }
0x179: {  	s4 =	sshrl.u32 s4, $0x17;
	v3 =	vld [tilespmem:s2+$0x20];
	v5 =	vor.u32 v5, v14;
	v7 =	vor.u32 v7, v15;
	v13 =	vor.u32 v4, v9  }
0x17a: {  	s17 =	sshrl.u32 s24, $0xA;
	v2 =	vld [tilespmem:s2+$0x10];
	v14 =	vmov s4;
	v18 =	vor.u32 v4, v11;
	v6 =	vor.u32 v10, v6  }
0x17b: {  	s6 =	sshll.u32 s24, $0x2;
	s4 =	smul.u32 $0x18000, s17;
	v8 =	vshll.u32 v16, $0x3;
	v11 =	vor.u32 v4, v0;
	v10 =	vor.u32 v4, v5;
	v5 =	vld [tilespmem:s2+$0x30]  }
0x17c: {  	s0 =	smul.u32 $0x18000, s0;
	s6 =	sand.u32 $0xE00, s6;
	v9 =	vor.u32 v4, v7;
	v4 =	vor.u32 v4, v6;
	v0 =	vshll.u32 v14, $0x9;
	v6 =	vld [tilespmem:s2+$0x40]  }
0x17d: {  	v21 =	vshll.u32 v1, $0x3;
	v7 =	vld [tilespmem:s2+$0x50];
	s4 =	sor.u32 s6, s4;
	v12 =	vand.u32 $0x3000, v0;
	v0 =	vand.u32 $0xFFFFFC00, v8  }
0x17e: {  	v15 =	vand.u32 $0x7F, v16;
	v14 =	vshll.u32 v14, $0x7;
	v8 =	vld [tilespmem:s2+$0x60];
	s0 =	ssub.s32 s4, s0;
	v16 =	vadd.s32 v12, v0  }
0x17f: {  	v0 =	vand.u32 $0x380, v14;
	s0 =	sshra.s32 s0, $0x2;
	v23 =	vshll.u32 v2, $0x3;
	v14 =	vor.u32 v15, v16;
	v15 =	vld.idx.msk [tilespmem:v13+s20+$0x0], $0xffff  }
0x180: {  	v20 =	vshll.u32 v3, $0x3;
	s31 =	sadd.s32 $0x4C00, s0;
	v16 =	vor.u32 v0, v14;
	v14 =	vld.idx.msk [tilespmem:v18+s20+$0x0], $0xffff;
	v18 =	vand.u32 $0xFFFFFC00, v23  }
0x181: {  	s24 =	simm.s32 $0x10;
	s0 =	simm.s32 $0x80;
	v13 =	vld.idx.msk [tilespmem:v22+s20+$0x0], $0xffff;
	v19 =	vshll.u32 v5, $0x3;
	[tilespmem:s31+$0x70] =	vst v17;
	v17 =	vand.u32 $0xFFFFFC00, v21;
	v21 =	vshll.u32 v6, $0x3  }
.LBB2_10:
0x182: {  	s2 =	smulhi.u32 $0xAAAAAAAB, s24;
	v20 =	vand.u32 $0xFFFFFC00, v20;
	v19 =	vand.u32 $0xFFFFFC00, v19;
	v22 =	vshll.u32 v7, $0x3;
	v11 =	vld.idx.msk [tilespmem:v11+s20+$0x0], $0xffff  }
0x183: {  	s4 =	sshrl.u32 s29, $0xA;
	v21 =	vand.u32 $0xFFFFFC00, v21;
	v22 =	vand.u32 $0xFFFFFC00, v22;
	v23 =	vshll.u32 v8, $0x3;
	v10 =	vld.idx.msk [tilespmem:v10+s20+$0x0], $0xffff  }
0x184: {  	v17 =	vadd.s32 v12, v17;
	v18 =	vadd.s32 v12, v18;
	s4 =	smul.u32 $0x18000, s4;
	s6 =	sshrl.u32 s2, $0x7;
	v23 =	vand.u32 $0xFFFFFC00, v23;
	v9 =	vld.idx.msk [tilespmem:v9+s20+$0x0], $0xffff  }
0x185: {  	s17 =	sshll.u32 s29, $0x2;
	v20 =	vadd.s32 v12, v20;
	v19 =	vadd.s32 v12, v19;
	v21 =	vadd.s32 v12, v21;
	s29 =	smov.u32 s2;
	s16 =	smul.u32 $0xFFFFD000, s6;
	v16 =	vld.idx.msk [tilespmem:v16+s20+$0x0], $0xffff  }
0x186: {  	v1 =	vand.u32 $0x7F, v1;
	s2 =	sand.u32 $0xE00, s17;
	s17 =	smul.u32 $0x18000, s30;
	v22 =	vadd.s32 v12, v22;
	v12 =	vadd.s32 v12, v23;
	s30 =	smov.u32 s6;
	[tilespmem:s31+$0x0] =	vst v15;
	v15 =	vld.idx.msk [tilespmem:v4+s20+$0x0], $0xffff  }
0x187: {  	v2 =	vand.u32 $0x7F, v2;
	v3 =	vand.u32 $0x7F, v3;
	s0 =	sadd.s32 $0x80, s0;
	s2 =	sor.u32 s2, s4;
	v4 =	vand.u32 $0x7F, v5;
	s6 =	sshra.s32 s16, $0x2;
	[tilespmem:s31+$0x10] =	vst v14  }
0x188: {  	s2 =	ssub.s32 s2, s17;
	v5 =	vand.u32 $0x7F, v6;
	v6 =	vand.u32 $0x7F, v7;
	v7 =	vand.u32 $0x7F, v8;
	s4 =	sadd.s32 s6, s0;
	[tilespmem:s31+$0x20] =	vst v13  }
0x189: {  	s1 =	sadd.s32 $0x8, s1;
	s28 =	sadd.s32 $0x400, s28;
	v8 =	vor.u32 v1, v17;
	v17 =	vor.u32 v3, v20;
	s2 =	sshra.s32 s2, $0x2;
	v14 =	vor.u32 v2, v18;
	v13 =	vld [tilespmem:s4+$0x70];
	[tilespmem:s31+$0x30] =	vst v11  }
0x18a: {  	p1 =	slt.u32 s1, $0xBF8;
	v4 =	vor.u32 v4, v19;
	v5 =	vor.u32 v5, v21;
	v6 =	vor.u32 v6, v22;
	s6 =	smul.u32 $0xAAAB, s1;
	s2 =	sadd.s32 s2, s28;
	v1 =	vld [tilespmem:s4+$0x0];
	[tilespmem:s31+$0x40] =	vst v10  }
0x18b: {  	v18 =	vor.u32 v0, v8;
	v7 =	vor.u32 v7, v12;
	v14 =	vor.u32 v0, v14;
	v2 =	vld [tilespmem:s4+$0x10];
	[tilespmem:s2+$0x70] =	vst v16  }
0x18c: {  	v22 =	vor.u32 v0, v17;
	v11 =	vor.u32 v0, v4;
	s6 =	sshrl.u32 s6, $0x17;
	v10 =	vor.u32 v0, v5;
	v3 =	vld [tilespmem:s4+$0x20];
	[tilespmem:s31+$0x50] =	vst v9  }
0x18d: {  	v4 =	vor.u32 v0, v7;
	v8 =	vmov s6;
	v9 =	vor.u32 v0, v6;
	v5 =	vld [tilespmem:s4+$0x30];
	[tilespmem:s31+$0x60] =	vst v15;
	s31 =	smov.u32 s2  }
0x18e: {  	v0 =	vshll.u32 v8, $0x9;
	v6 =	vld [tilespmem:s4+$0x40];
	v15 =	vshll.u32 v13, $0x3  }
.Ltmp6:
0x18f: {  	v12 =	vand.u32 $0x3000, v0;
	v17 =	vshll.u32 v1, $0x3;
	v7 =	vld [tilespmem:s4+$0x50];
	v0 =	vand.u32 $0xFFFFFC00, v15;
	(pc) =	sbr.rel @p1 .LBB2_10-.Ltmp6, $4  }
0x190: {  	v13 =	vand.u32 $0x7F, v13;
	v15 =	vshll.u32 v8, $0x7;
	v8 =	vld [tilespmem:s4+$0x60];
	v16 =	vadd.s32 v12, v0  }
0x191: {  	v0 =	vand.u32 $0x380, v15;
	v21 =	vshll.u32 v2, $0x3;
	v13 =	vor.u32 v13, v16;
	v15 =	vld.idx.msk [tilespmem:v18+s20+$0x0], $0xffff  }
0x192: {  	v20 =	vshll.u32 v3, $0x3;
	v19 =	vshll.u32 v5, $0x3;
	v16 =	vor.u32 v0, v13;
	v14 =	vld.idx.msk [tilespmem:v14+s20+$0x0], $0xffff  }
0x193: {  	s24 =	sadd.s32 $0x8, s24;
	v17 =	vand.u32 $0xFFFFFC00, v17;
	v18 =	vand.u32 $0xFFFFFC00, v21;
	v21 =	vshll.u32 v6, $0x3;
	v13 =	vld.idx.msk [tilespmem:v22+s20+$0x0], $0xffff  }
0x194: {  	v20 =	vand.u32 $0xFFFFFC00, v20;
	v22 =	vshll.u32 v7, $0x3  }
0x195: {  	v19 =	vand.u32 $0xFFFFFC00, v19;
	v21 =	vand.u32 $0xFFFFFC00, v21;
	v17 =	vadd.s32 v12, v17  }
0x196: {  	v18 =	vadd.s32 v12, v18;
	v1 =	vand.u32 $0x7F, v1;
	v2 =	vand.u32 $0x7F, v2  }
0x197: {  	v3 =	vand.u32 $0x7F, v3;
	v5 =	vand.u32 $0x7F, v5;
	v6 =	vand.u32 $0x7F, v6  }
0x198: {  	v11 =	vld.idx.msk [tilespmem:v11+s20+$0x0], $0xffff;
	v7 =	vand.u32 $0x7F, v7;
	v22 =	vand.u32 $0xFFFFFC00, v22;
	v23 =	vshll.u32 v8, $0x3  }
0x199: {  	v10 =	vld.idx.msk [tilespmem:v10+s20+$0x0], $0xffff;
	v20 =	vadd.s32 v12, v20;
	v19 =	vadd.s32 v12, v19;
	v1 =	vor.u32 v1, v17  }
0x19a: {  	v16 =	vld.idx.msk [tilespmem:v16+s20+$0x0], $0xffff;
	v21 =	vadd.s32 v12, v21;
	v2 =	vor.u32 v2, v18;
	v1 =	vor.u32 v0, v1  }
0x19b: {  	v9 =	vld.idx.msk [tilespmem:v9+s20+$0x0], $0xffff;
	v8 =	vand.u32 $0x7F, v8;
	v3 =	vor.u32 v3, v20;
	v2 =	vor.u32 v0, v2  }
0x19c: {  	s0 =	sshrl.u32 s29, $0xA;
	v4 =	vld.idx.msk [tilespmem:v4+s20+$0x0], $0xffff;
	v23 =	vand.u32 $0xFFFFFC00, v23;
	[tilespmem:s31+$0x0] =	vst v15;
	v5 =	vor.u32 v5, v19;
	v3 =	vor.u32 v0, v3  }
0x19d: {  	s1 =	sshll.u32 s29, $0x2;
	s0 =	smul.u32 $0x18000, s0;
	v22 =	vadd.s32 v12, v22;
	v6 =	vor.u32 v6, v21;
	[tilespmem:s31+$0x10] =	vst v14;
	v5 =	vor.u32 v0, v5  }
0x19e: {  	s2 =	smul.u32 $0x18000, s30;
	s1 =	sand.u32 $0xE00, s1;
	v12 =	vadd.s32 v12, v23;
	v7 =	vor.u32 v7, v22;
	v6 =	vor.u32 v0, v6;
	[tilespmem:s31+$0x20] =	vst v13  }
0x19f: {  	s0 =	sor.u32 s1, s0;
	v8 =	vor.u32 v8, v12;
	v7 =	vor.u32 v0, v7;
	[tilespmem:s31+$0x30] =	vst v11;
	v1 =	vld.idx.msk [tilespmem:v1+s20+$0x0], $0xffff  }
0x1a0: {  	s0 =	ssub.s32 s0, s2;
	[tilespmem:s31+$0x40] =	vst v10;
	v0 =	vor.u32 v0, v8;
	v2 =	vld.idx.msk [tilespmem:v2+s20+$0x0], $0xffff  }
0x1a1: {  	s16 =	sadd.s32 $0x400, s28;
	s0 =	sshra.s32 s0, $0x2;
	[tilespmem:s31+$0x50] =	vst v9;
	v3 =	vld.idx.msk [tilespmem:v3+s20+$0x0], $0xffff  }
0x1a2: {  	[tilespmem:s31+$0x60] =	vst v4;
	s0 =	sadd.s32 s0, s16;
	v5 =	vld.idx.msk [tilespmem:v5+s20+$0x0], $0xffff  }
0x1a3: {  	[tilespmem:s0+$0x70] =	vst v16;
	v4 =	vld.idx.msk [tilespmem:v6+s20+$0x0], $0xffff  }
0x1a4: {  	v6 =	vld.idx.msk [tilespmem:v7+s20+$0x0], $0xffff;
	[tilespmem:s0+$0x0] =	vst v1  }
0x1a5: {  	v0 =	vld.idx.msk [tilespmem:v0+s20+$0x0], $0xffff;
	[tilespmem:s0+$0x10] =	vst v2  }
0x1a6: {  	[tilespmem:s0+$0x20] =	vst v3  }
0x1a7: {  	s17 =	simm.s32 $0x0;
	[tilespmem:s0+$0x30] =	vst v5  }
0x1a8: {  	s24 =	smulhi.u32 $0xAAAAAAAB, s17;
	[tilespmem:s0+$0x40] =	vst v4  }
0x1a9: {  	[tilespmem:s0+$0x50] =	vst v6  }
0x1aa: {  	s28 =	simm.s32 $0x4C00;
	[tilespmem:s0+$0x60] =	vst v0;
	s0 =	sshrl.u32 s24, $0x7  }
0x1ab: {  	[hbm4b:s11+s17] =	stream.linear.scatter [tilespmem:s28], [sflag:$0x1], $0xC000, $0x38;
	[tilespmem:$0x10C80] =	vst v63  }
0x1ac: {  	s2 =	smul.u32 $0xFFFFD000, s0  }
0x1ad: {  	_ =	swait.ge [sflag:s21], $0xC000  }
0x1ae: {  	[sflag:s21] =	ssyncset.done $0x0;
	s1 =	sshra.s32 s2, $0x2  }
0x1af: {  	[sflag:s21] =	ssyncadd.s32 $0xFFFF4000;
	s1 =	sadd.s32 $0x0, s1  }
0x1b0: {  	v0 =	vld [tilespmem:s1+$0x70]  }
0x1b1: {  	s4 =	simm.s32 $0x0;
	v1 =	vld [tilespmem:s1+$0x0]  }
0x1b2: {  	s2 =	smul.u32 $0xAAAB, s4;
	v2 =	vld [tilespmem:s1+$0x10]  }
0x1b3: {  	v5 =	vld [tilespmem:s1+$0x30]  }
0x1b4: {  	s2 =	sshrl.u32 s2, $0x17;
	v7 =	vld [tilespmem:s1+$0x40]  }
0x1b5: {  	v10 =	vld [tilespmem:s1+$0x50];
	s2 =	sadd.s32 $0x10, s2  }
0x1b6: {  	v11 =	vld [tilespmem:s1+$0x60];
	v4 =	vmov s2  }
0x1b7: {  	s6 =	simm.s32 $0x8;
	v6 =	vshll.u32 v4, $0x9;
	v4 =	vshll.u32 v4, $0x7  }
0x1b8: {  	s29 =	smulhi.u32 $0xAAAAAAAB, s6;
	v6 =	vand.u32 $0x7000, v6;
	v4 =	vand.u32 $0x380, v4  }
0x1b9: {  	v8 =	vshll.u32 v0, $0x3;
	v9 =	vshll.u32 v1, $0x3;
	v0 =	vand.u32 $0x7F, v0  }
0x1ba: {  	s30 =	sshrl.u32 s29, $0x7;
	v3 =	vld [tilespmem:s1+$0x20];
	v12 =	vshll.u32 v2, $0x3;
	v13 =	vshll.u32 v5, $0x3;
	v14 =	vshll.u32 v7, $0x3  }
0x1bb: {  	s16 =	smul.u32 $0xFFFFD000, s30;
	v15 =	vshll.u32 v10, $0x3;
	v16 =	vshll.u32 v11, $0x3;
	v1 =	vand.u32 $0x7F, v1  }
0x1bc: {  	v2 =	vand.u32 $0x7F, v2;
	v8 =	vand.u32 $0xFFFFFC00, v8;
	v9 =	vand.u32 $0xFFFFFC00, v9  }
0x1bd: {  	s2 =	sshra.s32 s16, $0x2;
	v12 =	vand.u32 $0xFFFFFC00, v12;
	v13 =	vand.u32 $0xFFFFFC00, v13;
	v8 =	vadd.s32 v6, v8  }
0x1be: {  	s2 =	sadd.s32 $0x80, s2;
	v14 =	vand.u32 $0xFFFFFC00, v14;
	v9 =	vadd.s32 v6, v9;
	v0 =	vor.u32 v0, v8  }
0x1bf: {  	v8 =	vshll.u32 v3, $0x3;
	v9 =	vor.u32 v1, v9;
	v1 =	vld [tilespmem:s2+$0x0];
	v0 =	vor.u32 v4, v0  }
0x1c0: {  	v15 =	vand.u32 $0xFFFFFC00, v15;
	v16 =	vand.u32 $0xFFFFFC00, v16;
	v8 =	vand.u32 $0xFFFFFC00, v8  }
0x1c1: {  	v12 =	vadd.s32 v6, v12;
	v3 =	vand.u32 $0x7F, v3;
	v8 =	vadd.s32 v6, v8  }
0x1c2: {  	s1 =	simm.s32 $0x8;
	v13 =	vadd.s32 v6, v13;
	v14 =	vadd.s32 v6, v14;
	v8 =	vor.u32 v3, v8  }
0x1c3: {  	s4 =	smul.u32 $0xAAAB, s1;
	v15 =	vadd.s32 v6, v15;
	v6 =	vadd.s32 v6, v16;
	v16 =	vld [tilespmem:s2+$0x70];
	v22 =	vor.u32 v4, v8  }
0x1c4: {  	v21 =	vshll.u32 v1, $0x3;
	v17 =	vld.idx.msk [tilespmem:v0+s20+$0x0], $0xffff;
	v0 =	vand.u32 $0x7F, v5;
	v5 =	vand.u32 $0x7F, v7  }
0x1c5: {  	s4 =	sshrl.u32 s4, $0x17;
	v7 =	vand.u32 $0x7F, v10;
	v10 =	vand.u32 $0x7F, v11;
	v11 =	vor.u32 v2, v12  }
0x1c6: {  	s4 =	sadd.s32 $0x10, s4;
	v3 =	vld [tilespmem:s2+$0x20];
	v0 =	vor.u32 v0, v13;
	v5 =	vor.u32 v5, v14;
	v7 =	vor.u32 v7, v15  }
0x1c7: {  	s17 =	sshrl.u32 s24, $0xA;
	v2 =	vld [tilespmem:s2+$0x10];
	v13 =	vor.u32 v4, v9;
	v14 =	vmov s4;
	v18 =	vor.u32 v4, v11  }
0x1c8: {  	s6 =	sshll.u32 s24, $0x2;
	v12 =	vor.u32 v10, v6;
	s4 =	smul.u32 $0x18000, s17;
	v6 =	vld [tilespmem:s2+$0x30];
	v8 =	vshll.u32 v16, $0x3;
	v11 =	vor.u32 v4, v0  }
0x1c9: {  	s6 =	sand.u32 $0xE00, s6;
	s0 =	smul.u32 $0x18000, s0;
	v10 =	vor.u32 v4, v5;
	v9 =	vor.u32 v4, v7;
	v0 =	vshll.u32 v14, $0x9;
	v5 =	vld [tilespmem:s2+$0x40]  }
0x1ca: {  	v4 =	vor.u32 v4, v12;
	v7 =	vld [tilespmem:s2+$0x50];
	s4 =	sor.u32 s6, s4;
	v12 =	vand.u32 $0x7000, v0;
	v0 =	vand.u32 $0xFFFFFC00, v8  }
0x1cb: {  	v15 =	vand.u32 $0x7F, v16;
	v14 =	vshll.u32 v14, $0x7;
	v8 =	vld [tilespmem:s2+$0x60];
	s0 =	ssub.s32 s4, s0;
	v16 =	vadd.s32 v12, v0  }
0x1cc: {  	v20 =	vshll.u32 v3, $0x3;
	v0 =	vand.u32 $0x380, v14;
	s0 =	sshra.s32 s0, $0x2;
	v14 =	vor.u32 v15, v16;
	v15 =	vld.idx.msk [tilespmem:v13+s20+$0x0], $0xffff  }
0x1cd: {  	v23 =	vshll.u32 v2, $0x3;
	s31 =	sadd.s32 $0x4C00, s0;
	v19 =	vshll.u32 v6, $0x3;
	v16 =	vor.u32 v0, v14;
	v14 =	vld.idx.msk [tilespmem:v18+s20+$0x0], $0xffff  }
0x1ce: {  	s24 =	simm.s32 $0x10;
	s0 =	simm.s32 $0x80;
	v18 =	vand.u32 $0xFFFFFC00, v23;
	v13 =	vld.idx.msk [tilespmem:v22+s20+$0x0], $0xffff;
	[tilespmem:s31+$0x70] =	vst v17;
	v17 =	vand.u32 $0xFFFFFC00, v21;
	v21 =	vshll.u32 v5, $0x3  }
.LBB2_12:
0x1cf: {  	s2 =	smulhi.u32 $0xAAAAAAAB, s24;
	v20 =	vand.u32 $0xFFFFFC00, v20;
	v19 =	vand.u32 $0xFFFFFC00, v19;
	v22 =	vshll.u32 v7, $0x3;
	v11 =	vld.idx.msk [tilespmem:v11+s20+$0x0], $0xffff  }
0x1d0: {  	s4 =	sshrl.u32 s29, $0xA;
	v21 =	vand.u32 $0xFFFFFC00, v21;
	v22 =	vand.u32 $0xFFFFFC00, v22;
	v23 =	vshll.u32 v8, $0x3;
	v10 =	vld.idx.msk [tilespmem:v10+s20+$0x0], $0xffff  }
0x1d1: {  	v17 =	vadd.s32 v12, v17;
	v18 =	vadd.s32 v12, v18;
	s4 =	smul.u32 $0x18000, s4;
	s6 =	sshrl.u32 s2, $0x7;
	v23 =	vand.u32 $0xFFFFFC00, v23;
	v9 =	vld.idx.msk [tilespmem:v9+s20+$0x0], $0xffff  }
0x1d2: {  	s17 =	sshll.u32 s29, $0x2;
	v20 =	vadd.s32 v12, v20;
	v19 =	vadd.s32 v12, v19;
	v21 =	vadd.s32 v12, v21;
	s29 =	smov.u32 s2;
	s16 =	smul.u32 $0xFFFFD000, s6;
	v16 =	vld.idx.msk [tilespmem:v16+s20+$0x0], $0xffff  }
0x1d3: {  	v1 =	vand.u32 $0x7F, v1;
	s2 =	sand.u32 $0xE00, s17;
	s17 =	smul.u32 $0x18000, s30;
	v22 =	vadd.s32 v12, v22;
	v12 =	vadd.s32 v12, v23;
	s30 =	smov.u32 s6;
	[tilespmem:s31+$0x0] =	vst v15;
	v15 =	vld.idx.msk [tilespmem:v4+s20+$0x0], $0xffff  }
0x1d4: {  	v2 =	vand.u32 $0x7F, v2;
	v3 =	vand.u32 $0x7F, v3;
	s0 =	sadd.s32 $0x80, s0;
	s2 =	sor.u32 s2, s4;
	v4 =	vand.u32 $0x7F, v6;
	s6 =	sshra.s32 s16, $0x2;
	[tilespmem:s31+$0x10] =	vst v14  }
0x1d5: {  	s1 =	sadd.s32 $0x8, s1;
	v5 =	vand.u32 $0x7F, v5;
	s2 =	ssub.s32 s2, s17;
	v6 =	vand.u32 $0x7F, v7;
	v7 =	vand.u32 $0x7F, v8;
	s4 =	sadd.s32 s6, s0;
	[tilespmem:s31+$0x20] =	vst v13  }
0x1d6: {  	s28 =	sadd.s32 $0x400, s28;
	v8 =	vor.u32 v1, v17;
	v17 =	vor.u32 v3, v20;
	s2 =	sshra.s32 s2, $0x2;
	v14 =	vor.u32 v2, v18;
	s6 =	smul.u32 $0xAAAB, s1;
	v13 =	vld [tilespmem:s4+$0x70];
	[tilespmem:s31+$0x30] =	vst v11  }
0x1d7: {  	p1 =	slt.u32 s1, $0xBF8;
	v5 =	vor.u32 v5, v21;
	v4 =	vor.u32 v4, v19;
	v18 =	vor.u32 v6, v22;
	s2 =	sadd.s32 s2, s28;
	v1 =	vld [tilespmem:s4+$0x0];
	[tilespmem:s31+$0x40] =	vst v10  }
0x1d8: {  	v19 =	vor.u32 v0, v8;
	v7 =	vor.u32 v7, v12;
	v14 =	vor.u32 v0, v14;
	s6 =	sshrl.u32 s6, $0x17;
	v2 =	vld [tilespmem:s4+$0x10];
	[tilespmem:s2+$0x70] =	vst v16  }
0x1d9: {  	v22 =	vor.u32 v0, v17;
	v11 =	vor.u32 v0, v4;
	v10 =	vor.u32 v0, v5;
	s6 =	sadd.s32 $0x10, s6;
	v3 =	vld [tilespmem:s4+$0x20];
	[tilespmem:s31+$0x50] =	vst v9  }
0x1da: {  	v4 =	vor.u32 v0, v7;
	v8 =	vmov s6;
	v9 =	vor.u32 v0, v18;
	v6 =	vld [tilespmem:s4+$0x30];
	[tilespmem:s31+$0x60] =	vst v15;
	s31 =	smov.u32 s2  }
0x1db: {  	v0 =	vshll.u32 v8, $0x9;
	v5 =	vld [tilespmem:s4+$0x40];
	v15 =	vshll.u32 v13, $0x3  }
.Ltmp7:
0x1dc: {  	v12 =	vand.u32 $0x7000, v0;
	v17 =	vshll.u32 v1, $0x3;
	v7 =	vld [tilespmem:s4+$0x50];
	v0 =	vand.u32 $0xFFFFFC00, v15;
	(pc) =	sbr.rel @p1 .LBB2_12-.Ltmp7, $4  }
0x1dd: {  	v13 =	vand.u32 $0x7F, v13;
	v15 =	vshll.u32 v8, $0x7;
	v8 =	vld [tilespmem:s4+$0x60];
	v16 =	vadd.s32 v12, v0  }
0x1de: {  	v0 =	vand.u32 $0x380, v15;
	v18 =	vshll.u32 v2, $0x3;
	v13 =	vor.u32 v13, v16;
	v15 =	vld.idx.msk [tilespmem:v19+s20+$0x0], $0xffff  }
0x1df: {  	v20 =	vshll.u32 v3, $0x3;
	v19 =	vshll.u32 v6, $0x3;
	v16 =	vor.u32 v0, v13;
	v14 =	vld.idx.msk [tilespmem:v14+s20+$0x0], $0xffff  }
0x1e0: {  	s24 =	sadd.s32 $0x8, s24;
	v17 =	vand.u32 $0xFFFFFC00, v17;
	v18 =	vand.u32 $0xFFFFFC00, v18;
	v21 =	vshll.u32 v5, $0x3;
	v13 =	vld.idx.msk [tilespmem:v22+s20+$0x0], $0xffff  }
0x1e1: {  	v20 =	vand.u32 $0xFFFFFC00, v20;
	v22 =	vshll.u32 v7, $0x3  }
0x1e2: {  	v19 =	vand.u32 $0xFFFFFC00, v19;
	v21 =	vand.u32 $0xFFFFFC00, v21;
	v17 =	vadd.s32 v12, v17  }
0x1e3: {  	v18 =	vadd.s32 v12, v18;
	v1 =	vand.u32 $0x7F, v1;
	v2 =	vand.u32 $0x7F, v2  }
0x1e4: {  	v3 =	vand.u32 $0x7F, v3;
	v6 =	vand.u32 $0x7F, v6;
	v5 =	vand.u32 $0x7F, v5  }
0x1e5: {  	v11 =	vld.idx.msk [tilespmem:v11+s20+$0x0], $0xffff;
	v7 =	vand.u32 $0x7F, v7;
	v22 =	vand.u32 $0xFFFFFC00, v22;
	v23 =	vshll.u32 v8, $0x3  }
0x1e6: {  	v10 =	vld.idx.msk [tilespmem:v10+s20+$0x0], $0xffff;
	v20 =	vadd.s32 v12, v20;
	v19 =	vadd.s32 v12, v19;
	v1 =	vor.u32 v1, v17  }
0x1e7: {  	v16 =	vld.idx.msk [tilespmem:v16+s20+$0x0], $0xffff;
	v21 =	vadd.s32 v12, v21;
	v2 =	vor.u32 v2, v18;
	v1 =	vor.u32 v0, v1  }
0x1e8: {  	v9 =	vld.idx.msk [tilespmem:v9+s20+$0x0], $0xffff;
	v8 =	vand.u32 $0x7F, v8;
	v3 =	vor.u32 v3, v20;
	v2 =	vor.u32 v0, v2  }
0x1e9: {  	s0 =	sshrl.u32 s29, $0xA;
	v4 =	vld.idx.msk [tilespmem:v4+s20+$0x0], $0xffff;
	v23 =	vand.u32 $0xFFFFFC00, v23;
	[tilespmem:s31+$0x0] =	vst v15;
	v6 =	vor.u32 v6, v19;
	v3 =	vor.u32 v0, v3  }
0x1ea: {  	s1 =	sshll.u32 s29, $0x2;
	s0 =	smul.u32 $0x18000, s0;
	v22 =	vadd.s32 v12, v22;
	v5 =	vor.u32 v5, v21;
	[tilespmem:s31+$0x10] =	vst v14;
	v6 =	vor.u32 v0, v6  }
0x1eb: {  	s2 =	smul.u32 $0x18000, s30;
	s1 =	sand.u32 $0xE00, s1;
	v12 =	vadd.s32 v12, v23;
	v7 =	vor.u32 v7, v22;
	v5 =	vor.u32 v0, v5;
	[tilespmem:s31+$0x20] =	vst v13  }
0x1ec: {  	s0 =	sor.u32 s1, s0;
	v8 =	vor.u32 v8, v12;
	v7 =	vor.u32 v0, v7;
	[tilespmem:s31+$0x30] =	vst v11;
	v1 =	vld.idx.msk [tilespmem:v1+s20+$0x0], $0xffff  }
0x1ed: {  	s0 =	ssub.s32 s0, s2;
	[tilespmem:s31+$0x40] =	vst v10;
	v0 =	vor.u32 v0, v8;
	v2 =	vld.idx.msk [tilespmem:v2+s20+$0x0], $0xffff  }
0x1ee: {  	s4 =	sadd.s32 $0x400, s28;
	s0 =	sshra.s32 s0, $0x2;
	[tilespmem:s31+$0x50] =	vst v9;
	v3 =	vld.idx.msk [tilespmem:v3+s20+$0x0], $0xffff  }
0x1ef: {  	[tilespmem:s31+$0x60] =	vst v4;
	s0 =	sadd.s32 s0, s4;
	v6 =	vld.idx.msk [tilespmem:v6+s20+$0x0], $0xffff  }
0x1f0: {  	[tilespmem:s0+$0x70] =	vst v16;
	v4 =	vld.idx.msk [tilespmem:v5+s20+$0x0], $0xffff  }
0x1f1: {  	v5 =	vld.idx.msk [tilespmem:v7+s20+$0x0], $0xffff;
	[tilespmem:s0+$0x0] =	vst v1  }
0x1f2: {  	v0 =	vld.idx.msk [tilespmem:v0+s20+$0x0], $0xffff;
	[tilespmem:s0+$0x10] =	vst v2  }
0x1f3: {  	[tilespmem:s0+$0x20] =	vst v3  }
0x1f4: {  	[tilespmem:s0+$0x30] =	vst v6  }
0x1f5: {  	[tilespmem:s0+$0x40] =	vst v4  }
0x1f6: {  	s6 =	simm.s32 $0x0;
	[tilespmem:s0+$0x50] =	vst v5  }
0x1f7: {  	s28 =	simm.s32 $0x4C00;
	s24 =	smulhi.u32 $0xAAAAAAAB, s6;
	[tilespmem:s0+$0x60] =	vst v0  }
0x1f8: {  	[hbm4b:s12+s6] =	stream.linear.scatter [tilespmem:s28], [sflag:$0x1], $0xC000, $0x38;
	[tilespmem:$0x10C80] =	vst v63  }
0x1f9: {  	_ =	swait.ge [sflag:s21], $0xC000  }
0x1fa: {  	s0 =	sshrl.u32 s24, $0x7;
	[sflag:s21] =	ssyncset.done $0x0  }
0x1fb: {  	s16 =	smul.u32 $0xFFFFD000, s0;
	[sflag:s21] =	ssyncadd.s32 $0xFFFF4000  }
0x1fc: {  	[tilespmem:s6], [sflag:$0x1] =	stream.strided.gather [hbm4b:s13+s22], $0xC00, s23, s22, $0x38;
	[tilespmem:$0x10C80] =	vst v63  }
0x1fd: {  	_ =	swait.ge [sflag:s21], $0xC00  }
0x1fe: {  	s1 =	sshra.s32 s16, $0x2;
	[sflag:s21] =	ssyncset.done $0x0  }
0x1ff: {  	s1 =	sadd.s32 $0x0, s1;
	[sflag:s21] =	ssyncadd.s32 $0xFFFFF400  }
0x200: {  	v0 =	vld [tilespmem:s1+$0x70]  }
0x201: {  	v1 =	vld [tilespmem:s1+$0x0]  }
0x202: {  	s17 =	simm.s32 $0x0;
	v2 =	vld [tilespmem:s1+$0x10]  }
0x203: {  	s2 =	smul.u32 $0xAAAB, s17;
	v5 =	vld [tilespmem:s1+$0x30]  }
0x204: {  	v7 =	vld [tilespmem:s1+$0x40]  }
0x205: {  	s2 =	sshrl.u32 s2, $0x17;
	v10 =	vld [tilespmem:s1+$0x50]  }
0x206: {  	v4 =	vmov s2;
	v11 =	vld [tilespmem:s1+$0x60]  }
0x207: {  	v6 =	vshll.u32 v4, $0x9;
	v4 =	vshll.u32 v4, $0x7  }
0x208: {  	v6 =	vand.u32 $0x3000, v6;
	v4 =	vand.u32 $0x380, v4  }
0x209: {  	v8 =	vshll.u32 v0, $0x3;
	v9 =	vshll.u32 v1, $0x3;
	v0 =	vand.u32 $0x7F, v0  }
0x20a: {  	v3 =	vld [tilespmem:s1+$0x20];
	v12 =	vshll.u32 v2, $0x3;
	v13 =	vshll.u32 v5, $0x3;
	v14 =	vshll.u32 v7, $0x3  }
0x20b: {  	s4 =	simm.s32 $0x8;
	v15 =	vshll.u32 v10, $0x3;
	v16 =	vshll.u32 v11, $0x3;
	v1 =	vand.u32 $0x7F, v1  }
0x20c: {  	s29 =	smulhi.u32 $0xAAAAAAAB, s4;
	v2 =	vand.u32 $0x7F, v2;
	v8 =	vand.u32 $0xFFFFFC00, v8;
	v9 =	vand.u32 $0xFFFFFC00, v9  }
0x20d: {  	v12 =	vand.u32 $0xFFFFFC00, v12;
	v13 =	vand.u32 $0xFFFFFC00, v13;
	v8 =	vadd.s32 v6, v8  }
0x20e: {  	s30 =	sshrl.u32 s29, $0x7;
	v14 =	vand.u32 $0xFFFFFC00, v14;
	v15 =	vand.u32 $0xFFFFFC00, v15;
	v0 =	vor.u32 v0, v8  }
0x20f: {  	s6 =	smul.u32 $0xFFFFD000, s30;
	v16 =	vand.u32 $0xFFFFFC00, v16;
	v8 =	vshll.u32 v3, $0x3;
	v0 =	vor.u32 v4, v0  }
0x210: {  	v9 =	vadd.s32 v6, v9;
	v12 =	vadd.s32 v6, v12;
	v8 =	vand.u32 $0xFFFFFC00, v8  }
0x211: {  	s16 =	sshra.s32 s6, $0x2;
	v13 =	vadd.s32 v6, v13;
	v3 =	vand.u32 $0x7F, v3;
	v8 =	vadd.s32 v6, v8  }
0x212: {  	s2 =	sadd.s32 $0x80, s16;
	v14 =	vadd.s32 v6, v14;
	v15 =	vadd.s32 v6, v15;
	v8 =	vor.u32 v3, v8  }
0x213: {  	s1 =	simm.s32 $0x8;
	v9 =	vor.u32 v1, v9;
	v6 =	vadd.s32 v6, v16;
	v16 =	vld [tilespmem:s2+$0x70];
	v22 =	vor.u32 v4, v8  }
0x214: {  	s4 =	smul.u32 $0xAAAB, s1;
	v17 =	vld.idx.msk [tilespmem:v0+s20+$0x0], $0xffff;
	v0 =	vand.u32 $0x7F, v5;
	v5 =	vand.u32 $0x7F, v7;
	v7 =	vand.u32 $0x7F, v10  }
0x215: {  	v1 =	vld [tilespmem:s2+$0x0];
	v10 =	vand.u32 $0x7F, v11;
	v11 =	vor.u32 v2, v12;
	v0 =	vor.u32 v0, v13  }
0x216: {  	s4 =	sshrl.u32 s4, $0x17;
	v3 =	vld [tilespmem:s2+$0x20];
	v5 =	vor.u32 v5, v14;
	v7 =	vor.u32 v7, v15;
	v13 =	vor.u32 v4, v9  }
0x217: {  	s17 =	sshrl.u32 s24, $0xA;
	v2 =	vld [tilespmem:s2+$0x10];
	v14 =	vmov s4;
	v18 =	vor.u32 v4, v11;
	v6 =	vor.u32 v10, v6  }
0x218: {  	s6 =	sshll.u32 s24, $0x2;
	s4 =	smul.u32 $0x18000, s17;
	v8 =	vshll.u32 v16, $0x3;
	v11 =	vor.u32 v4, v0;
	v10 =	vor.u32 v4, v5;
	v5 =	vld [tilespmem:s2+$0x30]  }
0x219: {  	s0 =	smul.u32 $0x18000, s0;
	s6 =	sand.u32 $0xE00, s6;
	v9 =	vor.u32 v4, v7;
	v4 =	vor.u32 v4, v6;
	v0 =	vshll.u32 v14, $0x9;
	v6 =	vld [tilespmem:s2+$0x40]  }
0x21a: {  	v21 =	vshll.u32 v1, $0x3;
	v7 =	vld [tilespmem:s2+$0x50];
	s4 =	sor.u32 s6, s4;
	v12 =	vand.u32 $0x3000, v0;
	v0 =	vand.u32 $0xFFFFFC00, v8  }
0x21b: {  	v15 =	vand.u32 $0x7F, v16;
	v14 =	vshll.u32 v14, $0x7;
	v8 =	vld [tilespmem:s2+$0x60];
	s0 =	ssub.s32 s4, s0;
	v16 =	vadd.s32 v12, v0  }
0x21c: {  	v0 =	vand.u32 $0x380, v14;
	s0 =	sshra.s32 s0, $0x2;
	v23 =	vshll.u32 v2, $0x3;
	v14 =	vor.u32 v15, v16;
	v15 =	vld.idx.msk [tilespmem:v13+s20+$0x0], $0xffff  }
0x21d: {  	v20 =	vshll.u32 v3, $0x3;
	s31 =	sadd.s32 $0x4C00, s0;
	v16 =	vor.u32 v0, v14;
	v14 =	vld.idx.msk [tilespmem:v18+s20+$0x0], $0xffff;
	v18 =	vand.u32 $0xFFFFFC00, v23  }
0x21e: {  	s24 =	simm.s32 $0x10;
	s0 =	simm.s32 $0x80;
	v13 =	vld.idx.msk [tilespmem:v22+s20+$0x0], $0xffff;
	v19 =	vshll.u32 v5, $0x3;
	[tilespmem:s31+$0x70] =	vst v17;
	v17 =	vand.u32 $0xFFFFFC00, v21;
	v21 =	vshll.u32 v6, $0x3  }
.LBB2_14:
0x21f: {  	s2 =	smulhi.u32 $0xAAAAAAAB, s24;
	v20 =	vand.u32 $0xFFFFFC00, v20;
	v19 =	vand.u32 $0xFFFFFC00, v19;
	v22 =	vshll.u32 v7, $0x3;
	v11 =	vld.idx.msk [tilespmem:v11+s20+$0x0], $0xffff  }
0x220: {  	s4 =	sshrl.u32 s29, $0xA;
	v21 =	vand.u32 $0xFFFFFC00, v21;
	v22 =	vand.u32 $0xFFFFFC00, v22;
	v23 =	vshll.u32 v8, $0x3;
	v10 =	vld.idx.msk [tilespmem:v10+s20+$0x0], $0xffff  }
0x221: {  	v17 =	vadd.s32 v12, v17;
	v18 =	vadd.s32 v12, v18;
	s4 =	smul.u32 $0x18000, s4;
	s6 =	sshrl.u32 s2, $0x7;
	v23 =	vand.u32 $0xFFFFFC00, v23;
	v9 =	vld.idx.msk [tilespmem:v9+s20+$0x0], $0xffff  }
0x222: {  	s17 =	sshll.u32 s29, $0x2;
	v20 =	vadd.s32 v12, v20;
	v19 =	vadd.s32 v12, v19;
	v21 =	vadd.s32 v12, v21;
	s29 =	smov.u32 s2;
	s16 =	smul.u32 $0xFFFFD000, s6;
	v16 =	vld.idx.msk [tilespmem:v16+s20+$0x0], $0xffff  }
0x223: {  	v1 =	vand.u32 $0x7F, v1;
	s2 =	sand.u32 $0xE00, s17;
	s17 =	smul.u32 $0x18000, s30;
	v22 =	vadd.s32 v12, v22;
	v12 =	vadd.s32 v12, v23;
	s30 =	smov.u32 s6;
	[tilespmem:s31+$0x0] =	vst v15;
	v15 =	vld.idx.msk [tilespmem:v4+s20+$0x0], $0xffff  }
0x224: {  	v2 =	vand.u32 $0x7F, v2;
	v3 =	vand.u32 $0x7F, v3;
	s0 =	sadd.s32 $0x80, s0;
	s2 =	sor.u32 s2, s4;
	v4 =	vand.u32 $0x7F, v5;
	s6 =	sshra.s32 s16, $0x2;
	[tilespmem:s31+$0x10] =	vst v14  }
0x225: {  	s2 =	ssub.s32 s2, s17;
	v5 =	vand.u32 $0x7F, v6;
	v6 =	vand.u32 $0x7F, v7;
	v7 =	vand.u32 $0x7F, v8;
	s4 =	sadd.s32 s6, s0;
	[tilespmem:s31+$0x20] =	vst v13  }
0x226: {  	s1 =	sadd.s32 $0x8, s1;
	s28 =	sadd.s32 $0x400, s28;
	v8 =	vor.u32 v1, v17;
	v17 =	vor.u32 v3, v20;
	s2 =	sshra.s32 s2, $0x2;
	v14 =	vor.u32 v2, v18;
	v13 =	vld [tilespmem:s4+$0x70];
	[tilespmem:s31+$0x30] =	vst v11  }
0x227: {  	p1 =	slt.u32 s1, $0xBF8;
	v4 =	vor.u32 v4, v19;
	v5 =	vor.u32 v5, v21;
	v6 =	vor.u32 v6, v22;
	s6 =	smul.u32 $0xAAAB, s1;
	s2 =	sadd.s32 s2, s28;
	v1 =	vld [tilespmem:s4+$0x0];
	[tilespmem:s31+$0x40] =	vst v10  }
0x228: {  	v18 =	vor.u32 v0, v8;
	v7 =	vor.u32 v7, v12;
	v14 =	vor.u32 v0, v14;
	v2 =	vld [tilespmem:s4+$0x10];
	[tilespmem:s2+$0x70] =	vst v16  }
0x229: {  	v22 =	vor.u32 v0, v17;
	v11 =	vor.u32 v0, v4;
	s6 =	sshrl.u32 s6, $0x17;
	v10 =	vor.u32 v0, v5;
	v3 =	vld [tilespmem:s4+$0x20];
	[tilespmem:s31+$0x50] =	vst v9  }
0x22a: {  	v4 =	vor.u32 v0, v7;
	v8 =	vmov s6;
	v9 =	vor.u32 v0, v6;
	v5 =	vld [tilespmem:s4+$0x30];
	[tilespmem:s31+$0x60] =	vst v15;
	s31 =	smov.u32 s2  }
0x22b: {  	v0 =	vshll.u32 v8, $0x9;
	v6 =	vld [tilespmem:s4+$0x40];
	v15 =	vshll.u32 v13, $0x3  }
.Ltmp8:
0x22c: {  	v12 =	vand.u32 $0x3000, v0;
	v17 =	vshll.u32 v1, $0x3;
	v7 =	vld [tilespmem:s4+$0x50];
	v0 =	vand.u32 $0xFFFFFC00, v15;
	(pc) =	sbr.rel @p1 .LBB2_14-.Ltmp8, $4  }
0x22d: {  	v13 =	vand.u32 $0x7F, v13;
	v15 =	vshll.u32 v8, $0x7;
	v8 =	vld [tilespmem:s4+$0x60];
	v16 =	vadd.s32 v12, v0  }
0x22e: {  	v0 =	vand.u32 $0x380, v15;
	v21 =	vshll.u32 v2, $0x3;
	v13 =	vor.u32 v13, v16;
	v15 =	vld.idx.msk [tilespmem:v18+s20+$0x0], $0xffff  }
0x22f: {  	v20 =	vshll.u32 v3, $0x3;
	v19 =	vshll.u32 v5, $0x3;
	v16 =	vor.u32 v0, v13;
	v14 =	vld.idx.msk [tilespmem:v14+s20+$0x0], $0xffff  }
0x230: {  	s24 =	sadd.s32 $0x8, s24;
	v17 =	vand.u32 $0xFFFFFC00, v17;
	v18 =	vand.u32 $0xFFFFFC00, v21;
	v21 =	vshll.u32 v6, $0x3;
	v13 =	vld.idx.msk [tilespmem:v22+s20+$0x0], $0xffff  }
0x231: {  	v20 =	vand.u32 $0xFFFFFC00, v20;
	v22 =	vshll.u32 v7, $0x3  }
0x232: {  	v19 =	vand.u32 $0xFFFFFC00, v19;
	v21 =	vand.u32 $0xFFFFFC00, v21;
	v17 =	vadd.s32 v12, v17  }
0x233: {  	v18 =	vadd.s32 v12, v18;
	v1 =	vand.u32 $0x7F, v1;
	v2 =	vand.u32 $0x7F, v2  }
0x234: {  	v3 =	vand.u32 $0x7F, v3;
	v5 =	vand.u32 $0x7F, v5;
	v6 =	vand.u32 $0x7F, v6  }
0x235: {  	v11 =	vld.idx.msk [tilespmem:v11+s20+$0x0], $0xffff;
	v7 =	vand.u32 $0x7F, v7;
	v22 =	vand.u32 $0xFFFFFC00, v22;
	v23 =	vshll.u32 v8, $0x3  }
0x236: {  	v10 =	vld.idx.msk [tilespmem:v10+s20+$0x0], $0xffff;
	v20 =	vadd.s32 v12, v20;
	v19 =	vadd.s32 v12, v19;
	v1 =	vor.u32 v1, v17  }
0x237: {  	v16 =	vld.idx.msk [tilespmem:v16+s20+$0x0], $0xffff;
	v21 =	vadd.s32 v12, v21;
	v2 =	vor.u32 v2, v18;
	v1 =	vor.u32 v0, v1  }
0x238: {  	v9 =	vld.idx.msk [tilespmem:v9+s20+$0x0], $0xffff;
	v8 =	vand.u32 $0x7F, v8;
	v3 =	vor.u32 v3, v20;
	v2 =	vor.u32 v0, v2  }
0x239: {  	s0 =	sshrl.u32 s29, $0xA;
	v4 =	vld.idx.msk [tilespmem:v4+s20+$0x0], $0xffff;
	v23 =	vand.u32 $0xFFFFFC00, v23;
	[tilespmem:s31+$0x0] =	vst v15;
	v5 =	vor.u32 v5, v19;
	v3 =	vor.u32 v0, v3  }
0x23a: {  	s1 =	sshll.u32 s29, $0x2;
	s0 =	smul.u32 $0x18000, s0;
	v22 =	vadd.s32 v12, v22;
	v6 =	vor.u32 v6, v21;
	[tilespmem:s31+$0x10] =	vst v14;
	v5 =	vor.u32 v0, v5  }
0x23b: {  	s2 =	smul.u32 $0x18000, s30;
	s1 =	sand.u32 $0xE00, s1;
	v12 =	vadd.s32 v12, v23;
	v7 =	vor.u32 v7, v22;
	v6 =	vor.u32 v0, v6;
	[tilespmem:s31+$0x20] =	vst v13  }
0x23c: {  	s0 =	sor.u32 s1, s0;
	v8 =	vor.u32 v8, v12;
	v7 =	vor.u32 v0, v7;
	[tilespmem:s31+$0x30] =	vst v11;
	v1 =	vld.idx.msk [tilespmem:v1+s20+$0x0], $0xffff  }
0x23d: {  	s0 =	ssub.s32 s0, s2;
	[tilespmem:s31+$0x40] =	vst v10;
	v0 =	vor.u32 v0, v8;
	v2 =	vld.idx.msk [tilespmem:v2+s20+$0x0], $0xffff  }
0x23e: {  	s16 =	sadd.s32 $0x400, s28;
	s0 =	sshra.s32 s0, $0x2;
	[tilespmem:s31+$0x50] =	vst v9;
	v3 =	vld.idx.msk [tilespmem:v3+s20+$0x0], $0xffff  }
0x23f: {  	[tilespmem:s31+$0x60] =	vst v4;
	s0 =	sadd.s32 s0, s16;
	v5 =	vld.idx.msk [tilespmem:v5+s20+$0x0], $0xffff  }
0x240: {  	[tilespmem:s0+$0x70] =	vst v16;
	v4 =	vld.idx.msk [tilespmem:v6+s20+$0x0], $0xffff  }
0x241: {  	v6 =	vld.idx.msk [tilespmem:v7+s20+$0x0], $0xffff;
	[tilespmem:s0+$0x0] =	vst v1  }
0x242: {  	v0 =	vld.idx.msk [tilespmem:v0+s20+$0x0], $0xffff;
	[tilespmem:s0+$0x10] =	vst v2  }
0x243: {  	[tilespmem:s0+$0x20] =	vst v3  }
0x244: {  	s17 =	simm.s32 $0x0;
	[tilespmem:s0+$0x30] =	vst v5  }
0x245: {  	s24 =	smulhi.u32 $0xAAAAAAAB, s17;
	[tilespmem:s0+$0x40] =	vst v4  }
0x246: {  	[tilespmem:s0+$0x50] =	vst v6  }
0x247: {  	s28 =	simm.s32 $0x4C00;
	[tilespmem:s0+$0x60] =	vst v0;
	s0 =	sshrl.u32 s24, $0x7  }
0x248: {  	[hbm4b:s14+s17] =	stream.linear.scatter [tilespmem:s28], [sflag:$0x1], $0xC000, $0x38;
	[tilespmem:$0x10C80] =	vst v63  }
0x249: {  	s2 =	smul.u32 $0xFFFFD000, s0  }
0x24a: {  	_ =	swait.ge [sflag:s21], $0xC000  }
0x24b: {  	[sflag:s21] =	ssyncset.done $0x0;
	s1 =	sshra.s32 s2, $0x2  }
0x24c: {  	[sflag:s21] =	ssyncadd.s32 $0xFFFF4000;
	s1 =	sadd.s32 $0x0, s1  }
0x24d: {  	v0 =	vld [tilespmem:s1+$0x70]  }
0x24e: {  	s4 =	simm.s32 $0x0;
	v1 =	vld [tilespmem:s1+$0x0]  }
0x24f: {  	s2 =	smul.u32 $0xAAAB, s4;
	v2 =	vld [tilespmem:s1+$0x10]  }
0x250: {  	v5 =	vld [tilespmem:s1+$0x30]  }
0x251: {  	s2 =	sshrl.u32 s2, $0x17;
	v7 =	vld [tilespmem:s1+$0x40]  }
0x252: {  	v10 =	vld [tilespmem:s1+$0x50];
	s2 =	sadd.s32 $0x10, s2  }
0x253: {  	v11 =	vld [tilespmem:s1+$0x60];
	v4 =	vmov s2  }
0x254: {  	s6 =	simm.s32 $0x8;
	v6 =	vshll.u32 v4, $0x9;
	v4 =	vshll.u32 v4, $0x7  }
0x255: {  	s29 =	smulhi.u32 $0xAAAAAAAB, s6;
	v6 =	vand.u32 $0x7000, v6;
	v4 =	vand.u32 $0x380, v4  }
0x256: {  	v8 =	vshll.u32 v0, $0x3;
	v9 =	vshll.u32 v1, $0x3;
	v0 =	vand.u32 $0x7F, v0  }
0x257: {  	s30 =	sshrl.u32 s29, $0x7;
	v3 =	vld [tilespmem:s1+$0x20];
	v12 =	vshll.u32 v2, $0x3;
	v13 =	vshll.u32 v5, $0x3;
	v14 =	vshll.u32 v7, $0x3  }
0x258: {  	s16 =	smul.u32 $0xFFFFD000, s30;
	v15 =	vshll.u32 v10, $0x3;
	v16 =	vshll.u32 v11, $0x3;
	v1 =	vand.u32 $0x7F, v1  }
0x259: {  	v2 =	vand.u32 $0x7F, v2;
	v8 =	vand.u32 $0xFFFFFC00, v8;
	v9 =	vand.u32 $0xFFFFFC00, v9  }
0x25a: {  	s2 =	sshra.s32 s16, $0x2;
	v12 =	vand.u32 $0xFFFFFC00, v12;
	v13 =	vand.u32 $0xFFFFFC00, v13;
	v8 =	vadd.s32 v6, v8  }
0x25b: {  	s2 =	sadd.s32 $0x80, s2;
	v14 =	vand.u32 $0xFFFFFC00, v14;
	v9 =	vadd.s32 v6, v9;
	v0 =	vor.u32 v0, v8  }
0x25c: {  	v8 =	vshll.u32 v3, $0x3;
	v9 =	vor.u32 v1, v9;
	v1 =	vld [tilespmem:s2+$0x0];
	v0 =	vor.u32 v4, v0  }
0x25d: {  	v15 =	vand.u32 $0xFFFFFC00, v15;
	v16 =	vand.u32 $0xFFFFFC00, v16;
	v8 =	vand.u32 $0xFFFFFC00, v8  }
0x25e: {  	v12 =	vadd.s32 v6, v12;
	v3 =	vand.u32 $0x7F, v3;
	v8 =	vadd.s32 v6, v8  }
0x25f: {  	s1 =	simm.s32 $0x8;
	v13 =	vadd.s32 v6, v13;
	v14 =	vadd.s32 v6, v14;
	v8 =	vor.u32 v3, v8  }
0x260: {  	s4 =	smul.u32 $0xAAAB, s1;
	v15 =	vadd.s32 v6, v15;
	v6 =	vadd.s32 v6, v16;
	v16 =	vld [tilespmem:s2+$0x70];
	v22 =	vor.u32 v4, v8  }
0x261: {  	v21 =	vshll.u32 v1, $0x3;
	v17 =	vld.idx.msk [tilespmem:v0+s20+$0x0], $0xffff;
	v0 =	vand.u32 $0x7F, v5;
	v5 =	vand.u32 $0x7F, v7  }
0x262: {  	s4 =	sshrl.u32 s4, $0x17;
	v7 =	vand.u32 $0x7F, v10;
	v10 =	vand.u32 $0x7F, v11;
	v11 =	vor.u32 v2, v12  }
0x263: {  	s4 =	sadd.s32 $0x10, s4;
	v3 =	vld [tilespmem:s2+$0x20];
	v0 =	vor.u32 v0, v13;
	v5 =	vor.u32 v5, v14;
	v7 =	vor.u32 v7, v15  }
0x264: {  	s17 =	sshrl.u32 s24, $0xA;
	v2 =	vld [tilespmem:s2+$0x10];
	v13 =	vor.u32 v4, v9;
	v14 =	vmov s4;
	v18 =	vor.u32 v4, v11  }
0x265: {  	s6 =	sshll.u32 s24, $0x2;
	v12 =	vor.u32 v10, v6;
	s4 =	smul.u32 $0x18000, s17;
	v6 =	vld [tilespmem:s2+$0x30];
	v8 =	vshll.u32 v16, $0x3;
	v11 =	vor.u32 v4, v0  }
0x266: {  	s6 =	sand.u32 $0xE00, s6;
	s0 =	smul.u32 $0x18000, s0;
	v10 =	vor.u32 v4, v5;
	v9 =	vor.u32 v4, v7;
	v0 =	vshll.u32 v14, $0x9;
	v5 =	vld [tilespmem:s2+$0x40]  }
0x267: {  	v4 =	vor.u32 v4, v12;
	v7 =	vld [tilespmem:s2+$0x50];
	s4 =	sor.u32 s6, s4;
	v12 =	vand.u32 $0x7000, v0;
	v0 =	vand.u32 $0xFFFFFC00, v8  }
0x268: {  	v15 =	vand.u32 $0x7F, v16;
	v14 =	vshll.u32 v14, $0x7;
	v8 =	vld [tilespmem:s2+$0x60];
	s0 =	ssub.s32 s4, s0;
	v16 =	vadd.s32 v12, v0  }
0x269: {  	v20 =	vshll.u32 v3, $0x3;
	v0 =	vand.u32 $0x380, v14;
	s0 =	sshra.s32 s0, $0x2;
	v14 =	vor.u32 v15, v16;
	v15 =	vld.idx.msk [tilespmem:v13+s20+$0x0], $0xffff  }
0x26a: {  	v23 =	vshll.u32 v2, $0x3;
	s31 =	sadd.s32 $0x4C00, s0;
	v19 =	vshll.u32 v6, $0x3;
	v16 =	vor.u32 v0, v14;
	v14 =	vld.idx.msk [tilespmem:v18+s20+$0x0], $0xffff  }
0x26b: {  	s24 =	simm.s32 $0x10;
	s0 =	simm.s32 $0x80;
	v18 =	vand.u32 $0xFFFFFC00, v23;
	v13 =	vld.idx.msk [tilespmem:v22+s20+$0x0], $0xffff;
	[tilespmem:s31+$0x70] =	vst v17;
	v17 =	vand.u32 $0xFFFFFC00, v21;
	v21 =	vshll.u32 v5, $0x3  }
.LBB2_16:
0x26c: {  	s2 =	smulhi.u32 $0xAAAAAAAB, s24;
	v20 =	vand.u32 $0xFFFFFC00, v20;
	v19 =	vand.u32 $0xFFFFFC00, v19;
	v22 =	vshll.u32 v7, $0x3;
	v11 =	vld.idx.msk [tilespmem:v11+s20+$0x0], $0xffff  }
0x26d: {  	s4 =	sshrl.u32 s29, $0xA;
	v21 =	vand.u32 $0xFFFFFC00, v21;
	v22 =	vand.u32 $0xFFFFFC00, v22;
	v23 =	vshll.u32 v8, $0x3;
	v10 =	vld.idx.msk [tilespmem:v10+s20+$0x0], $0xffff  }
0x26e: {  	v17 =	vadd.s32 v12, v17;
	v18 =	vadd.s32 v12, v18;
	s4 =	smul.u32 $0x18000, s4;
	s6 =	sshrl.u32 s2, $0x7;
	v23 =	vand.u32 $0xFFFFFC00, v23;
	v9 =	vld.idx.msk [tilespmem:v9+s20+$0x0], $0xffff  }
0x26f: {  	s17 =	sshll.u32 s29, $0x2;
	v20 =	vadd.s32 v12, v20;
	v19 =	vadd.s32 v12, v19;
	v21 =	vadd.s32 v12, v21;
	s29 =	smov.u32 s2;
	s16 =	smul.u32 $0xFFFFD000, s6;
	v16 =	vld.idx.msk [tilespmem:v16+s20+$0x0], $0xffff  }
0x270: {  	v1 =	vand.u32 $0x7F, v1;
	s2 =	sand.u32 $0xE00, s17;
	s17 =	smul.u32 $0x18000, s30;
	v22 =	vadd.s32 v12, v22;
	v12 =	vadd.s32 v12, v23;
	s30 =	smov.u32 s6;
	[tilespmem:s31+$0x0] =	vst v15;
	v15 =	vld.idx.msk [tilespmem:v4+s20+$0x0], $0xffff  }
0x271: {  	v2 =	vand.u32 $0x7F, v2;
	v3 =	vand.u32 $0x7F, v3;
	s0 =	sadd.s32 $0x80, s0;
	s2 =	sor.u32 s2, s4;
	v4 =	vand.u32 $0x7F, v6;
	s6 =	sshra.s32 s16, $0x2;
	[tilespmem:s31+$0x10] =	vst v14  }
0x272: {  	s1 =	sadd.s32 $0x8, s1;
	v5 =	vand.u32 $0x7F, v5;
	s2 =	ssub.s32 s2, s17;
	v6 =	vand.u32 $0x7F, v7;
	v7 =	vand.u32 $0x7F, v8;
	s4 =	sadd.s32 s6, s0;
	[tilespmem:s31+$0x20] =	vst v13  }
0x273: {  	s28 =	sadd.s32 $0x400, s28;
	v8 =	vor.u32 v1, v17;
	v17 =	vor.u32 v3, v20;
	s2 =	sshra.s32 s2, $0x2;
	v14 =	vor.u32 v2, v18;
	s6 =	smul.u32 $0xAAAB, s1;
	v13 =	vld [tilespmem:s4+$0x70];
	[tilespmem:s31+$0x30] =	vst v11  }
0x274: {  	p1 =	slt.u32 s1, $0xBF8;
	v5 =	vor.u32 v5, v21;
	v4 =	vor.u32 v4, v19;
	v18 =	vor.u32 v6, v22;
	s2 =	sadd.s32 s2, s28;
	v1 =	vld [tilespmem:s4+$0x0];
	[tilespmem:s31+$0x40] =	vst v10  }
0x275: {  	v19 =	vor.u32 v0, v8;
	v7 =	vor.u32 v7, v12;
	v14 =	vor.u32 v0, v14;
	s6 =	sshrl.u32 s6, $0x17;
	v2 =	vld [tilespmem:s4+$0x10];
	[tilespmem:s2+$0x70] =	vst v16  }
0x276: {  	v22 =	vor.u32 v0, v17;
	v11 =	vor.u32 v0, v4;
	v10 =	vor.u32 v0, v5;
	s6 =	sadd.s32 $0x10, s6;
	v3 =	vld [tilespmem:s4+$0x20];
	[tilespmem:s31+$0x50] =	vst v9  }
0x277: {  	v4 =	vor.u32 v0, v7;
	v8 =	vmov s6;
	v9 =	vor.u32 v0, v18;
	v6 =	vld [tilespmem:s4+$0x30];
	[tilespmem:s31+$0x60] =	vst v15;
	s31 =	smov.u32 s2  }
0x278: {  	v0 =	vshll.u32 v8, $0x9;
	v5 =	vld [tilespmem:s4+$0x40];
	v15 =	vshll.u32 v13, $0x3  }
.Ltmp9:
0x279: {  	v12 =	vand.u32 $0x7000, v0;
	v17 =	vshll.u32 v1, $0x3;
	v7 =	vld [tilespmem:s4+$0x50];
	v0 =	vand.u32 $0xFFFFFC00, v15;
	(pc) =	sbr.rel @p1 .LBB2_16-.Ltmp9, $4  }
0x27a: {  	v13 =	vand.u32 $0x7F, v13;
	v15 =	vshll.u32 v8, $0x7;
	v8 =	vld [tilespmem:s4+$0x60];
	v16 =	vadd.s32 v12, v0  }
0x27b: {  	v0 =	vand.u32 $0x380, v15;
	v18 =	vshll.u32 v2, $0x3;
	v13 =	vor.u32 v13, v16;
	v15 =	vld.idx.msk [tilespmem:v19+s20+$0x0], $0xffff  }
0x27c: {  	v20 =	vshll.u32 v3, $0x3;
	v19 =	vshll.u32 v6, $0x3;
	v16 =	vor.u32 v0, v13;
	v14 =	vld.idx.msk [tilespmem:v14+s20+$0x0], $0xffff  }
0x27d: {  	s24 =	sadd.s32 $0x8, s24;
	v17 =	vand.u32 $0xFFFFFC00, v17;
	v18 =	vand.u32 $0xFFFFFC00, v18;
	v21 =	vshll.u32 v5, $0x3;
	v13 =	vld.idx.msk [tilespmem:v22+s20+$0x0], $0xffff  }
0x27e: {  	v20 =	vand.u32 $0xFFFFFC00, v20;
	v22 =	vshll.u32 v7, $0x3  }
0x27f: {  	v19 =	vand.u32 $0xFFFFFC00, v19;
	v21 =	vand.u32 $0xFFFFFC00, v21;
	v17 =	vadd.s32 v12, v17  }
0x280: {  	v18 =	vadd.s32 v12, v18;
	v1 =	vand.u32 $0x7F, v1;
	v2 =	vand.u32 $0x7F, v2  }
0x281: {  	v3 =	vand.u32 $0x7F, v3;
	v6 =	vand.u32 $0x7F, v6;
	v5 =	vand.u32 $0x7F, v5  }
0x282: {  	v11 =	vld.idx.msk [tilespmem:v11+s20+$0x0], $0xffff;
	v59 =	vand.u32 $0x7F, v7;
	v22 =	vand.u32 $0xFFFFFC00, v22;
	v23 =	vshll.u32 v8, $0x3  }
0x283: {  	v10 =	vld.idx.msk [tilespmem:v10+s20+$0x0], $0xffff;
	v20 =	vadd.s32 v12, v20;
	v19 =	vadd.s32 v12, v19;
	v1 =	vor.u32 v1, v17  }
0x284: {  	v16 =	vld.idx.msk [tilespmem:v16+s20+$0x0], $0xffff;
	v21 =	vadd.s32 v12, v21;
	v2 =	vor.u32 v2, v18;
	v1 =	vor.u32 v0, v1  }
0x285: {  	v9 =	vld.idx.msk [tilespmem:v9+s20+$0x0], $0xffff;
	v60 =	vand.u32 $0x7F, v8;
	v3 =	vor.u32 v3, v20;
	v2 =	vor.u32 v0, v2  }
0x286: {  	s0 =	sshrl.u32 s29, $0xA;
	v4 =	vld.idx.msk [tilespmem:v4+s20+$0x0], $0xffff;
	v23 =	vand.u32 $0xFFFFFC00, v23;
	[tilespmem:s31+$0x0] =	vst v15;
	v6 =	vor.u32 v6, v19;
	v3 =	vor.u32 v0, v3  }
0x287: {  	s1 =	sshll.u32 s29, $0x2;
	s0 =	smul.u32 $0x18000, s0;
	v22 =	vadd.s32 v12, v22;
	v5 =	vor.u32 v5, v21;
	[tilespmem:s31+$0x10] =	vst v14;
	v6 =	vor.u32 v0, v6  }
0x288: {  	s2 =	smul.u32 $0x18000, s30;
	s1 =	sand.u32 $0xE00, s1;
	v58 =	vadd.s32 v12, v23;
	v7 =	vor.u32 v59, v22;
	v5 =	vor.u32 v0, v5;
	[tilespmem:s31+$0x20] =	vst v13  }
0x289: {  	s0 =	sor.u32 s1, s0;
	v8 =	vor.u32 v60, v58;
	v7 =	vor.u32 v0, v7;
	[tilespmem:s31+$0x30] =	vst v11;
	v1 =	vld.idx.msk [tilespmem:v1+s20+$0x0], $0xffff  }
0x28a: {  	s0 =	ssub.s32 s0, s2;
	[tilespmem:s31+$0x40] =	vst v10;
	v61 =	vor.u32 v0, v8;
	v2 =	vld.idx.msk [tilespmem:v2+s20+$0x0], $0xffff  }
0x28b: {  	s30 =	sadd.s32 $0x400, s28;
	s0 =	sshra.s32 s0, $0x2;
	[tilespmem:s31+$0x50] =	vst v9;
	v3 =	vld.idx.msk [tilespmem:v3+s20+$0x0], $0xffff  }
0x28c: {  	[tilespmem:s31+$0x60] =	vst v4;
	s0 =	sadd.s32 s0, s30;
	v6 =	vld.idx.msk [tilespmem:v6+s20+$0x0], $0xffff  }
0x28d: {  	[tilespmem:s0+$0x70] =	vst v16;
	v62 =	vld.idx.msk [tilespmem:v5+s20+$0x0], $0xffff  }
0x28e: {  	v63 =	vld.idx.msk [tilespmem:v7+s20+$0x0], $0xffff;
	[tilespmem:s0+$0x0] =	vst v1  }
0x28f: {  	v0 =	vld.idx.msk [tilespmem:v61+s20+$0x0], $0xffff;
	[tilespmem:s0+$0x10] =	vst v2  }
0x290: {  	[tilespmem:s0+$0x20] =	vst v3  }
0x291: {  	[tilespmem:s0+$0x30] =	vst v6  }
0x292: {  	[tilespmem:s0+$0x40] =	vst v62  }
0x293: {  	[tilespmem:s0+$0x50] =	vst v63  }
.Ltmp10:
0x294: {  	s31 =	simm.s32 $0x4C00;
	[tilespmem:s0+$0x60] =	vst v0;
	(pc) =	sbr.rel @p0 .LBB2_23-.Ltmp10, $4  }
0x295: {  	[hbm4b:s15+s3] =	stream.linear.scatter [tilespmem:s31], [sflag:$0x1], $0xC000, $0x38;
	[tilespmem:$0x10C80] =	vst v63  }
0x296: {  	_ =	swait.ge [sflag:s21], $0xC000  }
0x297: {  	[sflag:s21] =	ssyncset.done $0x0  }
0x298: {  	[sflag:s21] =	ssyncadd.s32 $0xFFFF4000  }
0x299: {  	s0 =	rddreg [dreg:$0x6]  }
0x29a: {  	[tilespmem:s3], [sflag:$0x1] =	stream.strided.gather [hbm4b:s0+s22], $0xC00, s23, s22, $0x38;
	[tilespmem:$0x10C80] =	vst v63  }
0x29b: {  	_ =	swait.ge [sflag:s21], $0xC00  }
0x29c: {  	[sflag:s21] =	ssyncset.done $0x0  }
0x29d: {  	s30 =	rddreg [dreg:$0x7];
	[sflag:s21] =	ssyncadd.s32 $0xFFFFF400  }
0x29e: {  	[tilespmem:s25], [sflag:$0x1] =	stream.linear.gather [hbm4b:s30+s3], $0x80, $0x38;
	[tilespmem:$0x10C80] =	vst v63  }
0x29f: {  	_ =	swait.ge [sflag:s21], $0x80  }
0x2a0: {  	[sflag:s21] =	ssyncset.done $0x0  }
0x2a1: {  	s31 =	simm.s32 $0x40;
	[sflag:s21] =	ssyncadd.s32 $0xFFFFFF80  }
0x2a2: {  	v0 =	vld [tilespmem:s31+$0x30]  }
0x2a3: {  	v1 =	vld [tilespmem:s31+$0xFFFFFFD0]  }
0x2a4: {  	v2 =	vld [tilespmem:s31+$0xFFFFFFE0]  }
0x2a5: {  	v3 =	vld [tilespmem:s31+$0xFFFFFFF0]  }
0x2a6: {  	v4 =	vld [tilespmem:s31+$0x0]  }
0x2a7: {  	v6 =	vld [tilespmem:s31+$0x10]  }
0x2a8: {  	v7 =	vld [tilespmem:s31+$0x20]  }
0x2a9: {  	v8 =	vld [tilespmem:s31+$0xFFFFFFC0]  }
0x2aa: {  	v9 =	vld.idx.msk [tilespmem:v0+s25+$0x0], $0xffff  }
0x2ab: {  	v10 =	vld.idx.msk [tilespmem:v1+s25+$0x0], $0xffff  }
0x2ac: {  	v5 =	vld.idx.msk [tilespmem:v2+s25+$0x0], $0xffff  }
0x2ad: {  	v3 =	vld.idx.msk [tilespmem:v3+s25+$0x0], $0xffff  }
0x2ae: {  	v0 =	vld.idx.msk [tilespmem:v4+s25+$0x0], $0xffff  }
0x2af: {  	s0 =	simm.s32 $0x4C40;
	v1 =	vld.idx.msk [tilespmem:v6+s25+$0x0], $0xffff  }
0x2b0: {  	v2 =	vld.idx.msk [tilespmem:v7+s25+$0x0], $0xffff;
	[tilespmem:s0+$0x30] =	vst v9  }
0x2b1: {  	s1 =	simm.s32 $0x0;
	s24 =	simm.s32 $0xC0;
	v4 =	vld.idx.msk [tilespmem:v8+s25+$0x0], $0xffff;
	[tilespmem:s0+$0xFFFFFFD0] =	vst v10  }
.LBB2_19:
0x2b2: {  	v6 =	vld [tilespmem:s24+$0x30];
	s1 =	sadd.s32 $0x8, s1;
	[tilespmem:s0+$0xFFFFFFE0] =	vst v5  }
0x2b3: {  	v5 =	vld [tilespmem:s24+$0xFFFFFFD0];
	p1 =	slt.u32 s1, $0xB8;
	[tilespmem:s0+$0xFFFFFFF0] =	vst v3  }
0x2b4: {  	v3 =	vld [tilespmem:s24+$0xFFFFFFE0];
	[tilespmem:s0+$0x0] =	vst v0  }
0x2b5: {  	v0 =	vld [tilespmem:s24+$0xFFFFFFF0];
	[tilespmem:s0+$0x10] =	vst v1  }
0x2b6: {  	v1 =	vld [tilespmem:s24+$0x0];
	[tilespmem:s0+$0x20] =	vst v2  }
0x2b7: {  	v2 =	vld [tilespmem:s24+$0x10];
	[tilespmem:s0+$0xFFFFFFC0] =	vst v4  }
0x2b8: {  	v4 =	vld [tilespmem:s24+$0x20]  }
0x2b9: {  	v7 =	vld [tilespmem:s24+$0xFFFFFFC0]  }
0x2ba: {  	v6 =	vld.idx.msk [tilespmem:v6+s25+$0x0], $0xffff  }
0x2bb: {  	v8 =	vld.idx.msk [tilespmem:v5+s25+$0x0], $0xffff  }
0x2bc: {  	v5 =	vld.idx.msk [tilespmem:v3+s25+$0x0], $0xffff  }
.Ltmp11:
0x2bd: {  	v3 =	vld.idx.msk [tilespmem:v0+s25+$0x0], $0xffff;
	(pc) =	sbr.rel @p1 .LBB2_19-.Ltmp11, $4  }
0x2be: {  	v0 =	vld.idx.msk [tilespmem:v1+s25+$0x0], $0xffff  }
0x2bf: {  	s0 =	sadd.s32 $0x400, s0;
	v1 =	vld.idx.msk [tilespmem:v2+s25+$0x0], $0xffff  }
0x2c0: {  	v2 =	vld.idx.msk [tilespmem:v4+s25+$0x0], $0xffff;
	[tilespmem:s0+$0x30] =	vst v6  }
0x2c1: {  	s24 =	sadd.s32 $0x80, s24;
	v4 =	vld.idx.msk [tilespmem:v7+s25+$0x0], $0xffff;
	[tilespmem:s0+$0xFFFFFFD0] =	vst v8  }
0x2c2: {  	[tilespmem:s0+$0xFFFFFFE0] =	vst v5  }
0x2c3: {  	[tilespmem:s0+$0xFFFFFFF0] =	vst v3  }
0x2c4: {  	[tilespmem:s0+$0x0] =	vst v0  }
0x2c5: {  	[tilespmem:s0+$0x10] =	vst v1  }
0x2c6: {  	s1 =	simm.s32 $0x4C00;
	[tilespmem:s0+$0x20] =	vst v2  }
0x2c7: {  	s28 =	sadd.s32 $0x0, s18;
	s24 =	simm.s32 $0x5000;
	[tilespmem:s0+$0xFFFFFFC0] =	vst v4;
	s0 =	simm.s32 $0x80  }
.LBB2_21:
0x2c8: {  	[hbm4b:s28+s3] =	stream.linear.scatter [tilespmem:s1], [sflag:$0x1], $0x80, $0x38;
	[tilespmem:$0x10C80] =	vst v63  }
0x2c9: {  	s2 =	smov.u32 s0;
	s1 =	smov.u32 s24;
	p1 =	sne.s32 s0, $0xB80  }
.Ltmp12:
0x2ca: {  	s0 =	sadd.s32 $0x80, s0;
	(pc) =	sbr.rel @p1 .LBB2_21-.Ltmp12, $2  }
0x2cb: {  	_ =	sdelay $0x2  }
0x2cc: {  	s24 =	sadd.s32 $0x400, s24;
	s28 =	sadd.s32 s2, s18  }
.Ltmp13:
0x2cd: {  	_ = 	snop;
	(pc) =	sbr.rel .LBB2_22-.Ltmp13, $1  }
0x2ce: {  	_ =	sdelay $0x3  }
.LBB2_24:
0x2cf: {  	_ =	sfence.sel $0x180000  }
0x2d0: {  	[bflag:$0x0] =	sbarrier.arrive $0xFFFF  }
0x2d1: {  	_ =	strace $0x90000047  }
0x2d2: {  	s0 =	stileid.u32;
	[bflag:$0x2] =	sbarrier.arrive $0xFFFF  }
0x2d3: {  	p0 =	sne.s32 s0, $0x0;
	s0 =	rddreg [dreg:$0x3]  }
0x2d4: {  	s0 =	sadd.s32 @!p0 $0x100000, s0  }
0x2d5: {  	[sflag:s0] =	ssyncadd.tile.s32 @!p0 $0x1;
	_ =	shalt  }
.Lfunc_end2:
_tile_overlayer_lowered:
.L_overlay_start_2:
0x2d6: {  	(tag) =	ssettag $0x2  }
0x2d7: {  	s0 =	rddreg [dreg:$0x0];
	s2 =	stileid.u32  }
0x2d8: {  	s1 =	rddreg [dreg:$0x1];
	p0 =	sne.s32 s2, $0x0  }
0x2d9: {  	s3 =	rddreg [dreg:$0x2];
	[bflag:$0x3] =	sbarrier.arrive $0xFFFF;
	s2 =	simm.s32 @!p0 $0x1C01  }
0x2da: {  	[timem:s3], [sflag:s2] =	dma.local @!p0 [hbm:s0], s1  }
0x2db: {  	s0 =	simm.s32 @!p0 $0x1  }
0x2dc: {  	_ =	swait.ge @!p0 [sflag:s0], s1  }
0x2dd: {  	s1 =	ssub.s32 @!p0 $0x0, s1;
	[sflag:s0] =	ssyncset.done @!p0 $0x0  }
0x2de: {  	[sflag:s0] =	ssyncadd.s32 @!p0 s1  }
0x2df: {  	[bflag:$0x3] =	sbarrier.arrive $0xFFFF  }
0x2e0: {  	_ =	shalt  }

</sc_bundles>
